<compile_context>
chip_gen: v7x
topology: tpu7x:2x2x1
jax: 0.10.2.dev20260603
libtpu: 0.0.44.dev20260713+nightly
codegen_flags: <defaults>
</compile_context>

<pallas_src>
import functools

import jax
import jax.numpy as jnp
import numpy as np
from jax import lax
from jax.experimental import pallas as pl
from jax.experimental.pallas import tpu as pltpu
from jax.experimental.pallas import tpu_sc as plsc

N = 50000
E = 800000
H = 128
NB = 64
GW = 32
NGRP = H // GW
NC = 2
NS = 16
GPC = NGRP // NC

CH = 448
CHUNKS = 56
EPT = 2 * CH * CHUNKS
E_PAD = NS * EPT
ACC_ROWS = N + 8
RPT = N // NS

RB = 1000
NBLK = N // RB

def _dot(a, b):
    return jax.lax.dot_general(a, b, (((1,), (0,)), ((), ())),
                               preferred_element_type=jnp.float32)


def _sc_body(htab, srcg, dstp, m, gidx0, gidx1, didx0, didx1,
             rows0, rows1, acc, sem_i, sem_g, sem_s):
    def i32c(x):
        return jnp.int32(x)

    c = lax.axis_index("c")
    s = lax.axis_index("s")
    e0 = s * i32c(EPT)
    r0 = s * i32c(RPT)

    for gi in range(GPC):
        g = c * i32c(GPC) + i32c(gi)
        gcol = g * i32c(GW)
        pltpu.sync_copy(htab.at[pl.ds(g * i32c(N) + r0, RPT)],
                        acc.at[pl.ds(r0, RPT)])
        plsc.subcore_barrier()

        def chunk_body(p, carry):
            b0 = e0 + p * i32c(2 * CH)
            b1 = b0 + i32c(CH)
            ia0 = pltpu.async_copy(srcg.at[g, pl.ds(b0, CH)], gidx0, sem_i)
            ib0 = pltpu.async_copy(dstp.at[pl.ds(b0, CH)], didx0, sem_i)
            ia1 = pltpu.async_copy(srcg.at[g, pl.ds(b1, CH)], gidx1, sem_i)
            ib1 = pltpu.async_copy(dstp.at[pl.ds(b1, CH)], didx1, sem_i)
            ia0.wait()
            ib0.wait()
            dg0 = pltpu.async_copy(htab.at[gidx0], rows0, sem_g)
            ia1.wait()
            ib1.wait()
            dg1 = pltpu.async_copy(htab.at[gidx1], rows1, sem_g)
            dg0.wait()
            ds0 = pltpu.async_copy(rows0, acc.at[didx0], sem_s, add=True)
            dg1.wait()
            ds1 = pltpu.async_copy(rows1, acc.at[didx1], sem_s, add=True)
            ds0.wait()
            ds1.wait()
            return carry

        lax.fori_loop(jnp.int32(0), jnp.int32(CHUNKS), chunk_body, jnp.int32(0))
        plsc.subcore_barrier()
        pltpu.sync_copy(acc.at[pl.ds(r0, RPT)],
                        m.at[pl.ds(g * i32c(N) + r0, RPT)])
        plsc.subcore_barrier()


@functools.cache
def _build_sc_mp():
    return pl.kernel(
        _sc_body,
        out_type=jax.ShapeDtypeStruct((NGRP * N, GW), jnp.float32),
        mesh=plsc.VectorSubcoreMesh(core_axis_name="c", subcore_axis_name="s",
                                    num_cores=NC, num_subcores=NS),
        compiler_params=pltpu.CompilerParams(use_tc_tiling_on_sc=False),
        scratch_types=[
            pltpu.VMEM((CH,), jnp.int32),
            pltpu.VMEM((CH,), jnp.int32),
            pltpu.VMEM((CH,), jnp.int32),
            pltpu.VMEM((CH,), jnp.int32),
            pltpu.VMEM((CH, GW), jnp.float32),
            pltpu.VMEM((CH, GW), jnp.float32),
            pltpu.VMEM_SHARED((ACC_ROWS, GW), jnp.float32),
            pltpu.SemaphoreType.DMA,
            pltpu.SemaphoreType.DMA,
            pltpu.SemaphoreType.DMA,
        ],
    )


def _emit_slab(y_when_g0, oslab_ref, scr_ref):
    gdim = pl.program_id(1)

    @pl.when(gdim == 0)
    def _():
        scr_ref[...] = y_when_g0()

    for g in range(NGRP):
        @pl.when(gdim == g)
        def _():
            oslab_ref[...] = scr_ref[:, g * GW:(g + 1) * GW]


def _inproj_body(x_ref, w_ref, b_ref, oslab_ref, scr_ref):
    _emit_slab(
        lambda: jnp.maximum(_dot(x_ref[...], w_ref[...]) + b_ref[...], 0.0),
        oslab_ref, scr_ref)


def _mlp_slab_body(m0, m1, m2, m3, w1_ref, b1_ref, w2_ref, b2_ref,
                   oslab_ref, scr_ref):
    def compute():
        x = jnp.concatenate([m0[...], m1[...], m2[...], m3[...]], axis=1)
        t = jnp.maximum(_dot(x, w1_ref[...]) + b1_ref[...], 0.0)
        return jnp.maximum(_dot(t, w2_ref[...]) + b2_ref[...], 0.0)

    _emit_slab(compute, oslab_ref, scr_ref)


def _mlp_body(m0, m1, m2, m3, w1_ref, b1_ref, w2_ref, b2_ref, o_ref):
    x = jnp.concatenate([m0[...], m1[...], m2[...], m3[...]], axis=1)
    t = jnp.maximum(_dot(x, w1_ref[...]) + b1_ref[...], 0.0)
    o_ref[...] = jnp.maximum(_dot(t, w2_ref[...]) + b2_ref[...], 0.0)


def _pool_body(h_ref, b_ref, sums_ref, cnt_ref):
    i = pl.program_id(0)
    ids = b_ref[0, 0, :]
    iot = lax.broadcasted_iota(jnp.int32, (NB, RB), 0)
    oh = (ids[None, :] == iot).astype(jnp.float32)
    ps = _dot(oh, h_ref[...])
    pc = jnp.broadcast_to(jnp.sum(oh, axis=1, keepdims=True), (NB, H))

    @pl.when(i == 0)
    def _():
        sums_ref[...] = jnp.zeros_like(sums_ref)
        cnt_ref[...] = jnp.zeros_like(cnt_ref)

    sums_ref[...] += ps
    cnt_ref[...] += pc


def _heads_body(sums_ref, cnt_ref, gf_ref, wfa_ref, wfb_ref, bf_ref,
                w1_ref, b1_ref, w2_ref, b2_ref, o_ref):
    pooled = sums_ref[...] / jnp.maximum(cnt_ref[...], 1.0)
    emb = jnp.maximum(_dot(pooled, wfa_ref[...]) + _dot(gf_ref[...], wfb_ref[...])
                      + bf_ref[...], 0.0)
    hid = jnp.maximum(_dot(emb, w1_ref[...]) + b1_ref[...], 0.0)
    o_ref[...] = _dot(hid, w2_ref[...]) + b2_ref[...]


_Z = np.int32(0)


def _row_blocked(cols):
    return pl.BlockSpec((RB, cols), lambda i: (i, _Z))


def _const(shape):
    nd = len(shape)
    return pl.BlockSpec(shape, lambda i: (_Z,) * nd)


def _row_blocked2(cols):
    return pl.BlockSpec((RB, cols), lambda i, g: (i, _Z))


def _const2(shape):
    nd = len(shape)
    return pl.BlockSpec(shape, lambda i, g: (_Z,) * nd)


_NBLK32 = np.int32(NBLK)
_slab_spec = pl.BlockSpec((RB, GW), lambda i, g: (g * _NBLK32 + i, _Z))
_slab_shape = jax.ShapeDtypeStruct((NGRP * N, GW), jnp.float32)

_inproj = pl.pallas_call(
    _inproj_body,
    grid=(NBLK, NGRP),
    in_specs=[_row_blocked2(8), _const2((8, H)), _const2((1, H))],
    out_specs=_slab_spec,
    out_shape=_slab_shape,
    scratch_shapes=[pltpu.VMEM((RB, H), jnp.float32)],
)

def _mslab_view2(gg):
    off = np.int32(gg * NBLK)
    return pl.BlockSpec((RB, GW), lambda i, g: (off + i, _Z))


def _mslab_view1(gg):
    off = np.int32(gg * NBLK)
    return pl.BlockSpec((RB, GW), lambda i: (off + i, _Z))


_mlp_slab = pl.pallas_call(
    _mlp_slab_body,
    grid=(NBLK, NGRP),
    in_specs=[_mslab_view2(0), _mslab_view2(1), _mslab_view2(2), _mslab_view2(3),
              _const2((H, H)), _const2((1, H)),
              _const2((H, H)), _const2((1, H))],
    out_specs=_slab_spec,
    out_shape=_slab_shape,
    scratch_shapes=[pltpu.VMEM((RB, H), jnp.float32)],
)

_mlp = pl.pallas_call(
    _mlp_body,
    grid=(NBLK,),
    in_specs=[_mslab_view1(0), _mslab_view1(1), _mslab_view1(2), _mslab_view1(3),
              _const((H, H)), _const((1, H)),
              _const((H, H)), _const((1, H))],
    out_specs=_row_blocked(H),
    out_shape=jax.ShapeDtypeStruct((N, H), jnp.float32),
)

_pool = pl.pallas_call(
    _pool_body,
    grid=(NBLK,),
    in_specs=[_row_blocked(H), pl.BlockSpec((1, 1, RB), lambda i: (i, _Z, _Z))],
    out_specs=[_const((NB, H)), _const((NB, H))],
    out_shape=[jax.ShapeDtypeStruct((NB, H), jnp.float32),
               jax.ShapeDtypeStruct((NB, H), jnp.float32)],
)

_heads = pl.pallas_call(
    _heads_body,
    out_shape=jax.ShapeDtypeStruct((NB, 16), jnp.float32),
)


def kernel(node_features, edge_index, global_features, batch,
           W_in, b_in,
           W1_0, b1_0, W2_0, b2_0,
           W1_1, b1_1, W2_1, b2_1,
           W1_2, b1_2, W2_2, b2_2,
           Wf, bf,
           Wd1, bd1, Wd2, bd2,
           Wr1, br1, Wr2, br2,
           Wv1, bv1, Wv2, bv2):
    f32 = jnp.float32
    i32 = jnp.int32
    nf = node_features.astype(f32)
    gf = global_features.astype(f32)

    src = edge_index[0].astype(i32)
    dst = edge_index[1].astype(i32)
    pad = E_PAD - E
    srcg = src[None, :] + (jnp.arange(NGRP, dtype=i32) * N)[:, None]
    srcg = jnp.concatenate([srcg, jnp.zeros((NGRP, pad), i32)], axis=1)
    dstp = jnp.concatenate([dst, jnp.full((pad,), N, i32)])
    batch3 = batch.astype(i32).reshape(NBLK, 1, RB)

    b_in2 = b_in.reshape(1, H).astype(f32)
    wfa = Wf[:H].astype(f32)
    wfb = Wf[H:].astype(f32)
    bf2 = bf.reshape(1, H).astype(f32)
    wh1 = jnp.concatenate([Wd1, Wr1, Wv1], axis=1).astype(f32)
    bh1 = jnp.concatenate([bd1, br1, bv1]).reshape(1, 3 * H).astype(f32)
    w2blk = jnp.zeros((3 * H, 16), f32)
    w2blk = w2blk.at[0:H, 0:6].set(Wd2.astype(f32))
    w2blk = w2blk.at[H:2 * H, 6:15].set(Wr2.astype(f32))
    w2blk = w2blk.at[2 * H:3 * H, 15:16].set(Wv2.astype(f32))
    b2blk = jnp.concatenate([bd2, br2, bv2]).reshape(1, 16).astype(f32)

    htab = _inproj(nf, W_in.astype(f32), b_in2)
    layer_params = ((W1_0, b1_0, W2_0, b2_0),
                    (W1_1, b1_1, W2_1, b2_1),
                    (W1_2, b1_2, W2_2, b2_2))
    for l, (W1, b1, W2, b2) in enumerate(layer_params):
        m = _build_sc_mp()(htab, srcg, dstp)
        args = (m, m, m, m, W1.astype(f32), b1.reshape(1, H).astype(f32),
                W2.astype(f32), b2.reshape(1, H).astype(f32))
        if l < 2:
            htab = _mlp_slab(*args)
        else:
            h = _mlp(*args)

    sums, cnt = _pool(h, batch3)
    out16 = _heads(sums, cnt, gf, wfa, wfb, bf2, wh1, bh1, w2blk, b2blk)
    return out16[:, 0:6], out16[:, 6:15], out16[:, 15:16]

# --- scband reference (transcript-rebuilt; emitter-appended) ---
"""Pipeline reference for scband-actor-critic-29935922053574 (READ-ONLY COPY).

The authoritative reference and input builder live on the scoring server;
editing this copy changes nothing except your own understanding.
"""

import jax, jax.numpy as jnp
import numpy as np
jax.config.update("jax_enable_x64", True)

N = 50000
E = 800000
B = 64
D_IN = 8
G_IN = 4
H = 128


def setup_inputs(seed: int = 0):
    key = jax.random.key(seed)
    ks = jax.random.split(key, 40)

    def p(i, shape):
        return jax.random.normal(ks[i], shape, dtype=jnp.float32) * 0.05

    inp = {}
    inp["node_features"] = jax.random.normal(ks[0], (N, D_IN), dtype=jnp.float32)
    inp["edge_index"] = jax.random.randint(ks[1], (2, E), 0, N, dtype=jnp.int64)
    inp["global_features"] = jax.random.normal(ks[2], (B, G_IN), dtype=jnp.float32)
    inp["batch"] = jnp.sort(jax.random.randint(ks[3], (N,), 0, B, dtype=jnp.int64))
    inp["W_in"] = p(4, (D_IN, H)); inp["b_in"] = p(5, (H,))
    idx = 6
    for l in range(3):
        inp["W1_%d" % l] = p(idx, (H, H)); idx += 1
        inp["b1_%d" % l] = p(idx, (H,)); idx += 1
        inp["W2_%d" % l] = p(idx, (H, H)); idx += 1
        inp["b2_%d" % l] = p(idx, (H,)); idx += 1
    inp["Wf"] = p(idx, (H + G_IN, H)); idx += 1
    inp["bf"] = p(idx, (H,)); idx += 1
    for name, od in (("d", 6), ("r", 9), ("v", 1)):
        inp["W%s1" % name] = p(idx, (H, H)); idx += 1
        inp["b%s1" % name] = p(idx, (H,)); idx += 1
        inp["W%s2" % name] = p(idx, (H, od)); idx += 1
        inp["b%s2" % name] = p(idx, (od,)); idx += 1
    return inp


def _forward(node_features, global_features, edge_index, batch, params):
    (W_in, b_in,
     W1_0, b1_0, W2_0, b2_0,
     W1_1, b1_1, W2_1, b2_1,
     W1_2, b1_2, W2_2, b2_2,
     Wf, bf,
     Wd1, bd1, Wd2, bd2,
     Wr1, br1, Wr2, br2,
     Wv1, bv1, Wv2, bv2) = params
    n = node_features.shape[0]
    nb = global_features.shape[0]
    src = edge_index[0]
    dst = edge_index[1]
    # input projection
    h = jax.nn.relu(node_features @ W_in + b_in)
    # GIN layers: h_i <- MLP((1+eps)*h_i + sum_{j->i} h_j), eps = 0
    for (W1, b1, W2, b2) in ((W1_0, b1_0, W2_0, b2_0),
                             (W1_1, b1_1, W2_1, b2_1),
                             (W1_2, b1_2, W2_2, b2_2)):
        agg = jax.ops.segment_sum(h[src], dst, num_segments=n)
        m = h + agg
        h = jax.nn.relu(jax.nn.relu(m @ W1 + b1) @ W2 + b2)
    # global mean pool per graph
    sums = jax.ops.segment_sum(h, batch, num_segments=nb)
    cnt = jax.ops.segment_sum(jnp.ones((n, 1), h.dtype), batch, num_segments=nb)
    pooled = sums / jnp.maximum(cnt, 1.0)
    # fuse with global features
    emb = jax.nn.relu(jnp.concatenate([pooled, global_features], axis=-1) @ Wf + bf)
    # heads (dropout is identity at inference)
    destroy_logits = jax.nn.relu(emb @ Wd1 + bd1) @ Wd2 + bd2
    repair_logits = jax.nn.relu(emb @ Wr1 + br1) @ Wr2 + br2
    value = jax.nn.relu(emb @ Wv1 + bv1) @ Wv2 + bv2
    return (destroy_logits, repair_logits, value)


def reference(node_features, edge_index, global_features, batch,
              W_in, b_in,
              W1_0, b1_0, W2_0, b2_0,
              W1_1, b1_1, W2_1, b2_1,
              W1_2, b1_2, W2_2, b2_2,
              Wf, bf,
              Wd1, bd1, Wd2, bd2,
              Wr1, br1, Wr2, br2,
              Wv1, bv1, Wv2, bv2):
    params = (W_in, b_in,
              W1_0, b1_0, W2_0, b2_0,
              W1_1, b1_1, W2_1, b2_1,
              W1_2, b1_2, W2_2, b2_2,
              Wf, bf,
              Wd1, bd1, Wd2, bd2,
              Wr1, br1, Wr2, br2,
              Wv1, bv1, Wv2, bv2)
    return _forward(node_features, global_features, edge_index, batch, params)

if __name__ == "__main__":
    import jax
    _d = setup_inputs()
    print(jax.jit(kernel)(*tuple(_d.values())))

</pallas_src>

<mosaic_0001>
#map = affine_map<(d0, d1) -> (0, 0)>
#map1 = affine_map<(d0, d1) -> (0)>
module attributes {stable_mosaic.version = 14 : i64} {
  func.func @_sc_body(%arg0: i32, %arg1: i32, %arg2: memref<200000x32xf32, #tpu.memory_space<hbm>>, %arg3: memref<4x802816xi32, #tpu.memory_space<hbm>>, %arg4: memref<802816xi32, #tpu.memory_space<hbm>>, %arg5: memref<200000x32xf32, #tpu.memory_space<hbm>>, %arg6: memref<448xi32, #tpu.memory_space<vmem>>, %arg7: memref<448xi32, #tpu.memory_space<vmem>>, %arg8: memref<448xi32, #tpu.memory_space<vmem>>, %arg9: memref<448xi32, #tpu.memory_space<vmem>>, %arg10: memref<448x32xf32, #tpu.memory_space<vmem>>, %arg11: memref<448x32xf32, #tpu.memory_space<vmem>>, %arg12: memref<50008x32xf32, #tpu.memory_space<vmem_shared>>, %arg13: memref<!tpu.dma_semaphore, #tpu.memory_space<semaphore_mem>>, %arg14: memref<!tpu.dma_semaphore, #tpu.memory_space<semaphore_mem>>, %arg15: memref<!tpu.dma_semaphore, #tpu.memory_space<semaphore_mem>>) attributes {dimension_semantics = [#tpu.dimension_semantics<core_parallel>, #tpu.dimension_semantics<subcore_parallel>], iteration_bounds = array<i64: 2, 16>, scalar_prefetch = 0 : i64, scratch_operands = 10 : i64, tpu.core_type = #tpu.core_type<sc_vector_subcore>, window_params = [{transform_indices = #map}, {transform_indices = #map}, {transform_indices = #map1}, {transform_indices = #map}]} {
    %mul3A = arith.constant 50176 : i32
    %mul3A_0 = arith.muli %arg1, %mul3A : i32
    %mul3A_1 = arith.constant 3125 : i32
    %mul3A_2 = arith.muli %arg1, %mul3A_1 : i32
    %mul3A_3 = arith.constant 2 : i32
    %mul3A_4 = arith.muli %arg0, %mul3A_3 : i32
    %add3A = arith.constant 0 : i32
    %add3A_5 = arith.addi %mul3A_4, %add3A : i32
    %mul3A_6 = arith.constant 32 : i32
    %mul3A_7 = arith.muli %add3A_5, %mul3A_6 : i32
    %mul3A_8 = arith.constant 50000 : i32
    %mul3A_9 = arith.muli %add3A_5, %mul3A_8 : i32
    %add3A_10 = arith.addi %mul3A_9, %mul3A_2 : i32
    "tpu.region"() ({
      %run_scoped3A = tpu.sem_alloc : memref<!tpu.dma_semaphore, #tpu.memory_space<semaphore_mem>>
      %dma_start3A = arith.constant 0 : i32
      %dma_start3A_52 = tpu.memref_slice %arg12[%mul3A_2, %dma_start3A] : memref<50008x32xf32, #tpu.memory_space<vmem_shared>> -> memref<3125x32xf32, #tpu.memory_space<vmem_shared>>
      %dma_start3A_53 = arith.constant 0 : i32
      %dma_start3A_54 = tpu.memref_slice %arg2[%add3A_10, %dma_start3A_53] : memref<200000x32xf32, #tpu.memory_space<hbm>> -> memref<3125x32xf32, #tpu.memory_space<hbm>>
      tpu.enqueue_dma source(%dma_start3A_54 : memref<3125x32xf32, #tpu.memory_space<hbm>>) target(%dma_start3A_52 : memref<3125x32xf32, #tpu.memory_space<vmem_shared>>) target_semaphore(%run_scoped3A : memref<!tpu.dma_semaphore, #tpu.memory_space<semaphore_mem>>)
      %dma_wait3A = arith.constant 0 : i32
      %dma_wait3A_55 = tpu.memref_slice %arg12[%mul3A_2, %dma_wait3A] : memref<50008x32xf32, #tpu.memory_space<vmem_shared>> -> memref<3125x32xf32, #tpu.memory_space<vmem_shared>>
      %dma_wait3A_56 = arith.constant 0 : i32
      %dma_wait3A_57 = tpu.memref_slice %arg2[%add3A_10, %dma_wait3A_56] : memref<200000x32xf32, #tpu.memory_space<hbm>> -> memref<3125x32xf32, #tpu.memory_space<hbm>>
      tpu.wait_dma2 semaphore(%run_scoped3A : memref<!tpu.dma_semaphore, #tpu.memory_space<semaphore_mem>>) src(%dma_wait3A_57 : memref<3125x32xf32, #tpu.memory_space<hbm>>) dst(%dma_wait3A_55 : memref<3125x32xf32, #tpu.memory_space<vmem_shared>>)
      tpu.yield
    }) : () -> ()
    %barrier3A = arith.constant 0 : index
    tpu.barrier barrier_id(%barrier3A)
    %while3A = arith.constant 0 : i32
    %while3A_11 = arith.constant 0 : i32
    %while3A_12 = arith.constant 56 : i32
    %while3A_13 = arith.subi %while3A_12, %while3A_11 : i32
    %while3A_14 = arith.addi %while3A_11, %while3A_13 : i32
    %while3A_15 = arith.constant 1 : i32
    %while3A_16 = arith.divsi %while3A_13, %while3A_15 : i32
    %while3A_17 = arith.muli %while3A_16, %while3A_15 : i32
    %while3A_18 = arith.addi %while3A_11, %while3A_17 : i32
    %while3A_19 = arith.constant 1 : i32
    scf.for %while3A_52 = %while3A_11 to %while3A_18 step %while3A_19  : i32 {
      %mul3A_53 = arith.constant 896 : i32
      %mul3A_54 = arith.muli %while3A_52, %mul3A_53 : i32
      %add3A_55 = arith.addi %mul3A_0, %mul3A_54 : i32
      %add3A_56 = arith.constant 448 : i32
      %add3A_57 = arith.addi %add3A_55, %add3A_56 : i32
      %dma_start3A = tpu.memref_slice %arg3[%add3A_5, %add3A_55] : memref<4x802816xi32, #tpu.memory_space<hbm>> -> memref<1x448xi32, #tpu.memory_space<hbm>>
      %dma_start3A_58 = tpu.memref_squeeze %dma_start3A : memref<1x448xi32, #tpu.memory_space<hbm>> -> memref<448xi32, #tpu.memory_space<hbm>>
      %dma_start3A_59 = tpu.memref_slice %arg3[%add3A_5, %add3A_55] : memref<4x802816xi32, #tpu.memory_space<hbm>> -> memref<1x448xi32, #tpu.memory_space<hbm>>
      %dma_start3A_60 = tpu.memref_squeeze %dma_start3A_59 : memref<1x448xi32, #tpu.memory_space<hbm>> -> memref<448xi32, #tpu.memory_space<hbm>>
      tpu.enqueue_dma source(%dma_start3A_60 : memref<448xi32, #tpu.memory_space<hbm>>) target(%arg6 : memref<448xi32, #tpu.memory_space<vmem>>) target_semaphore(%arg13 : memref<!tpu.dma_semaphore, #tpu.memory_space<semaphore_mem>>)
      %dma_start3A_61 = tpu.memref_slice %arg4[%add3A_55] : memref<802816xi32, #tpu.memory_space<hbm>> -> memref<448xi32, #tpu.memory_space<hbm>>
      %dma_start3A_62 = tpu.memref_slice %arg4[%add3A_55] : memref<802816xi32, #tpu.memory_space<hbm>> -> memref<448xi32, #tpu.memory_space<hbm>>
      tpu.enqueue_dma source(%dma_start3A_62 : memref<448xi32, #tpu.memory_space<hbm>>) target(%arg8 : memref<448xi32, #tpu.memory_space<vmem>>) target_semaphore(%arg13 : memref<!tpu.dma_semaphore, #tpu.memory_space<semaphore_mem>>)
      %dma_start3A_63 = tpu.memref_slice %arg3[%add3A_5, %add3A_57] : memref<4x802816xi32, #tpu.memory_space<hbm>> -> memref<1x448xi32, #tpu.memory_space<hbm>>
      %dma_start3A_64 = tpu.memref_squeeze %dma_start3A_63 : memref<1x448xi32, #tpu.memory_space<hbm>> -> memref<448xi32, #tpu.memory_space<hbm>>
      %dma_start3A_65 = tpu.memref_slice %arg3[%add3A_5, %add3A_57] : memref<4x802816xi32, #tpu.memory_space<hbm>> -> memref<1x448xi32, #tpu.memory_space<hbm>>
      %dma_start3A_66 = tpu.memref_squeeze %dma_start3A_65 : memref<1x448xi32, #tpu.memory_space<hbm>> -> memref<448xi32, #tpu.memory_space<hbm>>
      tpu.enqueue_dma source(%dma_start3A_66 : memref<448xi32, #tpu.memory_space<hbm>>) target(%arg7 : memref<448xi32, #tpu.memory_space<vmem>>) target_semaphore(%arg13 : memref<!tpu.dma_semaphore, #tpu.memory_space<semaphore_mem>>)
      %dma_start3A_67 = tpu.memref_slice %arg4[%add3A_57] : memref<802816xi32, #tpu.memory_space<hbm>> -> memref<448xi32, #tpu.memory_space<hbm>>
      %dma_start3A_68 = tpu.memref_slice %arg4[%add3A_57] : memref<802816xi32, #tpu.memory_space<hbm>> -> memref<448xi32, #tpu.memory_space<hbm>>
      tpu.enqueue_dma source(%dma_start3A_68 : memref<448xi32, #tpu.memory_space<hbm>>) target(%arg9 : memref<448xi32, #tpu.memory_space<vmem>>) target_semaphore(%arg13 : memref<!tpu.dma_semaphore, #tpu.memory_space<semaphore_mem>>)
      %dma_wait3A = tpu.memref_slice %arg3[%add3A_5, %add3A_55] : memref<4x802816xi32, #tpu.memory_space<hbm>> -> memref<1x448xi32, #tpu.memory_space<hbm>>
      %dma_wait3A_69 = tpu.memref_squeeze %dma_wait3A : memref<1x448xi32, #tpu.memory_space<hbm>> -> memref<448xi32, #tpu.memory_space<hbm>>
      %dma_wait3A_70 = tpu.memref_slice %arg3[%add3A_5, %add3A_55] : memref<4x802816xi32, #tpu.memory_space<hbm>> -> memref<1x448xi32, #tpu.memory_space<hbm>>
      %dma_wait3A_71 = tpu.memref_squeeze %dma_wait3A_70 : memref<1x448xi32, #tpu.memory_space<hbm>> -> memref<448xi32, #tpu.memory_space<hbm>>
      tpu.wait_dma2 semaphore(%arg13 : memref<!tpu.dma_semaphore, #tpu.memory_space<semaphore_mem>>) src(%dma_wait3A_71 : memref<448xi32, #tpu.memory_space<hbm>>) dst(%arg6 : memref<448xi32, #tpu.memory_space<vmem>>)
      %dma_wait3A_72 = tpu.memref_slice %arg4[%add3A_55] : memref<802816xi32, #tpu.memory_space<hbm>> -> memref<448xi32, #tpu.memory_space<hbm>>
      %dma_wait3A_73 = tpu.memref_slice %arg4[%add3A_55] : memref<802816xi32, #tpu.memory_space<hbm>> -> memref<448xi32, #tpu.memory_space<hbm>>
      tpu.wait_dma2 semaphore(%arg13 : memref<!tpu.dma_semaphore, #tpu.memory_space<semaphore_mem>>) src(%dma_wait3A_73 : memref<448xi32, #tpu.memory_space<hbm>>) dst(%arg8 : memref<448xi32, #tpu.memory_space<vmem>>)
      %dma_start3A_74 = arith.constant 0 : i32
      %dma_start3A_75 = arith.constant 0 : i32
      %dma_start3A_76 = tpu.memref_slice %arg2[%dma_start3A_74, %dma_start3A_75] : memref<200000x32xf32, #tpu.memory_space<hbm>> -> memref<200000x32xf32, #tpu.memory_space<hbm>>
      tpu.enqueue_indirect_dma source(%dma_start3A_76 : memref<200000x32xf32, #tpu.memory_space<hbm>>) target(%arg10 : memref<448x32xf32, #tpu.memory_space<vmem>>) offsets(%arg6 : memref<448xi32, #tpu.memory_space<vmem>>) semaphore(%arg14 : memref<!tpu.dma_semaphore, #tpu.memory_space<semaphore_mem>>)
      %dma_wait3A_77 = tpu.memref_slice %arg3[%add3A_5, %add3A_57] : memref<4x802816xi32, #tpu.memory_space<hbm>> -> memref<1x448xi32, #tpu.memory_space<hbm>>
      %dma_wait3A_78 = tpu.memref_squeeze %dma_wait3A_77 : memref<1x448xi32, #tpu.memory_space<hbm>> -> memref<448xi32, #tpu.memory_space<hbm>>
      %dma_wait3A_79 = tpu.memref_slice %arg3[%add3A_5, %add3A_57] : memref<4x802816xi32, #tpu.memory_space<hbm>> -> memref<1x448xi32, #tpu.memory_space<hbm>>
      %dma_wait3A_80 = tpu.memref_squeeze %dma_wait3A_79 : memref<1x448xi32, #tpu.memory_space<hbm>> -> memref<448xi32, #tpu.memory_space<hbm>>
      tpu.wait_dma2 semaphore(%arg13 : memref<!tpu.dma_semaphore, #tpu.memory_space<semaphore_mem>>) src(%dma_wait3A_80 : memref<448xi32, #tpu.memory_space<hbm>>) dst(%arg7 : memref<448xi32, #tpu.memory_space<vmem>>)
      %dma_wait3A_81 = tpu.memref_slice %arg4[%add3A_57] : memref<802816xi32, #tpu.memory_space<hbm>> -> memref<448xi32, #tpu.memory_space<hbm>>
      %dma_wait3A_82 = tpu.memref_slice %arg4[%add3A_57] : memref<802816xi32, #tpu.memory_space<hbm>> -> memref<448xi32, #tpu.memory_space<hbm>>
      tpu.wait_dma2 semaphore(%arg13 : memref<!tpu.dma_semaphore, #tpu.memory_space<semaphore_mem>>) src(%dma_wait3A_82 : memref<448xi32, #tpu.memory_space<hbm>>) dst(%arg9 : memref<448xi32, #tpu.memory_space<vmem>>)
      %dma_start3A_83 = arith.constant 0 : i32
      %dma_start3A_84 = arith.constant 0 : i32
      %dma_start3A_85 = tpu.memref_slice %arg2[%dma_start3A_83, %dma_start3A_84] : memref<200000x32xf32, #tpu.memory_space<hbm>> -> memref<200000x32xf32, #tpu.memory_space<hbm>>
      tpu.enqueue_indirect_dma source(%dma_start3A_85 : memref<200000x32xf32, #tpu.memory_space<hbm>>) target(%arg11 : memref<448x32xf32, #tpu.memory_space<vmem>>) offsets(%arg7 : memref<448xi32, #tpu.memory_space<vmem>>) semaphore(%arg14 : memref<!tpu.dma_semaphore, #tpu.memory_space<semaphore_mem>>)
      %dma_wait3A_86 = arith.constant 0 : i32
      %dma_wait3A_87 = arith.constant 0 : i32
      %dma_wait3A_88 = tpu.memref_slice %arg2[%dma_wait3A_86, %dma_wait3A_87] : memref<200000x32xf32, #tpu.memory_space<hbm>> -> memref<200000x32xf32, #tpu.memory_space<hbm>>
      tpu.wait_indirect_dma semaphore(%arg14 : memref<!tpu.dma_semaphore, #tpu.memory_space<semaphore_mem>>) src(%dma_wait3A_88 : memref<200000x32xf32, #tpu.memory_space<hbm>>) dst(%arg10 : memref<448x32xf32, #tpu.memory_space<vmem>>)
      %dma_start3A_89 = arith.constant 0 : i32
      %dma_start3A_90 = arith.constant 0 : i32
      %dma_start3A_91 = tpu.memref_slice %arg12[%dma_start3A_89, %dma_start3A_90] : memref<50008x32xf32, #tpu.memory_space<vmem_shared>> -> memref<50008x32xf32, #tpu.memory_space<vmem_shared>>
      tpu.enqueue_indirect_dma source(%arg10 : memref<448x32xf32, #tpu.memory_space<vmem>>) target(%dma_start3A_91 : memref<50008x32xf32, #tpu.memory_space<vmem_shared>>) offsets(%arg8 : memref<448xi32, #tpu.memory_space<vmem>>) semaphore(%arg15 : memref<!tpu.dma_semaphore, #tpu.memory_space<semaphore_mem>>) {add = true}
      %dma_wait3A_92 = arith.constant 0 : i32
      %dma_wait3A_93 = arith.constant 0 : i32
      %dma_wait3A_94 = tpu.memref_slice %arg2[%dma_wait3A_92, %dma_wait3A_93] : memref<200000x32xf32, #tpu.memory_space<hbm>> -> memref<200000x32xf32, #tpu.memory_space<hbm>>
      tpu.wait_indirect_dma semaphore(%arg14 : memref<!tpu.dma_semaphore, #tpu.memory_space<semaphore_mem>>) src(%dma_wait3A_94 : memref<200000x32xf32, #tpu.memory_space<hbm>>) dst(%arg11 : memref<448x32xf32, #tpu.memory_space<vmem>>)
      %dma_start3A_95 = arith.constant 0 : i32
      %dma_start3A_96 = arith.constant 0 : i32
      %dma_start3A_97 = tpu.memref_slice %arg12[%dma_start3A_95, %dma_start3A_96] : memref<50008x32xf32, #tpu.memory_space<vmem_shared>> -> memref<50008x32xf32, #tpu.memory_space<vmem_shared>>
      tpu.enqueue_indirect_dma source(%arg11 : memref<448x32xf32, #tpu.memory_space<vmem>>) target(%dma_start3A_97 : memref<50008x32xf32, #tpu.memory_space<vmem_shared>>) offsets(%arg9 : memref<448xi32, #tpu.memory_space<vmem>>) semaphore(%arg15 : memref<!tpu.dma_semaphore, #tpu.memory_space<semaphore_mem>>) {add = true}
      %dma_wait3A_98 = arith.constant 0 : i32
      %dma_wait3A_99 = arith.constant 0 : i32
      %dma_wait3A_100 = tpu.memref_slice %arg12[%dma_wait3A_98, %dma_wait3A_99] : memref<50008x32xf32, #tpu.memory_space<vmem_shared>> -> memref<50008x32xf32, #tpu.memory_space<vmem_shared>>
      tpu.wait_indirect_dma semaphore(%arg15 : memref<!tpu.dma_semaphore, #tpu.memory_space<semaphore_mem>>) src(%arg10 : memref<448x32xf32, #tpu.memory_space<vmem>>) dst(%dma_wait3A_100 : memref<50008x32xf32, #tpu.memory_space<vmem_shared>>)
      %dma_wait3A_101 = arith.constant 0 : i32
      %dma_wait3A_102 = arith.constant 0 : i32
      %dma_wait3A_103 = tpu.memref_slice %arg12[%dma_wait3A_101, %dma_wait3A_102] : memref<50008x32xf32, #tpu.memory_space<vmem_shared>> -> memref<50008x32xf32, #tpu.memory_space<vmem_shared>>
      tpu.wait_indirect_dma semaphore(%arg15 : memref<!tpu.dma_semaphore, #tpu.memory_space<semaphore_mem>>) src(%arg11 : memref<448x32xf32, #tpu.memory_space<vmem>>) dst(%dma_wait3A_103 : memref<50008x32xf32, #tpu.memory_space<vmem_shared>>)
    }
    %while3A_20 = arith.constant 1 : i32
    scf.for %while3A_52 = %while3A_18 to %while3A_14 step %while3A_20  : i32 {
      %mul3A_53 = arith.constant 896 : i32
      %mul3A_54 = arith.muli %while3A_52, %mul3A_53 : i32
      %add3A_55 = arith.addi %mul3A_0, %mul3A_54 : i32
      %add3A_56 = arith.constant 448 : i32
      %add3A_57 = arith.addi %add3A_55, %add3A_56 : i32
      %dma_start3A = tpu.memref_slice %arg3[%add3A_5, %add3A_55] : memref<4x802816xi32, #tpu.memory_space<hbm>> -> memref<1x448xi32, #tpu.memory_space<hbm>>
      %dma_start3A_58 = tpu.memref_squeeze %dma_start3A : memref<1x448xi32, #tpu.memory_space<hbm>> -> memref<448xi32, #tpu.memory_space<hbm>>
      %dma_start3A_59 = tpu.memref_slice %arg3[%add3A_5, %add3A_55] : memref<4x802816xi32, #tpu.memory_space<hbm>> -> memref<1x448xi32, #tpu.memory_space<hbm>>
      %dma_start3A_60 = tpu.memref_squeeze %dma_start3A_59 : memref<1x448xi32, #tpu.memory_space<hbm>> -> memref<448xi32, #tpu.memory_space<hbm>>
      tpu.enqueue_dma source(%dma_start3A_60 : memref<448xi32, #tpu.memory_space<hbm>>) target(%arg6 : memref<448xi32, #tpu.memory_space<vmem>>) target_semaphore(%arg13 : memref<!tpu.dma_semaphore, #tpu.memory_space<semaphore_mem>>)
      %dma_start3A_61 = tpu.memref_slice %arg4[%add3A_55] : memref<802816xi32, #tpu.memory_space<hbm>> -> memref<448xi32, #tpu.memory_space<hbm>>
      %dma_start3A_62 = tpu.memref_slice %arg4[%add3A_55] : memref<802816xi32, #tpu.memory_space<hbm>> -> memref<448xi32, #tpu.memory_space<hbm>>
      tpu.enqueue_dma source(%dma_start3A_62 : memref<448xi32, #tpu.memory_space<hbm>>) target(%arg8 : memref<448xi32, #tpu.memory_space<vmem>>) target_semaphore(%arg13 : memref<!tpu.dma_semaphore, #tpu.memory_space<semaphore_mem>>)
      %dma_start3A_63 = tpu.memref_slice %arg3[%add3A_5, %add3A_57] : memref<4x802816xi32, #tpu.memory_space<hbm>> -> memref<1x448xi32, #tpu.memory_space<hbm>>
      %dma_start3A_64 = tpu.memref_squeeze %dma_start3A_63 : memref<1x448xi32, #tpu.memory_space<hbm>> -> memref<448xi32, #tpu.memory_space<hbm>>
      %dma_start3A_65 = tpu.memref_slice %arg3[%add3A_5, %add3A_57] : memref<4x802816xi32, #tpu.memory_space<hbm>> -> memref<1x448xi32, #tpu.memory_space<hbm>>
      %dma_start3A_66 = tpu.memref_squeeze %dma_start3A_65 : memref<1x448xi32, #tpu.memory_space<hbm>> -> memref<448xi32, #tpu.memory_space<hbm>>
      tpu.enqueue_dma source(%dma_start3A_66 : memref<448xi32, #tpu.memory_space<hbm>>) target(%arg7 : memref<448xi32, #tpu.memory_space<vmem>>) target_semaphore(%arg13 : memref<!tpu.dma_semaphore, #tpu.memory_space<semaphore_mem>>)
      %dma_start3A_67 = tpu.memref_slice %arg4[%add3A_57] : memref<802816xi32, #tpu.memory_space<hbm>> -> memref<448xi32, #tpu.memory_space<hbm>>
      %dma_start3A_68 = tpu.memref_slice %arg4[%add3A_57] : memref<802816xi32, #tpu.memory_space<hbm>> -> memref<448xi32, #tpu.memory_space<hbm>>
      tpu.enqueue_dma source(%dma_start3A_68 : memref<448xi32, #tpu.memory_space<hbm>>) target(%arg9 : memref<448xi32, #tpu.memory_space<vmem>>) target_semaphore(%arg13 : memref<!tpu.dma_semaphore, #tpu.memory_space<semaphore_mem>>)
      %dma_wait3A = tpu.memref_slice %arg3[%add3A_5, %add3A_55] : memref<4x802816xi32, #tpu.memory_space<hbm>> -> memref<1x448xi32, #tpu.memory_space<hbm>>
      %dma_wait3A_69 = tpu.memref_squeeze %dma_wait3A : memref<1x448xi32, #tpu.memory_space<hbm>> -> memref<448xi32, #tpu.memory_space<hbm>>
      %dma_wait3A_70 = tpu.memref_slice %arg3[%add3A_5, %add3A_55] : memref<4x802816xi32, #tpu.memory_space<hbm>> -> memref<1x448xi32, #tpu.memory_space<hbm>>
      %dma_wait3A_71 = tpu.memref_squeeze %dma_wait3A_70 : memref<1x448xi32, #tpu.memory_space<hbm>> -> memref<448xi32, #tpu.memory_space<hbm>>
      tpu.wait_dma2 semaphore(%arg13 : memref<!tpu.dma_semaphore, #tpu.memory_space<semaphore_mem>>) src(%dma_wait3A_71 : memref<448xi32, #tpu.memory_space<hbm>>) dst(%arg6 : memref<448xi32, #tpu.memory_space<vmem>>)
      %dma_wait3A_72 = tpu.memref_slice %arg4[%add3A_55] : memref<802816xi32, #tpu.memory_space<hbm>> -> memref<448xi32, #tpu.memory_space<hbm>>
      %dma_wait3A_73 = tpu.memref_slice %arg4[%add3A_55] : memref<802816xi32, #tpu.memory_space<hbm>> -> memref<448xi32, #tpu.memory_space<hbm>>
      tpu.wait_dma2 semaphore(%arg13 : memref<!tpu.dma_semaphore, #tpu.memory_space<semaphore_mem>>) src(%dma_wait3A_73 : memref<448xi32, #tpu.memory_space<hbm>>) dst(%arg8 : memref<448xi32, #tpu.memory_space<vmem>>)
      %dma_start3A_74 = arith.constant 0 : i32
      %dma_start3A_75 = arith.constant 0 : i32
      %dma_start3A_76 = tpu.memref_slice %arg2[%dma_start3A_74, %dma_start3A_75] : memref<200000x32xf32, #tpu.memory_space<hbm>> -> memref<200000x32xf32, #tpu.memory_space<hbm>>
      tpu.enqueue_indirect_dma source(%dma_start3A_76 : memref<200000x32xf32, #tpu.memory_space<hbm>>) target(%arg10 : memref<448x32xf32, #tpu.memory_space<vmem>>) offsets(%arg6 : memref<448xi32, #tpu.memory_space<vmem>>) semaphore(%arg14 : memref<!tpu.dma_semaphore, #tpu.memory_space<semaphore_mem>>)
      %dma_wait3A_77 = tpu.memref_slice %arg3[%add3A_5, %add3A_57] : memref<4x802816xi32, #tpu.memory_space<hbm>> -> memref<1x448xi32, #tpu.memory_space<hbm>>
      %dma_wait3A_78 = tpu.memref_squeeze %dma_wait3A_77 : memref<1x448xi32, #tpu.memory_space<hbm>> -> memref<448xi32, #tpu.memory_space<hbm>>
      %dma_wait3A_79 = tpu.memref_slice %arg3[%add3A_5, %add3A_57] : memref<4x802816xi32, #tpu.memory_space<hbm>> -> memref<1x448xi32, #tpu.memory_space<hbm>>
      %dma_wait3A_80 = tpu.memref_squeeze %dma_wait3A_79 : memref<1x448xi32, #tpu.memory_space<hbm>> -> memref<448xi32, #tpu.memory_space<hbm>>
      tpu.wait_dma2 semaphore(%arg13 : memref<!tpu.dma_semaphore, #tpu.memory_space<semaphore_mem>>) src(%dma_wait3A_80 : memref<448xi32, #tpu.memory_space<hbm>>) dst(%arg7 : memref<448xi32, #tpu.memory_space<vmem>>)
      %dma_wait3A_81 = tpu.memref_slice %arg4[%add3A_57] : memref<802816xi32, #tpu.memory_space<hbm>> -> memref<448xi32, #tpu.memory_space<hbm>>
      %dma_wait3A_82 = tpu.memref_slice %arg4[%add3A_57] : memref<802816xi32, #tpu.memory_space<hbm>> -> memref<448xi32, #tpu.memory_space<hbm>>
      tpu.wait_dma2 semaphore(%arg13 : memref<!tpu.dma_semaphore, #tpu.memory_space<semaphore_mem>>) src(%dma_wait3A_82 : memref<448xi32, #tpu.memory_space<hbm>>) dst(%arg9 : memref<448xi32, #tpu.memory_space<vmem>>)
      %dma_start3A_83 = arith.constant 0 : i32
      %dma_start3A_84 = arith.constant 0 : i32
      %dma_start3A_85 = tpu.memref_slice %arg2[%dma_start3A_83, %dma_start3A_84] : memref<200000x32xf32, #tpu.memory_space<hbm>> -> memref<200000x32xf32, #tpu.memory_space<hbm>>
      tpu.enqueue_indirect_dma source(%dma_start3A_85 : memref<200000x32xf32, #tpu.memory_space<hbm>>) target(%arg11 : memref<448x32xf32, #tpu.memory_space<vmem>>) offsets(%arg7 : memref<448xi32, #tpu.memory_space<vmem>>) semaphore(%arg14 : memref<!tpu.dma_semaphore, #tpu.memory_space<semaphore_mem>>)
      %dma_wait3A_86 = arith.constant 0 : i32
      %dma_wait3A_87 = arith.constant 0 : i32
      %dma_wait3A_88 = tpu.memref_slice %arg2[%dma_wait3A_86, %dma_wait3A_87] : memref<200000x32xf32, #tpu.memory_space<hbm>> -> memref<200000x32xf32, #tpu.memory_space<hbm>>
      tpu.wait_indirect_dma semaphore(%arg14 : memref<!tpu.dma_semaphore, #tpu.memory_space<semaphore_mem>>) src(%dma_wait3A_88 : memref<200000x32xf32, #tpu.memory_space<hbm>>) dst(%arg10 : memref<448x32xf32, #tpu.memory_space<vmem>>)
      %dma_start3A_89 = arith.constant 0 : i32
      %dma_start3A_90 = arith.constant 0 : i32
      %dma_start3A_91 = tpu.memref_slice %arg12[%dma_start3A_89, %dma_start3A_90] : memref<50008x32xf32, #tpu.memory_space<vmem_shared>> -> memref<50008x32xf32, #tpu.memory_space<vmem_shared>>
      tpu.enqueue_indirect_dma source(%arg10 : memref<448x32xf32, #tpu.memory_space<vmem>>) target(%dma_start3A_91 : memref<50008x32xf32, #tpu.memory_space<vmem_shared>>) offsets(%arg8 : memref<448xi32, #tpu.memory_space<vmem>>) semaphore(%arg15 : memref<!tpu.dma_semaphore, #tpu.memory_space<semaphore_mem>>) {add = true}
      %dma_wait3A_92 = arith.constant 0 : i32
      %dma_wait3A_93 = arith.constant 0 : i32
      %dma_wait3A_94 = tpu.memref_slice %arg2[%dma_wait3A_92, %dma_wait3A_93] : memref<200000x32xf32, #tpu.memory_space<hbm>> -> memref<200000x32xf32, #tpu.memory_space<hbm>>
      tpu.wait_indirect_dma semaphore(%arg14 : memref<!tpu.dma_semaphore, #tpu.memory_space<semaphore_mem>>) src(%dma_wait3A_94 : memref<200000x32xf32, #tpu.memory_space<hbm>>) dst(%arg11 : memref<448x32xf32, #tpu.memory_space<vmem>>)
      %dma_start3A_95 = arith.constant 0 : i32
      %dma_start3A_96 = arith.constant 0 : i32
      %dma_start3A_97 = tpu.memref_slice %arg12[%dma_start3A_95, %dma_start3A_96] : memref<50008x32xf32, #tpu.memory_space<vmem_shared>> -> memref<50008x32xf32, #tpu.memory_space<vmem_shared>>
      tpu.enqueue_indirect_dma source(%arg11 : memref<448x32xf32, #tpu.memory_space<vmem>>) target(%dma_start3A_97 : memref<50008x32xf32, #tpu.memory_space<vmem_shared>>) offsets(%arg9 : memref<448xi32, #tpu.memory_space<vmem>>) semaphore(%arg15 : memref<!tpu.dma_semaphore, #tpu.memory_space<semaphore_mem>>) {add = true}
      %dma_wait3A_98 = arith.constant 0 : i32
      %dma_wait3A_99 = arith.constant 0 : i32
      %dma_wait3A_100 = tpu.memref_slice %arg12[%dma_wait3A_98, %dma_wait3A_99] : memref<50008x32xf32, #tpu.memory_space<vmem_shared>> -> memref<50008x32xf32, #tpu.memory_space<vmem_shared>>
      tpu.wait_indirect_dma semaphore(%arg15 : memref<!tpu.dma_semaphore, #tpu.memory_space<semaphore_mem>>) src(%arg10 : memref<448x32xf32, #tpu.memory_space<vmem>>) dst(%dma_wait3A_100 : memref<50008x32xf32, #tpu.memory_space<vmem_shared>>)
      %dma_wait3A_101 = arith.constant 0 : i32
      %dma_wait3A_102 = arith.constant 0 : i32
      %dma_wait3A_103 = tpu.memref_slice %arg12[%dma_wait3A_101, %dma_wait3A_102] : memref<50008x32xf32, #tpu.memory_space<vmem_shared>> -> memref<50008x32xf32, #tpu.memory_space<vmem_shared>>
      tpu.wait_indirect_dma semaphore(%arg15 : memref<!tpu.dma_semaphore, #tpu.memory_space<semaphore_mem>>) src(%arg11 : memref<448x32xf32, #tpu.memory_space<vmem>>) dst(%dma_wait3A_103 : memref<50008x32xf32, #tpu.memory_space<vmem_shared>>)
    }
    %barrier3A_21 = arith.constant 0 : index
    tpu.barrier barrier_id(%barrier3A_21)
    %mul3A_22 = arith.constant 50000 : i32
    %mul3A_23 = arith.muli %add3A_5, %mul3A_22 : i32
    %add3A_24 = arith.addi %mul3A_23, %mul3A_2 : i32
    "tpu.region"() ({
      %run_scoped3A = tpu.sem_alloc : memref<!tpu.dma_semaphore, #tpu.memory_space<semaphore_mem>>
      %dma_start3A = arith.constant 0 : i32
      %dma_start3A_52 = tpu.memref_slice %arg5[%add3A_24, %dma_start3A] : memref<200000x32xf32, #tpu.memory_space<hbm>> -> memref<3125x32xf32, #tpu.memory_space<hbm>>
      %dma_start3A_53 = arith.constant 0 : i32
      %dma_start3A_54 = tpu.memref_slice %arg12[%mul3A_2, %dma_start3A_53] : memref<50008x32xf32, #tpu.memory_space<vmem_shared>> -> memref<3125x32xf32, #tpu.memory_space<vmem_shared>>
      tpu.enqueue_dma source(%dma_start3A_54 : memref<3125x32xf32, #tpu.memory_space<vmem_shared>>) target(%dma_start3A_52 : memref<3125x32xf32, #tpu.memory_space<hbm>>) target_semaphore(%run_scoped3A : memref<!tpu.dma_semaphore, #tpu.memory_space<semaphore_mem>>)
      %dma_wait3A = arith.constant 0 : i32
      %dma_wait3A_55 = tpu.memref_slice %arg5[%add3A_24, %dma_wait3A] : memref<200000x32xf32, #tpu.memory_space<hbm>> -> memref<3125x32xf32, #tpu.memory_space<hbm>>
      %dma_wait3A_56 = arith.constant 0 : i32
      %dma_wait3A_57 = tpu.memref_slice %arg12[%mul3A_2, %dma_wait3A_56] : memref<50008x32xf32, #tpu.memory_space<vmem_shared>> -> memref<3125x32xf32, #tpu.memory_space<vmem_shared>>
      tpu.wait_dma2 semaphore(%run_scoped3A : memref<!tpu.dma_semaphore, #tpu.memory_space<semaphore_mem>>) src(%dma_wait3A_57 : memref<3125x32xf32, #tpu.memory_space<vmem_shared>>) dst(%dma_wait3A_55 : memref<3125x32xf32, #tpu.memory_space<hbm>>)
      tpu.yield
    }) : () -> ()
    %barrier3A_25 = arith.constant 0 : index
    tpu.barrier barrier_id(%barrier3A_25)
    %mul3A_26 = arith.constant 2 : i32
    %mul3A_27 = arith.muli %arg0, %mul3A_26 : i32
    %add3A_28 = arith.constant 1 : i32
    %add3A_29 = arith.addi %mul3A_27, %add3A_28 : i32
    %mul3A_30 = arith.constant 32 : i32
    %mul3A_31 = arith.muli %add3A_29, %mul3A_30 : i32
    %mul3A_32 = arith.constant 50000 : i32
    %mul3A_33 = arith.muli %add3A_29, %mul3A_32 : i32
    %add3A_34 = arith.addi %mul3A_33, %mul3A_2 : i32
    "tpu.region"() ({
      %run_scoped3A = tpu.sem_alloc : memref<!tpu.dma_semaphore, #tpu.memory_space<semaphore_mem>>
      %dma_start3A = arith.constant 0 : i32
      %dma_start3A_52 = tpu.memref_slice %arg12[%mul3A_2, %dma_start3A] : memref<50008x32xf32, #tpu.memory_space<vmem_shared>> -> memref<3125x32xf32, #tpu.memory_space<vmem_shared>>
      %dma_start3A_53 = arith.constant 0 : i32
      %dma_start3A_54 = tpu.memref_slice %arg2[%add3A_34, %dma_start3A_53] : memref<200000x32xf32, #tpu.memory_space<hbm>> -> memref<3125x32xf32, #tpu.memory_space<hbm>>
      tpu.enqueue_dma source(%dma_start3A_54 : memref<3125x32xf32, #tpu.memory_space<hbm>>) target(%dma_start3A_52 : memref<3125x32xf32, #tpu.memory_space<vmem_shared>>) target_semaphore(%run_scoped3A : memref<!tpu.dma_semaphore, #tpu.memory_space<semaphore_mem>>)
      %dma_wait3A = arith.constant 0 : i32
      %dma_wait3A_55 = tpu.memref_slice %arg12[%mul3A_2, %dma_wait3A] : memref<50008x32xf32, #tpu.memory_space<vmem_shared>> -> memref<3125x32xf32, #tpu.memory_space<vmem_shared>>
      %dma_wait3A_56 = arith.constant 0 : i32
      %dma_wait3A_57 = tpu.memref_slice %arg2[%add3A_34, %dma_wait3A_56] : memref<200000x32xf32, #tpu.memory_space<hbm>> -> memref<3125x32xf32, #tpu.memory_space<hbm>>
      tpu.wait_dma2 semaphore(%run_scoped3A : memref<!tpu.dma_semaphore, #tpu.memory_space<semaphore_mem>>) src(%dma_wait3A_57 : memref<3125x32xf32, #tpu.memory_space<hbm>>) dst(%dma_wait3A_55 : memref<3125x32xf32, #tpu.memory_space<vmem_shared>>)
      tpu.yield
    }) : () -> ()
    %barrier3A_35 = arith.constant 0 : index
    tpu.barrier barrier_id(%barrier3A_35)
    %while3A_36 = arith.constant 0 : i32
    %while3A_37 = arith.constant 0 : i32
    %while3A_38 = arith.constant 56 : i32
    %while3A_39 = arith.subi %while3A_38, %while3A_37 : i32
    %while3A_40 = arith.addi %while3A_37, %while3A_39 : i32
    %while3A_41 = arith.constant 1 : i32
    %while3A_42 = arith.divsi %while3A_39, %while3A_41 : i32
    %while3A_43 = arith.muli %while3A_42, %while3A_41 : i32
    %while3A_44 = arith.addi %while3A_37, %while3A_43 : i32
    %while3A_45 = arith.constant 1 : i32
    scf.for %while3A_52 = %while3A_37 to %while3A_44 step %while3A_45  : i32 {
      %mul3A_53 = arith.constant 896 : i32
      %mul3A_54 = arith.muli %while3A_52, %mul3A_53 : i32
      %add3A_55 = arith.addi %mul3A_0, %mul3A_54 : i32
      %add3A_56 = arith.constant 448 : i32
      %add3A_57 = arith.addi %add3A_55, %add3A_56 : i32
      %dma_start3A = tpu.memref_slice %arg3[%add3A_29, %add3A_55] : memref<4x802816xi32, #tpu.memory_space<hbm>> -> memref<1x448xi32, #tpu.memory_space<hbm>>
      %dma_start3A_58 = tpu.memref_squeeze %dma_start3A : memref<1x448xi32, #tpu.memory_space<hbm>> -> memref<448xi32, #tpu.memory_space<hbm>>
      %dma_start3A_59 = tpu.memref_slice %arg3[%add3A_29, %add3A_55] : memref<4x802816xi32, #tpu.memory_space<hbm>> -> memref<1x448xi32, #tpu.memory_space<hbm>>
      %dma_start3A_60 = tpu.memref_squeeze %dma_start3A_59 : memref<1x448xi32, #tpu.memory_space<hbm>> -> memref<448xi32, #tpu.memory_space<hbm>>
      tpu.enqueue_dma source(%dma_start3A_60 : memref<448xi32, #tpu.memory_space<hbm>>) target(%arg6 : memref<448xi32, #tpu.memory_space<vmem>>) target_semaphore(%arg13 : memref<!tpu.dma_semaphore, #tpu.memory_space<semaphore_mem>>)
      %dma_start3A_61 = tpu.memref_slice %arg4[%add3A_55] : memref<802816xi32, #tpu.memory_space<hbm>> -> memref<448xi32, #tpu.memory_space<hbm>>
      %dma_start3A_62 = tpu.memref_slice %arg4[%add3A_55] : memref<802816xi32, #tpu.memory_space<hbm>> -> memref<448xi32, #tpu.memory_space<hbm>>
      tpu.enqueue_dma source(%dma_start3A_62 : memref<448xi32, #tpu.memory_space<hbm>>) target(%arg8 : memref<448xi32, #tpu.memory_space<vmem>>) target_semaphore(%arg13 : memref<!tpu.dma_semaphore, #tpu.memory_space<semaphore_mem>>)
      %dma_start3A_63 = tpu.memref_slice %arg3[%add3A_29, %add3A_57] : memref<4x802816xi32, #tpu.memory_space<hbm>> -> memref<1x448xi32, #tpu.memory_space<hbm>>
      %dma_start3A_64 = tpu.memref_squeeze %dma_start3A_63 : memref<1x448xi32, #tpu.memory_space<hbm>> -> memref<448xi32, #tpu.memory_space<hbm>>
      %dma_start3A_65 = tpu.memref_slice %arg3[%add3A_29, %add3A_57] : memref<4x802816xi32, #tpu.memory_space<hbm>> -> memref<1x448xi32, #tpu.memory_space<hbm>>
      %dma_start3A_66 = tpu.memref_squeeze %dma_start3A_65 : memref<1x448xi32, #tpu.memory_space<hbm>> -> memref<448xi32, #tpu.memory_space<hbm>>
      tpu.enqueue_dma source(%dma_start3A_66 : memref<448xi32, #tpu.memory_space<hbm>>) target(%arg7 : memref<448xi32, #tpu.memory_space<vmem>>) target_semaphore(%arg13 : memref<!tpu.dma_semaphore, #tpu.memory_space<semaphore_mem>>)
      %dma_start3A_67 = tpu.memref_slice %arg4[%add3A_57] : memref<802816xi32, #tpu.memory_space<hbm>> -> memref<448xi32, #tpu.memory_space<hbm>>
      %dma_start3A_68 = tpu.memref_slice %arg4[%add3A_57] : memref<802816xi32, #tpu.memory_space<hbm>> -> memref<448xi32, #tpu.memory_space<hbm>>
      tpu.enqueue_dma source(%dma_start3A_68 : memref<448xi32, #tpu.memory_space<hbm>>) target(%arg9 : memref<448xi32, #tpu.memory_space<vmem>>) target_semaphore(%arg13 : memref<!tpu.dma_semaphore, #tpu.memory_space<semaphore_mem>>)
      %dma_wait3A = tpu.memref_slice %arg3[%add3A_29, %add3A_55] : memref<4x802816xi32, #tpu.memory_space<hbm>> -> memref<1x448xi32, #tpu.memory_space<hbm>>
      %dma_wait3A_69 = tpu.memref_squeeze %dma_wait3A : memref<1x448xi32, #tpu.memory_space<hbm>> -> memref<448xi32, #tpu.memory_space<hbm>>
      %dma_wait3A_70 = tpu.memref_slice %arg3[%add3A_29, %add3A_55] : memref<4x802816xi32, #tpu.memory_space<hbm>> -> memref<1x448xi32, #tpu.memory_space<hbm>>
      %dma_wait3A_71 = tpu.memref_squeeze %dma_wait3A_70 : memref<1x448xi32, #tpu.memory_space<hbm>> -> memref<448xi32, #tpu.memory_space<hbm>>
      tpu.wait_dma2 semaphore(%arg13 : memref<!tpu.dma_semaphore, #tpu.memory_space<semaphore_mem>>) src(%dma_wait3A_71 : memref<448xi32, #tpu.memory_space<hbm>>) dst(%arg6 : memref<448xi32, #tpu.memory_space<vmem>>)
      %dma_wait3A_72 = tpu.memref_slice %arg4[%add3A_55] : memref<802816xi32, #tpu.memory_space<hbm>> -> memref<448xi32, #tpu.memory_space<hbm>>
      %dma_wait3A_73 = tpu.memref_slice %arg4[%add3A_55] : memref<802816xi32, #tpu.memory_space<hbm>> -> memref<448xi32, #tpu.memory_space<hbm>>
      tpu.wait_dma2 semaphore(%arg13 : memref<!tpu.dma_semaphore, #tpu.memory_space<semaphore_mem>>) src(%dma_wait3A_73 : memref<448xi32, #tpu.memory_space<hbm>>) dst(%arg8 : memref<448xi32, #tpu.memory_space<vmem>>)
      %dma_start3A_74 = arith.constant 0 : i32
      %dma_start3A_75 = arith.constant 0 : i32
      %dma_start3A_76 = tpu.memref_slice %arg2[%dma_start3A_74, %dma_start3A_75] : memref<200000x32xf32, #tpu.memory_space<hbm>> -> memref<200000x32xf32, #tpu.memory_space<hbm>>
      tpu.enqueue_indirect_dma source(%dma_start3A_76 : memref<200000x32xf32, #tpu.memory_space<hbm>>) target(%arg10 : memref<448x32xf32, #tpu.memory_space<vmem>>) offsets(%arg6 : memref<448xi32, #tpu.memory_space<vmem>>) semaphore(%arg14 : memref<!tpu.dma_semaphore, #tpu.memory_space<semaphore_mem>>)
      %dma_wait3A_77 = tpu.memref_slice %arg3[%add3A_29, %add3A_57] : memref<4x802816xi32, #tpu.memory_space<hbm>> -> memref<1x448xi32, #tpu.memory_space<hbm>>
      %dma_wait3A_78 = tpu.memref_squeeze %dma_wait3A_77 : memref<1x448xi32, #tpu.memory_space<hbm>> -> memref<448xi32, #tpu.memory_space<hbm>>
      %dma_wait3A_79 = tpu.memref_slice %arg3[%add3A_29, %add3A_57] : memref<4x802816xi32, #tpu.memory_space<hbm>> -> memref<1x448xi32, #tpu.memory_space<hbm>>
      %dma_wait3A_80 = tpu.memref_squeeze %dma_wait3A_79 : memref<1x448xi32, #tpu.memory_space<hbm>> -> memref<448xi32, #tpu.memory_space<hbm>>
      tpu.wait_dma2 semaphore(%arg13 : memref<!tpu.dma_semaphore, #tpu.memory_space<semaphore_mem>>) src(%dma_wait3A_80 : memref<448xi32, #tpu.memory_space<hbm>>) dst(%arg7 : memref<448xi32, #tpu.memory_space<vmem>>)
      %dma_wait3A_81 = tpu.memref_slice %arg4[%add3A_57] : memref<802816xi32, #tpu.memory_space<hbm>> -> memref<448xi32, #tpu.memory_space<hbm>>
      %dma_wait3A_82 = tpu.memref_slice %arg4[%add3A_57] : memref<802816xi32, #tpu.memory_space<hbm>> -> memref<448xi32, #tpu.memory_space<hbm>>
      tpu.wait_dma2 semaphore(%arg13 : memref<!tpu.dma_semaphore, #tpu.memory_space<semaphore_mem>>) src(%dma_wait3A_82 : memref<448xi32, #tpu.memory_space<hbm>>) dst(%arg9 : memref<448xi32, #tpu.memory_space<vmem>>)
      %dma_start3A_83 = arith.constant 0 : i32
      %dma_start3A_84 = arith.constant 0 : i32
      %dma_start3A_85 = tpu.memref_slice %arg2[%dma_start3A_83, %dma_start3A_84] : memref<200000x32xf32, #tpu.memory_space<hbm>> -> memref<200000x32xf32, #tpu.memory_space<hbm>>
      tpu.enqueue_indirect_dma source(%dma_start3A_85 : memref<200000x32xf32, #tpu.memory_space<hbm>>) target(%arg11 : memref<448x32xf32, #tpu.memory_space<vmem>>) offsets(%arg7 : memref<448xi32, #tpu.memory_space<vmem>>) semaphore(%arg14 : memref<!tpu.dma_semaphore, #tpu.memory_space<semaphore_mem>>)
      %dma_wait3A_86 = arith.constant 0 : i32
      %dma_wait3A_87 = arith.constant 0 : i32
      %dma_wait3A_88 = tpu.memref_slice %arg2[%dma_wait3A_86, %dma_wait3A_87] : memref<200000x32xf32, #tpu.memory_space<hbm>> -> memref<200000x32xf32, #tpu.memory_space<hbm>>
      tpu.wait_indirect_dma semaphore(%arg14 : memref<!tpu.dma_semaphore, #tpu.memory_space<semaphore_mem>>) src(%dma_wait3A_88 : memref<200000x32xf32, #tpu.memory_space<hbm>>) dst(%arg10 : memref<448x32xf32, #tpu.memory_space<vmem>>)
      %dma_start3A_89 = arith.constant 0 : i32
      %dma_start3A_90 = arith.constant 0 : i32
      %dma_start3A_91 = tpu.memref_slice %arg12[%dma_start3A_89, %dma_start3A_90] : memref<50008x32xf32, #tpu.memory_space<vmem_shared>> -> memref<50008x32xf32, #tpu.memory_space<vmem_shared>>
      tpu.enqueue_indirect_dma source(%arg10 : memref<448x32xf32, #tpu.memory_space<vmem>>) target(%dma_start3A_91 : memref<50008x32xf32, #tpu.memory_space<vmem_shared>>) offsets(%arg8 : memref<448xi32, #tpu.memory_space<vmem>>) semaphore(%arg15 : memref<!tpu.dma_semaphore, #tpu.memory_space<semaphore_mem>>) {add = true}
      %dma_wait3A_92 = arith.constant 0 : i32
      %dma_wait3A_93 = arith.constant 0 : i32
      %dma_wait3A_94 = tpu.memref_slice %arg2[%dma_wait3A_92, %dma_wait3A_93] : memref<200000x32xf32, #tpu.memory_space<hbm>> -> memref<200000x32xf32, #tpu.memory_space<hbm>>
      tpu.wait_indirect_dma semaphore(%arg14 : memref<!tpu.dma_semaphore, #tpu.memory_space<semaphore_mem>>) src(%dma_wait3A_94 : memref<200000x32xf32, #tpu.memory_space<hbm>>) dst(%arg11 : memref<448x32xf32, #tpu.memory_space<vmem>>)
      %dma_start3A_95 = arith.constant 0 : i32
      %dma_start3A_96 = arith.constant 0 : i32
      %dma_start3A_97 = tpu.memref_slice %arg12[%dma_start3A_95, %dma_start3A_96] : memref<50008x32xf32, #tpu.memory_space<vmem_shared>> -> memref<50008x32xf32, #tpu.memory_space<vmem_shared>>
      tpu.enqueue_indirect_dma source(%arg11 : memref<448x32xf32, #tpu.memory_space<vmem>>) target(%dma_start3A_97 : memref<50008x32xf32, #tpu.memory_space<vmem_shared>>) offsets(%arg9 : memref<448xi32, #tpu.memory_space<vmem>>) semaphore(%arg15 : memref<!tpu.dma_semaphore, #tpu.memory_space<semaphore_mem>>) {add = true}
      %dma_wait3A_98 = arith.constant 0 : i32
      %dma_wait3A_99 = arith.constant 0 : i32
      %dma_wait3A_100 = tpu.memref_slice %arg12[%dma_wait3A_98, %dma_wait3A_99] : memref<50008x32xf32, #tpu.memory_space<vmem_shared>> -> memref<50008x32xf32, #tpu.memory_space<vmem_shared>>
      tpu.wait_indirect_dma semaphore(%arg15 : memref<!tpu.dma_semaphore, #tpu.memory_space<semaphore_mem>>) src(%arg10 : memref<448x32xf32, #tpu.memory_space<vmem>>) dst(%dma_wait3A_100 : memref<50008x32xf32, #tpu.memory_space<vmem_shared>>)
      %dma_wait3A_101 = arith.constant 0 : i32
      %dma_wait3A_102 = arith.constant 0 : i32
      %dma_wait3A_103 = tpu.memref_slice %arg12[%dma_wait3A_101, %dma_wait3A_102] : memref<50008x32xf32, #tpu.memory_space<vmem_shared>> -> memref<50008x32xf32, #tpu.memory_space<vmem_shared>>
      tpu.wait_indirect_dma semaphore(%arg15 : memref<!tpu.dma_semaphore, #tpu.memory_space<semaphore_mem>>) src(%arg11 : memref<448x32xf32, #tpu.memory_space<vmem>>) dst(%dma_wait3A_103 : memref<50008x32xf32, #tpu.memory_space<vmem_shared>>)
    }
    %while3A_46 = arith.constant 1 : i32
    scf.for %while3A_52 = %while3A_44 to %while3A_40 step %while3A_46  : i32 {
      %mul3A_53 = arith.constant 896 : i32
      %mul3A_54 = arith.muli %while3A_52, %mul3A_53 : i32
      %add3A_55 = arith.addi %mul3A_0, %mul3A_54 : i32
      %add3A_56 = arith.constant 448 : i32
      %add3A_57 = arith.addi %add3A_55, %add3A_56 : i32
      %dma_start3A = tpu.memref_slice %arg3[%add3A_29, %add3A_55] : memref<4x802816xi32, #tpu.memory_space<hbm>> -> memref<1x448xi32, #tpu.memory_space<hbm>>
      %dma_start3A_58 = tpu.memref_squeeze %dma_start3A : memref<1x448xi32, #tpu.memory_space<hbm>> -> memref<448xi32, #tpu.memory_space<hbm>>
      %dma_start3A_59 = tpu.memref_slice %arg3[%add3A_29, %add3A_55] : memref<4x802816xi32, #tpu.memory_space<hbm>> -> memref<1x448xi32, #tpu.memory_space<hbm>>
      %dma_start3A_60 = tpu.memref_squeeze %dma_start3A_59 : memref<1x448xi32, #tpu.memory_space<hbm>> -> memref<448xi32, #tpu.memory_space<hbm>>
      tpu.enqueue_dma source(%dma_start3A_60 : memref<448xi32, #tpu.memory_space<hbm>>) target(%arg6 : memref<448xi32, #tpu.memory_space<vmem>>) target_semaphore(%arg13 : memref<!tpu.dma_semaphore, #tpu.memory_space<semaphore_mem>>)
      %dma_start3A_61 = tpu.memref_slice %arg4[%add3A_55] : memref<802816xi32, #tpu.memory_space<hbm>> -> memref<448xi32, #tpu.memory_space<hbm>>
      %dma_start3A_62 = tpu.memref_slice %arg4[%add3A_55] : memref<802816xi32, #tpu.memory_space<hbm>> -> memref<448xi32, #tpu.memory_space<hbm>>
      tpu.enqueue_dma source(%dma_start3A_62 : memref<448xi32, #tpu.memory_space<hbm>>) target(%arg8 : memref<448xi32, #tpu.memory_space<vmem>>) target_semaphore(%arg13 : memref<!tpu.dma_semaphore, #tpu.memory_space<semaphore_mem>>)
      %dma_start3A_63 = tpu.memref_slice %arg3[%add3A_29, %add3A_57] : memref<4x802816xi32, #tpu.memory_space<hbm>> -> memref<1x448xi32, #tpu.memory_space<hbm>>
      %dma_start3A_64 = tpu.memref_squeeze %dma_start3A_63 : memref<1x448xi32, #tpu.memory_space<hbm>> -> memref<448xi32, #tpu.memory_space<hbm>>
      %dma_start3A_65 = tpu.memref_slice %arg3[%add3A_29, %add3A_57] : memref<4x802816xi32, #tpu.memory_space<hbm>> -> memref<1x448xi32, #tpu.memory_space<hbm>>
      %dma_start3A_66 = tpu.memref_squeeze %dma_start3A_65 : memref<1x448xi32, #tpu.memory_space<hbm>> -> memref<448xi32, #tpu.memory_space<hbm>>
      tpu.enqueue_dma source(%dma_start3A_66 : memref<448xi32, #tpu.memory_space<hbm>>) target(%arg7 : memref<448xi32, #tpu.memory_space<vmem>>) target_semaphore(%arg13 : memref<!tpu.dma_semaphore, #tpu.memory_space<semaphore_mem>>)
      %dma_start3A_67 = tpu.memref_slice %arg4[%add3A_57] : memref<802816xi32, #tpu.memory_space<hbm>> -> memref<448xi32, #tpu.memory_space<hbm>>
      %dma_start3A_68 = tpu.memref_slice %arg4[%add3A_57] : memref<802816xi32, #tpu.memory_space<hbm>> -> memref<448xi32, #tpu.memory_space<hbm>>
      tpu.enqueue_dma source(%dma_start3A_68 : memref<448xi32, #tpu.memory_space<hbm>>) target(%arg9 : memref<448xi32, #tpu.memory_space<vmem>>) target_semaphore(%arg13 : memref<!tpu.dma_semaphore, #tpu.memory_space<semaphore_mem>>)
      %dma_wait3A = tpu.memref_slice %arg3[%add3A_29, %add3A_55] : memref<4x802816xi32, #tpu.memory_space<hbm>> -> memref<1x448xi32, #tpu.memory_space<hbm>>
      %dma_wait3A_69 = tpu.memref_squeeze %dma_wait3A : memref<1x448xi32, #tpu.memory_space<hbm>> -> memref<448xi32, #tpu.memory_space<hbm>>
      %dma_wait3A_70 = tpu.memref_slice %arg3[%add3A_29, %add3A_55] : memref<4x802816xi32, #tpu.memory_space<hbm>> -> memref<1x448xi32, #tpu.memory_space<hbm>>
      %dma_wait3A_71 = tpu.memref_squeeze %dma_wait3A_70 : memref<1x448xi32, #tpu.memory_space<hbm>> -> memref<448xi32, #tpu.memory_space<hbm>>
      tpu.wait_dma2 semaphore(%arg13 : memref<!tpu.dma_semaphore, #tpu.memory_space<semaphore_mem>>) src(%dma_wait3A_71 : memref<448xi32, #tpu.memory_space<hbm>>) dst(%arg6 : memref<448xi32, #tpu.memory_space<vmem>>)
      %dma_wait3A_72 = tpu.memref_slice %arg4[%add3A_55] : memref<802816xi32, #tpu.memory_space<hbm>> -> memref<448xi32, #tpu.memory_space<hbm>>
      %dma_wait3A_73 = tpu.memref_slice %arg4[%add3A_55] : memref<802816xi32, #tpu.memory_space<hbm>> -> memref<448xi32, #tpu.memory_space<hbm>>
      tpu.wait_dma2 semaphore(%arg13 : memref<!tpu.dma_semaphore, #tpu.memory_space<semaphore_mem>>) src(%dma_wait3A_73 : memref<448xi32, #tpu.memory_space<hbm>>) dst(%arg8 : memref<448xi32, #tpu.memory_space<vmem>>)
      %dma_start3A_74 = arith.constant 0 : i32
      %dma_start3A_75 = arith.constant 0 : i32
      %dma_start3A_76 = tpu.memref_slice %arg2[%dma_start3A_74, %dma_start3A_75] : memref<200000x32xf32, #tpu.memory_space<hbm>> -> memref<200000x32xf32, #tpu.memory_space<hbm>>
      tpu.enqueue_indirect_dma source(%dma_start3A_76 : memref<200000x32xf32, #tpu.memory_space<hbm>>) target(%arg10 : memref<448x32xf32, #tpu.memory_space<vmem>>) offsets(%arg6 : memref<448xi32, #tpu.memory_space<vmem>>) semaphore(%arg14 : memref<!tpu.dma_semaphore, #tpu.memory_space<semaphore_mem>>)
      %dma_wait3A_77 = tpu.memref_slice %arg3[%add3A_29, %add3A_57] : memref<4x802816xi32, #tpu.memory_space<hbm>> -> memref<1x448xi32, #tpu.memory_space<hbm>>
      %dma_wait3A_78 = tpu.memref_squeeze %dma_wait3A_77 : memref<1x448xi32, #tpu.memory_space<hbm>> -> memref<448xi32, #tpu.memory_space<hbm>>
      %dma_wait3A_79 = tpu.memref_slice %arg3[%add3A_29, %add3A_57] : memref<4x802816xi32, #tpu.memory_space<hbm>> -> memref<1x448xi32, #tpu.memory_space<hbm>>
      %dma_wait3A_80 = tpu.memref_squeeze %dma_wait3A_79 : memref<1x448xi32, #tpu.memory_space<hbm>> -> memref<448xi32, #tpu.memory_space<hbm>>
      tpu.wait_dma2 semaphore(%arg13 : memref<!tpu.dma_semaphore, #tpu.memory_space<semaphore_mem>>) src(%dma_wait3A_80 : memref<448xi32, #tpu.memory_space<hbm>>) dst(%arg7 : memref<448xi32, #tpu.memory_space<vmem>>)
      %dma_wait3A_81 = tpu.memref_slice %arg4[%add3A_57] : memref<802816xi32, #tpu.memory_space<hbm>> -> memref<448xi32, #tpu.memory_space<hbm>>
      %dma_wait3A_82 = tpu.memref_slice %arg4[%add3A_57] : memref<802816xi32, #tpu.memory_space<hbm>> -> memref<448xi32, #tpu.memory_space<hbm>>
      tpu.wait_dma2 semaphore(%arg13 : memref<!tpu.dma_semaphore, #tpu.memory_space<semaphore_mem>>) src(%dma_wait3A_82 : memref<448xi32, #tpu.memory_space<hbm>>) dst(%arg9 : memref<448xi32, #tpu.memory_space<vmem>>)
      %dma_start3A_83 = arith.constant 0 : i32
      %dma_start3A_84 = arith.constant 0 : i32
      %dma_start3A_85 = tpu.memref_slice %arg2[%dma_start3A_83, %dma_start3A_84] : memref<200000x32xf32, #tpu.memory_space<hbm>> -> memref<200000x32xf32, #tpu.memory_space<hbm>>
      tpu.enqueue_indirect_dma source(%dma_start3A_85 : memref<200000x32xf32, #tpu.memory_space<hbm>>) target(%arg11 : memref<448x32xf32, #tpu.memory_space<vmem>>) offsets(%arg7 : memref<448xi32, #tpu.memory_space<vmem>>) semaphore(%arg14 : memref<!tpu.dma_semaphore, #tpu.memory_space<semaphore_mem>>)
      %dma_wait3A_86 = arith.constant 0 : i32
      %dma_wait3A_87 = arith.constant 0 : i32
      %dma_wait3A_88 = tpu.memref_slice %arg2[%dma_wait3A_86, %dma_wait3A_87] : memref<200000x32xf32, #tpu.memory_space<hbm>> -> memref<200000x32xf32, #tpu.memory_space<hbm>>
      tpu.wait_indirect_dma semaphore(%arg14 : memref<!tpu.dma_semaphore, #tpu.memory_space<semaphore_mem>>) src(%dma_wait3A_88 : memref<200000x32xf32, #tpu.memory_space<hbm>>) dst(%arg10 : memref<448x32xf32, #tpu.memory_space<vmem>>)
      %dma_start3A_89 = arith.constant 0 : i32
      %dma_start3A_90 = arith.constant 0 : i32
      %dma_start3A_91 = tpu.memref_slice %arg12[%dma_start3A_89, %dma_start3A_90] : memref<50008x32xf32, #tpu.memory_space<vmem_shared>> -> memref<50008x32xf32, #tpu.memory_space<vmem_shared>>
      tpu.enqueue_indirect_dma source(%arg10 : memref<448x32xf32, #tpu.memory_space<vmem>>) target(%dma_start3A_91 : memref<50008x32xf32, #tpu.memory_space<vmem_shared>>) offsets(%arg8 : memref<448xi32, #tpu.memory_space<vmem>>) semaphore(%arg15 : memref<!tpu.dma_semaphore, #tpu.memory_space<semaphore_mem>>) {add = true}
      %dma_wait3A_92 = arith.constant 0 : i32
      %dma_wait3A_93 = arith.constant 0 : i32
      %dma_wait3A_94 = tpu.memref_slice %arg2[%dma_wait3A_92, %dma_wait3A_93] : memref<200000x32xf32, #tpu.memory_space<hbm>> -> memref<200000x32xf32, #tpu.memory_space<hbm>>
      tpu.wait_indirect_dma semaphore(%arg14 : memref<!tpu.dma_semaphore, #tpu.memory_space<semaphore_mem>>) src(%dma_wait3A_94 : memref<200000x32xf32, #tpu.memory_space<hbm>>) dst(%arg11 : memref<448x32xf32, #tpu.memory_space<vmem>>)
      %dma_start3A_95 = arith.constant 0 : i32
      %dma_start3A_96 = arith.constant 0 : i32
      %dma_start3A_97 = tpu.memref_slice %arg12[%dma_start3A_95, %dma_start3A_96] : memref<50008x32xf32, #tpu.memory_space<vmem_shared>> -> memref<50008x32xf32, #tpu.memory_space<vmem_shared>>
      tpu.enqueue_indirect_dma source(%arg11 : memref<448x32xf32, #tpu.memory_space<vmem>>) target(%dma_start3A_97 : memref<50008x32xf32, #tpu.memory_space<vmem_shared>>) offsets(%arg9 : memref<448xi32, #tpu.memory_space<vmem>>) semaphore(%arg15 : memref<!tpu.dma_semaphore, #tpu.memory_space<semaphore_mem>>) {add = true}
      %dma_wait3A_98 = arith.constant 0 : i32
      %dma_wait3A_99 = arith.constant 0 : i32
      %dma_wait3A_100 = tpu.memref_slice %arg12[%dma_wait3A_98, %dma_wait3A_99] : memref<50008x32xf32, #tpu.memory_space<vmem_shared>> -> memref<50008x32xf32, #tpu.memory_space<vmem_shared>>
      tpu.wait_indirect_dma semaphore(%arg15 : memref<!tpu.dma_semaphore, #tpu.memory_space<semaphore_mem>>) src(%arg10 : memref<448x32xf32, #tpu.memory_space<vmem>>) dst(%dma_wait3A_100 : memref<50008x32xf32, #tpu.memory_space<vmem_shared>>)
      %dma_wait3A_101 = arith.constant 0 : i32
      %dma_wait3A_102 = arith.constant 0 : i32
      %dma_wait3A_103 = tpu.memref_slice %arg12[%dma_wait3A_101, %dma_wait3A_102] : memref<50008x32xf32, #tpu.memory_space<vmem_shared>> -> memref<50008x32xf32, #tpu.memory_space<vmem_shared>>
      tpu.wait_indirect_dma semaphore(%arg15 : memref<!tpu.dma_semaphore, #tpu.memory_space<semaphore_mem>>) src(%arg11 : memref<448x32xf32, #tpu.memory_space<vmem>>) dst(%dma_wait3A_103 : memref<50008x32xf32, #tpu.memory_space<vmem_shared>>)
    }
    %barrier3A_47 = arith.constant 0 : index
    tpu.barrier barrier_id(%barrier3A_47)
    %mul3A_48 = arith.constant 50000 : i32
    %mul3A_49 = arith.muli %add3A_29, %mul3A_48 : i32
    %add3A_50 = arith.addi %mul3A_49, %mul3A_2 : i32
    "tpu.region"() ({
      %run_scoped3A = tpu.sem_alloc : memref<!tpu.dma_semaphore, #tpu.memory_space<semaphore_mem>>
      %dma_start3A = arith.constant 0 : i32
      %dma_start3A_52 = tpu.memref_slice %arg5[%add3A_50, %dma_start3A] : memref<200000x32xf32, #tpu.memory_space<hbm>> -> memref<3125x32xf32, #tpu.memory_space<hbm>>
      %dma_start3A_53 = arith.constant 0 : i32
      %dma_start3A_54 = tpu.memref_slice %arg12[%mul3A_2, %dma_start3A_53] : memref<50008x32xf32, #tpu.memory_space<vmem_shared>> -> memref<3125x32xf32, #tpu.memory_space<vmem_shared>>
      tpu.enqueue_dma source(%dma_start3A_54 : memref<3125x32xf32, #tpu.memory_space<vmem_shared>>) target(%dma_start3A_52 : memref<3125x32xf32, #tpu.memory_space<hbm>>) target_semaphore(%run_scoped3A : memref<!tpu.dma_semaphore, #tpu.memory_space<semaphore_mem>>)
      %dma_wait3A = arith.constant 0 : i32
      %dma_wait3A_55 = tpu.memref_slice %arg5[%add3A_50, %dma_wait3A] : memref<200000x32xf32, #tpu.memory_space<hbm>> -> memref<3125x32xf32, #tpu.memory_space<hbm>>
      %dma_wait3A_56 = arith.constant 0 : i32
      %dma_wait3A_57 = tpu.memref_slice %arg12[%mul3A_2, %dma_wait3A_56] : memref<50008x32xf32, #tpu.memory_space<vmem_shared>> -> memref<3125x32xf32, #tpu.memory_space<vmem_shared>>
      tpu.wait_dma2 semaphore(%run_scoped3A : memref<!tpu.dma_semaphore, #tpu.memory_space<semaphore_mem>>) src(%dma_wait3A_57 : memref<3125x32xf32, #tpu.memory_space<vmem_shared>>) dst(%dma_wait3A_55 : memref<3125x32xf32, #tpu.memory_space<hbm>>)
      tpu.yield
    }) : () -> ()
    %barrier3A_51 = arith.constant 0 : index
    tpu.barrier barrier_id(%barrier3A_51)
    return
  }
}

#map = affine_map<(d0, d1) -> (0, 0)>
#map1 = affine_map<(d0, d1) -> (0)>
module attributes {stable_mosaic.version = 14 : i64} {
  func.func @_sc_body(%arg0: i32, %arg1: i32, %arg2: memref<200000x32xf32, #tpu.memory_space<hbm>>, %arg3: memref<4x802816xi32, #tpu.memory_space<hbm>>, %arg4: memref<802816xi32, #tpu.memory_space<hbm>>, %arg5: memref<200000x32xf32, #tpu.memory_space<hbm>>, %arg6: memref<448xi32, #tpu.memory_space<vmem>>, %arg7: memref<448xi32, #tpu.memory_space<vmem>>, %arg8: memref<448xi32, #tpu.memory_space<vmem>>, %arg9: memref<448xi32, #tpu.memory_space<vmem>>, %arg10: memref<448x32xf32, #tpu.memory_space<vmem>>, %arg11: memref<448x32xf32, #tpu.memory_space<vmem>>, %arg12: memref<50008x32xf32, #tpu.memory_space<vmem_shared>>, %arg13: memref<!tpu.dma_semaphore, #tpu.memory_space<semaphore_mem>>, %arg14: memref<!tpu.dma_semaphore, #tpu.memory_space<semaphore_mem>>, %arg15: memref<!tpu.dma_semaphore, #tpu.memory_space<semaphore_mem>>) attributes {dimension_semantics = [#tpu.dimension_semantics<core_parallel>, #tpu.dimension_semantics<subcore_parallel>], iteration_bounds = array<i64: 2, 16>, scalar_prefetch = 0 : i64, scratch_operands = 10 : i64, tpu.core_type = #tpu.core_type<sc_vector_subcore>, window_params = [{transform_indices = #map}, {transform_indices = #map}, {transform_indices = #map1}, {transform_indices = #map}]} {
    %mul3A = arith.constant 50176 : i32
    %mul3A_0 = arith.muli %arg1, %mul3A : i32
    %mul3A_1 = arith.constant 3125 : i32
    %mul3A_2 = arith.muli %arg1, %mul3A_1 : i32
    %mul3A_3 = arith.constant 2 : i32
    %mul3A_4 = arith.muli %arg0, %mul3A_3 : i32
    %add3A = arith.constant 0 : i32
    %add3A_5 = arith.addi %mul3A_4, %add3A : i32
    %mul3A_6 = arith.constant 32 : i32
    %mul3A_7 = arith.muli %add3A_5, %mul3A_6 : i32
    %mul3A_8 = arith.constant 50000 : i32
    %mul3A_9 = arith.muli %add3A_5, %mul3A_8 : i32
    %add3A_10 = arith.addi %mul3A_9, %mul3A_2 : i32
    "tpu.region"() ({
      %run_scoped3A = tpu.sem_alloc : memref<!tpu.dma_semaphore, #tpu.memory_space<semaphore_mem>>
      %dma_start3A = arith.constant 0 : i32
      %dma_start3A_52 = tpu.memref_slice %arg12[%mul3A_2, %dma_start3A] : memref<50008x32xf32, #tpu.memory_space<vmem_shared>> -> memref<3125x32xf32, #tpu.memory_space<vmem_shared>>
      %dma_start3A_53 = arith.constant 0 : i32
      %dma_start3A_54 = tpu.memref_slice %arg2[%add3A_10, %dma_start3A_53] : memref<200000x32xf32, #tpu.memory_space<hbm>> -> memref<3125x32xf32, #tpu.memory_space<hbm>>
      tpu.enqueue_dma source(%dma_start3A_54 : memref<3125x32xf32, #tpu.memory_space<hbm>>) target(%dma_start3A_52 : memref<3125x32xf32, #tpu.memory_space<vmem_shared>>) target_semaphore(%run_scoped3A : memref<!tpu.dma_semaphore, #tpu.memory_space<semaphore_mem>>)
      %dma_wait3A = arith.constant 0 : i32
      %dma_wait3A_55 = tpu.memref_slice %arg12[%mul3A_2, %dma_wait3A] : memref<50008x32xf32, #tpu.memory_space<vmem_shared>> -> memref<3125x32xf32, #tpu.memory_space<vmem_shared>>
      %dma_wait3A_56 = arith.constant 0 : i32
      %dma_wait3A_57 = tpu.memref_slice %arg2[%add3A_10, %dma_wait3A_56] : memref<200000x32xf32, #tpu.memory_space<hbm>> -> memref<3125x32xf32, #tpu.memory_space<hbm>>
      tpu.wait_dma2 semaphore(%run_scoped3A : memref<!tpu.dma_semaphore, #tpu.memory_space<semaphore_mem>>) src(%dma_wait3A_57 : memref<3125x32xf32, #tpu.memory_space<hbm>>) dst(%dma_wait3A_55 : memref<3125x32xf32, #tpu.memory_space<vmem_shared>>)
      tpu.yield
    }) : () -> ()
    %barrier3A = arith.constant 0 : index
    tpu.barrier barrier_id(%barrier3A)
    %while3A = arith.constant 0 : i32
    %while3A_11 = arith.constant 0 : i32
    %while3A_12 = arith.constant 56 : i32
    %while3A_13 = arith.subi %while3A_12, %while3A_11 : i32
    %while3A_14 = arith.addi %while3A_11, %while3A_13 : i32
    %while3A_15 = arith.constant 1 : i32
    %while3A_16 = arith.divsi %while3A_13, %while3A_15 : i32
    %while3A_17 = arith.muli %while3A_16, %while3A_15 : i32
    %while3A_18 = arith.addi %while3A_11, %while3A_17 : i32
    %while3A_19 = arith.constant 1 : i32
    scf.for %while3A_52 = %while3A_11 to %while3A_18 step %while3A_19  : i32 {
      %mul3A_53 = arith.constant 896 : i32
      %mul3A_54 = arith.muli %while3A_52, %mul3A_53 : i32
      %add3A_55 = arith.addi %mul3A_0, %mul3A_54 : i32
      %add3A_56 = arith.constant 448 : i32
      %add3A_57 = arith.addi %add3A_55, %add3A_56 : i32
      %dma_start3A = tpu.memref_slice %arg3[%add3A_5, %add3A_55] : memref<4x802816xi32, #tpu.memory_space<hbm>> -> memref<1x448xi32, #tpu.memory_space<hbm>>
      %dma_start3A_58 = tpu.memref_squeeze %dma_start3A : memref<1x448xi32, #tpu.memory_space<hbm>> -> memref<448xi32, #tpu.memory_space<hbm>>
      %dma_start3A_59 = tpu.memref_slice %arg3[%add3A_5, %add3A_55] : memref<4x802816xi32, #tpu.memory_space<hbm>> -> memref<1x448xi32, #tpu.memory_space<hbm>>
      %dma_start3A_60 = tpu.memref_squeeze %dma_start3A_59 : memref<1x448xi32, #tpu.memory_space<hbm>> -> memref<448xi32, #tpu.memory_space<hbm>>
      tpu.enqueue_dma source(%dma_start3A_60 : memref<448xi32, #tpu.memory_space<hbm>>) target(%arg6 : memref<448xi32, #tpu.memory_space<vmem>>) target_semaphore(%arg13 : memref<!tpu.dma_semaphore, #tpu.memory_space<semaphore_mem>>)
      %dma_start3A_61 = tpu.memref_slice %arg4[%add3A_55] : memref<802816xi32, #tpu.memory_space<hbm>> -> memref<448xi32, #tpu.memory_space<hbm>>
      %dma_start3A_62 = tpu.memref_slice %arg4[%add3A_55] : memref<802816xi32, #tpu.memory_space<hbm>> -> memref<448xi32, #tpu.memory_space<hbm>>
      tpu.enqueue_dma source(%dma_start3A_62 : memref<448xi32, #tpu.memory_space<hbm>>) target(%arg8 : memref<448xi32, #tpu.memory_space<vmem>>) target_semaphore(%arg13 : memref<!tpu.dma_semaphore, #tpu.memory_space<semaphore_mem>>)
      %dma_start3A_63 = tpu.memref_slice %arg3[%add3A_5, %add3A_57] : memref<4x802816xi32, #tpu.memory_space<hbm>> -> memref<1x448xi32, #tpu.memory_space<hbm>>
      %dma_start3A_64 = tpu.memref_squeeze %dma_start3A_63 : memref<1x448xi32, #tpu.memory_space<hbm>> -> memref<448xi32, #tpu.memory_space<hbm>>
      %dma_start3A_65 = tpu.memref_slice %arg3[%add3A_5, %add3A_57] : memref<4x802816xi32, #tpu.memory_space<hbm>> -> memref<1x448xi32, #tpu.memory_space<hbm>>
      %dma_start3A_66 = tpu.memref_squeeze %dma_start3A_65 : memref<1x448xi32, #tpu.memory_space<hbm>> -> memref<448xi32, #tpu.memory_space<hbm>>
      tpu.enqueue_dma source(%dma_start3A_66 : memref<448xi32, #tpu.memory_space<hbm>>) target(%arg7 : memref<448xi32, #tpu.memory_space<vmem>>) target_semaphore(%arg13 : memref<!tpu.dma_semaphore, #tpu.memory_space<semaphore_mem>>)
      %dma_start3A_67 = tpu.memref_slice %arg4[%add3A_57] : memref<802816xi32, #tpu.memory_space<hbm>> -> memref<448xi32, #tpu.memory_space<hbm>>
      %dma_start3A_68 = tpu.memref_slice %arg4[%add3A_57] : memref<802816xi32, #tpu.memory_space<hbm>> -> memref<448xi32, #tpu.memory_space<hbm>>
      tpu.enqueue_dma source(%dma_start3A_68 : memref<448xi32, #tpu.memory_space<hbm>>) target(%arg9 : memref<448xi32, #tpu.memory_space<vmem>>) target_semaphore(%arg13 : memref<!tpu.dma_semaphore, #tpu.memory_space<semaphore_mem>>)
      %dma_wait3A = tpu.memref_slice %arg3[%add3A_5, %add3A_55] : memref<4x802816xi32, #tpu.memory_space<hbm>> -> memref<1x448xi32, #tpu.memory_space<hbm>>
      %dma_wait3A_69 = tpu.memref_squeeze %dma_wait3A : memref<1x448xi32, #tpu.memory_space<hbm>> -> memref<448xi32, #tpu.memory_space<hbm>>
      %dma_wait3A_70 = tpu.memref_slice %arg3[%add3A_5, %add3A_55] : memref<4x802816xi32, #tpu.memory_space<hbm>> -> memref<1x448xi32, #tpu.memory_space<hbm>>
      %dma_wait3A_71 = tpu.memref_squeeze %dma_wait3A_70 : memref<1x448xi32, #tpu.memory_space<hbm>> -> memref<448xi32, #tpu.memory_space<hbm>>
      tpu.wait_dma2 semaphore(%arg13 : memref<!tpu.dma_semaphore, #tpu.memory_space<semaphore_mem>>) src(%dma_wait3A_71 : memref<448xi32, #tpu.memory_space<hbm>>) dst(%arg6 : memref<448xi32, #tpu.memory_space<vmem>>)
      %dma_wait3A_72 = tpu.memref_slice %arg4[%add3A_55] : memref<802816xi32, #tpu.memory_space<hbm>> -> memref<448xi32, #tpu.memory_space<hbm>>
      %dma_wait3A_73 = tpu.memref_slice %arg4[%add3A_55] : memref<802816xi32, #tpu.memory_space<hbm>> -> memref<448xi32, #tpu.memory_space<hbm>>
      tpu.wait_dma2 semaphore(%arg13 : memref<!tpu.dma_semaphore, #tpu.memory_space<semaphore_mem>>) src(%dma_wait3A_73 : memref<448xi32, #tpu.memory_space<hbm>>) dst(%arg8 : memref<448xi32, #tpu.memory_space<vmem>>)
      %dma_start3A_74 = arith.constant 0 : i32
      %dma_start3A_75 = arith.constant 0 : i32
      %dma_start3A_76 = tpu.memref_slice %arg2[%dma_start3A_74, %dma_start3A_75] : memref<200000x32xf32, #tpu.memory_space<hbm>> -> memref<200000x32xf32, #tpu.memory_space<hbm>>
      tpu.enqueue_indirect_dma source(%dma_start3A_76 : memref<200000x32xf32, #tpu.memory_space<hbm>>) target(%arg10 : memref<448x32xf32, #tpu.memory_space<vmem>>) offsets(%arg6 : memref<448xi32, #tpu.memory_space<vmem>>) semaphore(%arg14 : memref<!tpu.dma_semaphore, #tpu.memory_space<semaphore_mem>>)
      %dma_wait3A_77 = tpu.memref_slice %arg3[%add3A_5, %add3A_57] : memref<4x802816xi32, #tpu.memory_space<hbm>> -> memref<1x448xi32, #tpu.memory_space<hbm>>
      %dma_wait3A_78 = tpu.memref_squeeze %dma_wait3A_77 : memref<1x448xi32, #tpu.memory_space<hbm>> -> memref<448xi32, #tpu.memory_space<hbm>>
      %dma_wait3A_79 = tpu.memref_slice %arg3[%add3A_5, %add3A_57] : memref<4x802816xi32, #tpu.memory_space<hbm>> -> memref<1x448xi32, #tpu.memory_space<hbm>>
      %dma_wait3A_80 = tpu.memref_squeeze %dma_wait3A_79 : memref<1x448xi32, #tpu.memory_space<hbm>> -> memref<448xi32, #tpu.memory_space<hbm>>
      tpu.wait_dma2 semaphore(%arg13 : memref<!tpu.dma_semaphore, #tpu.memory_space<semaphore_mem>>) src(%dma_wait3A_80 : memref<448xi32, #tpu.memory_space<hbm>>) dst(%arg7 : memref<448xi32, #tpu.memory_space<vmem>>)
      %dma_wait3A_81 = tpu.memref_slice %arg4[%add3A_57] : memref<802816xi32, #tpu.memory_space<hbm>> -> memref<448xi32, #tpu.memory_space<hbm>>
      %dma_wait3A_82 = tpu.memref_slice %arg4[%add3A_57] : memref<802816xi32, #tpu.memory_space<hbm>> -> memref<448xi32, #tpu.memory_space<hbm>>
      tpu.wait_dma2 semaphore(%arg13 : memref<!tpu.dma_semaphore, #tpu.memory_space<semaphore_mem>>) src(%dma_wait3A_82 : memref<448xi32, #tpu.memory_space<hbm>>) dst(%arg9 : memref<448xi32, #tpu.memory_space<vmem>>)
      %dma_start3A_83 = arith.constant 0 : i32
      %dma_start3A_84 = arith.constant 0 : i32
      %dma_start3A_85 = tpu.memref_slice %arg2[%dma_start3A_83, %dma_start3A_84] : memref<200000x32xf32, #tpu.memory_space<hbm>> -> memref<200000x32xf32, #tpu.memory_space<hbm>>
      tpu.enqueue_indirect_dma source(%dma_start3A_85 : memref<200000x32xf32, #tpu.memory_space<hbm>>) target(%arg11 : memref<448x32xf32, #tpu.memory_space<vmem>>) offsets(%arg7 : memref<448xi32, #tpu.memory_space<vmem>>) semaphore(%arg14 : memref<!tpu.dma_semaphore, #tpu.memory_space<semaphore_mem>>)
      %dma_wait3A_86 = arith.constant 0 : i32
      %dma_wait3A_87 = arith.constant 0 : i32
      %dma_wait3A_88 = tpu.memref_slice %arg2[%dma_wait3A_86, %dma_wait3A_87] : memref<200000x32xf32, #tpu.memory_space<hbm>> -> memref<200000x32xf32, #tpu.memory_space<hbm>>
      tpu.wait_indirect_dma semaphore(%arg14 : memref<!tpu.dma_semaphore, #tpu.memory_space<semaphore_mem>>) src(%dma_wait3A_88 : memref<200000x32xf32, #tpu.memory_space<hbm>>) dst(%arg10 : memref<448x32xf32, #tpu.memory_space<vmem>>)
      %dma_start3A_89 = arith.constant 0 : i32
      %dma_start3A_90 = arith.constant 0 : i32
      %dma_start3A_91 = tpu.memref_slice %arg12[%dma_start3A_89, %dma_start3A_90] : memref<50008x32xf32, #tpu.memory_space<vmem_shared>> -> memref<50008x32xf32, #tpu.memory_space<vmem_shared>>
      tpu.enqueue_indirect_dma source(%arg10 : memref<448x32xf32, #tpu.memory_space<vmem>>) target(%dma_start3A_91 : memref<50008x32xf32, #tpu.memory_space<vmem_shared>>) offsets(%arg8 : memref<448xi32, #tpu.memory_space<vmem>>) semaphore(%arg15 : memref<!tpu.dma_semaphore, #tpu.memory_space<semaphore_mem>>) {add = true}
      %dma_wait3A_92 = arith.constant 0 : i32
      %dma_wait3A_93 = arith.constant 0 : i32
      %dma_wait3A_94 = tpu.memref_slice %arg2[%dma_wait3A_92, %dma_wait3A_93] : memref<200000x32xf32, #tpu.memory_space<hbm>> -> memref<200000x32xf32, #tpu.memory_space<hbm>>
      tpu.wait_indirect_dma semaphore(%arg14 : memref<!tpu.dma_semaphore, #tpu.memory_space<semaphore_mem>>) src(%dma_wait3A_94 : memref<200000x32xf32, #tpu.memory_space<hbm>>) dst(%arg11 : memref<448x32xf32, #tpu.memory_space<vmem>>)
      %dma_start3A_95 = arith.constant 0 : i32
      %dma_start3A_96 = arith.constant 0 : i32
      %dma_start3A_97 = tpu.memref_slice %arg12[%dma_start3A_95, %dma_start3A_96] : memref<50008x32xf32, #tpu.memory_space<vmem_shared>> -> memref<50008x32xf32, #tpu.memory_space<vmem_shared>>
      tpu.enqueue_indirect_dma source(%arg11 : memref<448x32xf32, #tpu.memory_space<vmem>>) target(%dma_start3A_97 : memref<50008x32xf32, #tpu.memory_space<vmem_shared>>) offsets(%arg9 : memref<448xi32, #tpu.memory_space<vmem>>) semaphore(%arg15 : memref<!tpu.dma_semaphore, #tpu.memory_space<semaphore_mem>>) {add = true}
      %dma_wait3A_98 = arith.constant 0 : i32
      %dma_wait3A_99 = arith.constant 0 : i32
      %dma_wait3A_100 = tpu.memref_slice %arg12[%dma_wait3A_98, %dma_wait3A_99] : memref<50008x32xf32, #tpu.memory_space<vmem_shared>> -> memref<50008x32xf32, #tpu.memory_space<vmem_shared>>
      tpu.wait_indirect_dma semaphore(%arg15 : memref<!tpu.dma_semaphore, #tpu.memory_space<semaphore_mem>>) src(%arg10 : memref<448x32xf32, #tpu.memory_space<vmem>>) dst(%dma_wait3A_100 : memref<50008x32xf32, #tpu.memory_space<vmem_shared>>)
      %dma_wait3A_101 = arith.constant 0 : i32
      %dma_wait3A_102 = arith.constant 0 : i32
      %dma_wait3A_103 = tpu.memref_slice %arg12[%dma_wait3A_101, %dma_wait3A_102] : memref<50008x32xf32, #tpu.memory_space<vmem_shared>> -> memref<50008x32xf32, #tpu.memory_space<vmem_shared>>
      tpu.wait_indirect_dma semaphore(%arg15 : memref<!tpu.dma_semaphore, #tpu.memory_space<semaphore_mem>>) src(%arg11 : memref<448x32xf32, #tpu.memory_space<vmem>>) dst(%dma_wait3A_103 : memref<50008x32xf32, #tpu.memory_space<vmem_shared>>)
    }
    %while3A_20 = arith.constant 1 : i32
    scf.for %while3A_52 = %while3A_18 to %while3A_14 step %while3A_20  : i32 {
      %mul3A_53 = arith.constant 896 : i32
      %mul3A_54 = arith.muli %while3A_52, %mul3A_53 : i32
      %add3A_55 = arith.addi %mul3A_0, %mul3A_54 : i32
      %add3A_56 = arith.constant 448 : i32
      %add3A_57 = arith.addi %add3A_55, %add3A_56 : i32
      %dma_start3A = tpu.memref_slice %arg3[%add3A_5, %add3A_55] : memref<4x802816xi32, #tpu.memory_space<hbm>> -> memref<1x448xi32, #tpu.memory_space<hbm>>
      %dma_start3A_58 = tpu.memref_squeeze %dma_start3A : memref<1x448xi32, #tpu.memory_space<hbm>> -> memref<448xi32, #tpu.memory_space<hbm>>
      %dma_start3A_59 = tpu.memref_slice %arg3[%add3A_5, %add3A_55] : memref<4x802816xi32, #tpu.memory_space<hbm>> -> memref<1x448xi32, #tpu.memory_space<hbm>>
      %dma_start3A_60 = tpu.memref_squeeze %dma_start3A_59 : memref<1x448xi32, #tpu.memory_space<hbm>> -> memref<448xi32, #tpu.memory_space<hbm>>
      tpu.enqueue_dma source(%dma_start3A_60 : memref<448xi32, #tpu.memory_space<hbm>>) target(%arg6 : memref<448xi32, #tpu.memory_space<vmem>>) target_semaphore(%arg13 : memref<!tpu.dma_semaphore, #tpu.memory_space<semaphore_mem>>)
      %dma_start3A_61 = tpu.memref_slice %arg4[%add3A_55] : memref<802816xi32, #tpu.memory_space<hbm>> -> memref<448xi32, #tpu.memory_space<hbm>>
      %dma_start3A_62 = tpu.memref_slice %arg4[%add3A_55] : memref<802816xi32, #tpu.memory_space<hbm>> -> memref<448xi32, #tpu.memory_space<hbm>>
      tpu.enqueue_dma source(%dma_start3A_62 : memref<448xi32, #tpu.memory_space<hbm>>) target(%arg8 : memref<448xi32, #tpu.memory_space<vmem>>) target_semaphore(%arg13 : memref<!tpu.dma_semaphore, #tpu.memory_space<semaphore_mem>>)
      %dma_start3A_63 = tpu.memref_slice %arg3[%add3A_5, %add3A_57] : memref<4x802816xi32, #tpu.memory_space<hbm>> -> memref<1x448xi32, #tpu.memory_space<hbm>>
      %dma_start3A_64 = tpu.memref_squeeze %dma_start3A_63 : memref<1x448xi32, #tpu.memory_space<hbm>> -> memref<448xi32, #tpu.memory_space<hbm>>
      %dma_start3A_65 = tpu.memref_slice %arg3[%add3A_5, %add3A_57] : memref<4x802816xi32, #tpu.memory_space<hbm>> -> memref<1x448xi32, #tpu.memory_space<hbm>>
      %dma_start3A_66 = tpu.memref_squeeze %dma_start3A_65 : memref<1x448xi32, #tpu.memory_space<hbm>> -> memref<448xi32, #tpu.memory_space<hbm>>
      tpu.enqueue_dma source(%dma_start3A_66 : memref<448xi32, #tpu.memory_space<hbm>>) target(%arg7 : memref<448xi32, #tpu.memory_space<vmem>>) target_semaphore(%arg13 : memref<!tpu.dma_semaphore, #tpu.memory_space<semaphore_mem>>)
      %dma_start3A_67 = tpu.memref_slice %arg4[%add3A_57] : memref<802816xi32, #tpu.memory_space<hbm>> -> memref<448xi32, #tpu.memory_space<hbm>>
      %dma_start3A_68 = tpu.memref_slice %arg4[%add3A_57] : memref<802816xi32, #tpu.memory_space<hbm>> -> memref<448xi32, #tpu.memory_space<hbm>>
      tpu.enqueue_dma source(%dma_start3A_68 : memref<448xi32, #tpu.memory_space<hbm>>) target(%arg9 : memref<448xi32, #tpu.memory_space<vmem>>) target_semaphore(%arg13 : memref<!tpu.dma_semaphore, #tpu.memory_space<semaphore_mem>>)
      %dma_wait3A = tpu.memref_slice %arg3[%add3A_5, %add3A_55] : memref<4x802816xi32, #tpu.memory_space<hbm>> -> memref<1x448xi32, #tpu.memory_space<hbm>>
      %dma_wait3A_69 = tpu.memref_squeeze %dma_wait3A : memref<1x448xi32, #tpu.memory_space<hbm>> -> memref<448xi32, #tpu.memory_space<hbm>>
      %dma_wait3A_70 = tpu.memref_slice %arg3[%add3A_5, %add3A_55] : memref<4x802816xi32, #tpu.memory_space<hbm>> -> memref<1x448xi32, #tpu.memory_space<hbm>>
      %dma_wait3A_71 = tpu.memref_squeeze %dma_wait3A_70 : memref<1x448xi32, #tpu.memory_space<hbm>> -> memref<448xi32, #tpu.memory_space<hbm>>
      tpu.wait_dma2 semaphore(%arg13 : memref<!tpu.dma_semaphore, #tpu.memory_space<semaphore_mem>>) src(%dma_wait3A_71 : memref<448xi32, #tpu.memory_space<hbm>>) dst(%arg6 : memref<448xi32, #tpu.memory_space<vmem>>)
      %dma_wait3A_72 = tpu.memref_slice %arg4[%add3A_55] : memref<802816xi32, #tpu.memory_space<hbm>> -> memref<448xi32, #tpu.memory_space<hbm>>
      %dma_wait3A_73 = tpu.memref_slice %arg4[%add3A_55] : memref<802816xi32, #tpu.memory_space<hbm>> -> memref<448xi32, #tpu.memory_space<hbm>>
      tpu.wait_dma2 semaphore(%arg13 : memref<!tpu.dma_semaphore, #tpu.memory_space<semaphore_mem>>) src(%dma_wait3A_73 : memref<448xi32, #tpu.memory_space<hbm>>) dst(%arg8 : memref<448xi32, #tpu.memory_space<vmem>>)
      %dma_start3A_74 = arith.constant 0 : i32
      %dma_start3A_75 = arith.constant 0 : i32
      %dma_start3A_76 = tpu.memref_slice %arg2[%dma_start3A_74, %dma_start3A_75] : memref<200000x32xf32, #tpu.memory_space<hbm>> -> memref<200000x32xf32, #tpu.memory_space<hbm>>
      tpu.enqueue_indirect_dma source(%dma_start3A_76 : memref<200000x32xf32, #tpu.memory_space<hbm>>) target(%arg10 : memref<448x32xf32, #tpu.memory_space<vmem>>) offsets(%arg6 : memref<448xi32, #tpu.memory_space<vmem>>) semaphore(%arg14 : memref<!tpu.dma_semaphore, #tpu.memory_space<semaphore_mem>>)
      %dma_wait3A_77 = tpu.memref_slice %arg3[%add3A_5, %add3A_57] : memref<4x802816xi32, #tpu.memory_space<hbm>> -> memref<1x448xi32, #tpu.memory_space<hbm>>
      %dma_wait3A_78 = tpu.memref_squeeze %dma_wait3A_77 : memref<1x448xi32, #tpu.memory_space<hbm>> -> memref<448xi32, #tpu.memory_space<hbm>>
      %dma_wait3A_79 = tpu.memref_slice %arg3[%add3A_5, %add3A_57] : memref<4x802816xi32, #tpu.memory_space<hbm>> -> memref<1x448xi32, #tpu.memory_space<hbm>>
      %dma_wait3A_80 = tpu.memref_squeeze %dma_wait3A_79 : memref<1x448xi32, #tpu.memory_space<hbm>> -> memref<448xi32, #tpu.memory_space<hbm>>
      tpu.wait_dma2 semaphore(%arg13 : memref<!tpu.dma_semaphore, #tpu.memory_space<semaphore_mem>>) src(%dma_wait3A_80 : memref<448xi32, #tpu.memory_space<hbm>>) dst(%arg7 : memref<448xi32, #tpu.memory_space<vmem>>)
      %dma_wait3A_81 = tpu.memref_slice %arg4[%add3A_57] : memref<802816xi32, #tpu.memory_space<hbm>> -> memref<448xi32, #tpu.memory_space<hbm>>
      %dma_wait3A_82 = tpu.memref_slice %arg4[%add3A_57] : memref<802816xi32, #tpu.memory_space<hbm>> -> memref<448xi32, #tpu.memory_space<hbm>>
      tpu.wait_dma2 semaphore(%arg13 : memref<!tpu.dma_semaphore, #tpu.memory_space<semaphore_mem>>) src(%dma_wait3A_82 : memref<448xi32, #tpu.memory_space<hbm>>) dst(%arg9 : memref<448xi32, #tpu.memory_space<vmem>>)
      %dma_start3A_83 = arith.constant 0 : i32
      %dma_start3A_84 = arith.constant 0 : i32
      %dma_start3A_85 = tpu.memref_slice %arg2[%dma_start3A_83, %dma_start3A_84] : memref<200000x32xf32, #tpu.memory_space<hbm>> -> memref<200000x32xf32, #tpu.memory_space<hbm>>
      tpu.enqueue_indirect_dma source(%dma_start3A_85 : memref<200000x32xf32, #tpu.memory_space<hbm>>) target(%arg11 : memref<448x32xf32, #tpu.memory_space<vmem>>) offsets(%arg7 : memref<448xi32, #tpu.memory_space<vmem>>) semaphore(%arg14 : memref<!tpu.dma_semaphore, #tpu.memory_space<semaphore_mem>>)
      %dma_wait3A_86 = arith.constant 0 : i32
      %dma_wait3A_87 = arith.constant 0 : i32
      %dma_wait3A_88 = tpu.memref_slice %arg2[%dma_wait3A_86, %dma_wait3A_87] : memref<200000x32xf32, #tpu.memory_space<hbm>> -> memref<200000x32xf32, #tpu.memory_space<hbm>>
      tpu.wait_indirect_dma semaphore(%arg14 : memref<!tpu.dma_semaphore, #tpu.memory_space<semaphore_mem>>) src(%dma_wait3A_88 : memref<200000x32xf32, #tpu.memory_space<hbm>>) dst(%arg10 : memref<448x32xf32, #tpu.memory_space<vmem>>)
      %dma_start3A_89 = arith.constant 0 : i32
      %dma_start3A_90 = arith.constant 0 : i32
      %dma_start3A_91 = tpu.memref_slice %arg12[%dma_start3A_89, %dma_start3A_90] : memref<50008x32xf32, #tpu.memory_space<vmem_shared>> -> memref<50008x32xf32, #tpu.memory_space<vmem_shared>>
      tpu.enqueue_indirect_dma source(%arg10 : memref<448x32xf32, #tpu.memory_space<vmem>>) target(%dma_start3A_91 : memref<50008x32xf32, #tpu.memory_space<vmem_shared>>) offsets(%arg8 : memref<448xi32, #tpu.memory_space<vmem>>) semaphore(%arg15 : memref<!tpu.dma_semaphore, #tpu.memory_space<semaphore_mem>>) {add = true}
      %dma_wait3A_92 = arith.constant 0 : i32
      %dma_wait3A_93 = arith.constant 0 : i32
      %dma_wait3A_94 = tpu.memref_slice %arg2[%dma_wait3A_92, %dma_wait3A_93] : memref<200000x32xf32, #tpu.memory_space<hbm>> -> memref<200000x32xf32, #tpu.memory_space<hbm>>
      tpu.wait_indirect_dma semaphore(%arg14 : memref<!tpu.dma_semaphore, #tpu.memory_space<semaphore_mem>>) src(%dma_wait3A_94 : memref<200000x32xf32, #tpu.memory_space<hbm>>) dst(%arg11 : memref<448x32xf32, #tpu.memory_space<vmem>>)
      %dma_start3A_95 = arith.constant 0 : i32
      %dma_start3A_96 = arith.constant 0 : i32
      %dma_start3A_97 = tpu.memref_slice %arg12[%dma_start3A_95, %dma_start3A_96] : memref<50008x32xf32, #tpu.memory_space<vmem_shared>> -> memref<50008x32xf32, #tpu.memory_space<vmem_shared>>
      tpu.enqueue_indirect_dma source(%arg11 : memref<448x32xf32, #tpu.memory_space<vmem>>) target(%dma_start3A_97 : memref<50008x32xf32, #tpu.memory_space<vmem_shared>>) offsets(%arg9 : memref<448xi32, #tpu.memory_space<vmem>>) semaphore(%arg15 : memref<!tpu.dma_semaphore, #tpu.memory_space<semaphore_mem>>) {add = true}
      %dma_wait3A_98 = arith.constant 0 : i32
      %dma_wait3A_99 = arith.constant 0 : i32
      %dma_wait3A_100 = tpu.memref_slice %arg12[%dma_wait3A_98, %dma_wait3A_99] : memref<50008x32xf32, #tpu.memory_space<vmem_shared>> -> memref<50008x32xf32, #tpu.memory_space<vmem_shared>>
      tpu.wait_indirect_dma semaphore(%arg15 : memref<!tpu.dma_semaphore, #tpu.memory_space<semaphore_mem>>) src(%arg10 : memref<448x32xf32, #tpu.memory_space<vmem>>) dst(%dma_wait3A_100 : memref<50008x32xf32, #tpu.memory_space<vmem_shared>>)
      %dma_wait3A_101 = arith.constant 0 : i32
      %dma_wait3A_102 = arith.constant 0 : i32
      %dma_wait3A_103 = tpu.memref_slice %arg12[%dma_wait3A_101, %dma_wait3A_102] : memref<50008x32xf32, #tpu.memory_space<vmem_shared>> -> memref<50008x32xf32, #tpu.memory_space<vmem_shared>>
      tpu.wait_indirect_dma semaphore(%arg15 : memref<!tpu.dma_semaphore, #tpu.memory_space<semaphore_mem>>) src(%arg11 : memref<448x32xf32, #tpu.memory_space<vmem>>) dst(%dma_wait3A_103 : memref<50008x32xf32, #tpu.memory_space<vmem_shared>>)
    }
    %barrier3A_21 = arith.constant 0 : index
    tpu.barrier barrier_id(%barrier3A_21)
    %mul3A_22 = arith.constant 50000 : i32
    %mul3A_23 = arith.muli %add3A_5, %mul3A_22 : i32
    %add3A_24 = arith.addi %mul3A_23, %mul3A_2 : i32
    "tpu.region"() ({
      %run_scoped3A = tpu.sem_alloc : memref<!tpu.dma_semaphore, #tpu.memory_space<semaphore_mem>>
      %dma_start3A = arith.constant 0 : i32
      %dma_start3A_52 = tpu.memref_slice %arg5[%add3A_24, %dma_start3A] : memref<200000x32xf32, #tpu.memory_space<hbm>> -> memref<3125x32xf32, #tpu.memory_space<hbm>>
      %dma_start3A_53 = arith.constant 0 : i32
      %dma_start3A_54 = tpu.memref_slice %arg12[%mul3A_2, %dma_start3A_53] : memref<50008x32xf32, #tpu.memory_space<vmem_shared>> -> memref<3125x32xf32, #tpu.memory_space<vmem_shared>>
      tpu.enqueue_dma source(%dma_start3A_54 : memref<3125x32xf32, #tpu.memory_space<vmem_shared>>) target(%dma_start3A_52 : memref<3125x32xf32, #tpu.memory_space<hbm>>) target_semaphore(%run_scoped3A : memref<!tpu.dma_semaphore, #tpu.memory_space<semaphore_mem>>)
      %dma_wait3A = arith.constant 0 : i32
      %dma_wait3A_55 = tpu.memref_slice %arg5[%add3A_24, %dma_wait3A] : memref<200000x32xf32, #tpu.memory_space<hbm>> -> memref<3125x32xf32, #tpu.memory_space<hbm>>
      %dma_wait3A_56 = arith.constant 0 : i32
      %dma_wait3A_57 = tpu.memref_slice %arg12[%mul3A_2, %dma_wait3A_56] : memref<50008x32xf32, #tpu.memory_space<vmem_shared>> -> memref<3125x32xf32, #tpu.memory_space<vmem_shared>>
      tpu.wait_dma2 semaphore(%run_scoped3A : memref<!tpu.dma_semaphore, #tpu.memory_space<semaphore_mem>>) src(%dma_wait3A_57 : memref<3125x32xf32, #tpu.memory_space<vmem_shared>>) dst(%dma_wait3A_55 : memref<3125x32xf32, #tpu.memory_space<hbm>>)
      tpu.yield
    }) : () -> ()
    %barrier3A_25 = arith.constant 0 : index
    tpu.barrier barrier_id(%barrier3A_25)
    %mul3A_26 = arith.constant 2 : i32
    %mul3A_27 = arith.muli %arg0, %mul3A_26 : i32
    %add3A_28 = arith.constant 1 : i32
    %add3A_29 = arith.addi %mul3A_27, %add3A_28 : i32
    %mul3A_30 = arith.constant 32 : i32
    %mul3A_31 = arith.muli %add3A_29, %mul3A_30 : i32
    %mul3A_32 = arith.constant 50000 : i32
    %mul3A_33 = arith.muli %add3A_29, %mul3A_32 : i32
    %add3A_34 = arith.addi %mul3A_33, %mul3A_2 : i32
    "tpu.region"() ({
      %run_scoped3A = tpu.sem_alloc : memref<!tpu.dma_semaphore, #tpu.memory_space<semaphore_mem>>
      %dma_start3A = arith.constant 0 : i32
      %dma_start3A_52 = tpu.memref_slice %arg12[%mul3A_2, %dma_start3A] : memref<50008x32xf32, #tpu.memory_space<vmem_shared>> -> memref<3125x32xf32, #tpu.memory_space<vmem_shared>>
      %dma_start3A_53 = arith.constant 0 : i32
      %dma_start3A_54 = tpu.memref_slice %arg2[%add3A_34, %dma_start3A_53] : memref<200000x32xf32, #tpu.memory_space<hbm>> -> memref<3125x32xf32, #tpu.memory_space<hbm>>
      tpu.enqueue_dma source(%dma_start3A_54 : memref<3125x32xf32, #tpu.memory_space<hbm>>) target(%dma_start3A_52 : memref<3125x32xf32, #tpu.memory_space<vmem_shared>>) target_semaphore(%run_scoped3A : memref<!tpu.dma_semaphore, #tpu.memory_space<semaphore_mem>>)
      %dma_wait3A = arith.constant 0 : i32
      %dma_wait3A_55 = tpu.memref_slice %arg12[%mul3A_2, %dma_wait3A] : memref<50008x32xf32, #tpu.memory_space<vmem_shared>> -> memref<3125x32xf32, #tpu.memory_space<vmem_shared>>
      %dma_wait3A_56 = arith.constant 0 : i32
      %dma_wait3A_57 = tpu.memref_slice %arg2[%add3A_34, %dma_wait3A_56] : memref<200000x32xf32, #tpu.memory_space<hbm>> -> memref<3125x32xf32, #tpu.memory_space<hbm>>
      tpu.wait_dma2 semaphore(%run_scoped3A : memref<!tpu.dma_semaphore, #tpu.memory_space<semaphore_mem>>) src(%dma_wait3A_57 : memref<3125x32xf32, #tpu.memory_space<hbm>>) dst(%dma_wait3A_55 : memref<3125x32xf32, #tpu.memory_space<vmem_shared>>)
      tpu.yield
    }) : () -> ()
    %barrier3A_35 = arith.constant 0 : index
    tpu.barrier barrier_id(%barrier3A_35)
    %while3A_36 = arith.constant 0 : i32
    %while3A_37 = arith.constant 0 : i32
    %while3A_38 = arith.constant 56 : i32
    %while3A_39 = arith.subi %while3A_38, %while3A_37 : i32
    %while3A_40 = arith.addi %while3A_37, %while3A_39 : i32
    %while3A_41 = arith.constant 1 : i32
    %while3A_42 = arith.divsi %while3A_39, %while3A_41 : i32
    %while3A_43 = arith.muli %while3A_42, %while3A_41 : i32
    %while3A_44 = arith.addi %while3A_37, %while3A_43 : i32
    %while3A_45 = arith.constant 1 : i32
    scf.for %while3A_52 = %while3A_37 to %while3A_44 step %while3A_45  : i32 {
      %mul3A_53 = arith.constant 896 : i32
      %mul3A_54 = arith.muli %while3A_52, %mul3A_53 : i32
      %add3A_55 = arith.addi %mul3A_0, %mul3A_54 : i32
      %add3A_56 = arith.constant 448 : i32
      %add3A_57 = arith.addi %add3A_55, %add3A_56 : i32
      %dma_start3A = tpu.memref_slice %arg3[%add3A_29, %add3A_55] : memref<4x802816xi32, #tpu.memory_space<hbm>> -> memref<1x448xi32, #tpu.memory_space<hbm>>
      %dma_start3A_58 = tpu.memref_squeeze %dma_start3A : memref<1x448xi32, #tpu.memory_space<hbm>> -> memref<448xi32, #tpu.memory_space<hbm>>
      %dma_start3A_59 = tpu.memref_slice %arg3[%add3A_29, %add3A_55] : memref<4x802816xi32, #tpu.memory_space<hbm>> -> memref<1x448xi32, #tpu.memory_space<hbm>>
      %dma_start3A_60 = tpu.memref_squeeze %dma_start3A_59 : memref<1x448xi32, #tpu.memory_space<hbm>> -> memref<448xi32, #tpu.memory_space<hbm>>
      tpu.enqueue_dma source(%dma_start3A_60 : memref<448xi32, #tpu.memory_space<hbm>>) target(%arg6 : memref<448xi32, #tpu.memory_space<vmem>>) target_semaphore(%arg13 : memref<!tpu.dma_semaphore, #tpu.memory_space<semaphore_mem>>)
      %dma_start3A_61 = tpu.memref_slice %arg4[%add3A_55] : memref<802816xi32, #tpu.memory_space<hbm>> -> memref<448xi32, #tpu.memory_space<hbm>>
      %dma_start3A_62 = tpu.memref_slice %arg4[%add3A_55] : memref<802816xi32, #tpu.memory_space<hbm>> -> memref<448xi32, #tpu.memory_space<hbm>>
      tpu.enqueue_dma source(%dma_start3A_62 : memref<448xi32, #tpu.memory_space<hbm>>) target(%arg8 : memref<448xi32, #tpu.memory_space<vmem>>) target_semaphore(%arg13 : memref<!tpu.dma_semaphore, #tpu.memory_space<semaphore_mem>>)
      %dma_start3A_63 = tpu.memref_slice %arg3[%add3A_29, %add3A_57] : memref<4x802816xi32, #tpu.memory_space<hbm>> -> memref<1x448xi32, #tpu.memory_space<hbm>>
      %dma_start3A_64 = tpu.memref_squeeze %dma_start3A_63 : memref<1x448xi32, #tpu.memory_space<hbm>> -> memref<448xi32, #tpu.memory_space<hbm>>
      %dma_start3A_65 = tpu.memref_slice %arg3[%add3A_29, %add3A_57] : memref<4x802816xi32, #tpu.memory_space<hbm>> -> memref<1x448xi32, #tpu.memory_space<hbm>>
      %dma_start3A_66 = tpu.memref_squeeze %dma_start3A_65 : memref<1x448xi32, #tpu.memory_space<hbm>> -> memref<448xi32, #tpu.memory_space<hbm>>
      tpu.enqueue_dma source(%dma_start3A_66 : memref<448xi32, #tpu.memory_space<hbm>>) target(%arg7 : memref<448xi32, #tpu.memory_space<vmem>>) target_semaphore(%arg13 : memref<!tpu.dma_semaphore, #tpu.memory_space<semaphore_mem>>)
      %dma_start3A_67 = tpu.memref_slice %arg4[%add3A_57] : memref<802816xi32, #tpu.memory_space<hbm>> -> memref<448xi32, #tpu.memory_space<hbm>>
      %dma_start3A_68 = tpu.memref_slice %arg4[%add3A_57] : memref<802816xi32, #tpu.memory_space<hbm>> -> memref<448xi32, #tpu.memory_space<hbm>>
      tpu.enqueue_dma source(%dma_start3A_68 : memref<448xi32, #tpu.memory_space<hbm>>) target(%arg9 : memref<448xi32, #tpu.memory_space<vmem>>) target_semaphore(%arg13 : memref<!tpu.dma_semaphore, #tpu.memory_space<semaphore_mem>>)
      %dma_wait3A = tpu.memref_slice %arg3[%add3A_29, %add3A_55] : memref<4x802816xi32, #tpu.memory_space<hbm>> -> memref<1x448xi32, #tpu.memory_space<hbm>>
      %dma_wait3A_69 = tpu.memref_squeeze %dma_wait3A : memref<1x448xi32, #tpu.memory_space<hbm>> -> memref<448xi32, #tpu.memory_space<hbm>>
      %dma_wait3A_70 = tpu.memref_slice %arg3[%add3A_29, %add3A_55] : memref<4x802816xi32, #tpu.memory_space<hbm>> -> memref<1x448xi32, #tpu.memory_space<hbm>>
      %dma_wait3A_71 = tpu.memref_squeeze %dma_wait3A_70 : memref<1x448xi32, #tpu.memory_space<hbm>> -> memref<448xi32, #tpu.memory_space<hbm>>
      tpu.wait_dma2 semaphore(%arg13 : memref<!tpu.dma_semaphore, #tpu.memory_space<semaphore_mem>>) src(%dma_wait3A_71 : memref<448xi32, #tpu.memory_space<hbm>>) dst(%arg6 : memref<448xi32, #tpu.memory_space<vmem>>)
      %dma_wait3A_72 = tpu.memref_slice %arg4[%add3A_55] : memref<802816xi32, #tpu.memory_space<hbm>> -> memref<448xi32, #tpu.memory_space<hbm>>
      %dma_wait3A_73 = tpu.memref_slice %arg4[%add3A_55] : memref<802816xi32, #tpu.memory_space<hbm>> -> memref<448xi32, #tpu.memory_space<hbm>>
      tpu.wait_dma2 semaphore(%arg13 : memref<!tpu.dma_semaphore, #tpu.memory_space<semaphore_mem>>) src(%dma_wait3A_73 : memref<448xi32, #tpu.memory_space<hbm>>) dst(%arg8 : memref<448xi32, #tpu.memory_space<vmem>>)
      %dma_start3A_74 = arith.constant 0 : i32
      %dma_start3A_75 = arith.constant 0 : i32
      %dma_start3A_76 = tpu.memref_slice %arg2[%dma_start3A_74, %dma_start3A_75] : memref<200000x32xf32, #tpu.memory_space<hbm>> -> memref<200000x32xf32, #tpu.memory_space<hbm>>
      tpu.enqueue_indirect_dma source(%dma_start3A_76 : memref<200000x32xf32, #tpu.memory_space<hbm>>) target(%arg10 : memref<448x32xf32, #tpu.memory_space<vmem>>) offsets(%arg6 : memref<448xi32, #tpu.memory_space<vmem>>) semaphore(%arg14 : memref<!tpu.dma_semaphore, #tpu.memory_space<semaphore_mem>>)
      %dma_wait3A_77 = tpu.memref_slice %arg3[%add3A_29, %add3A_57] : memref<4x802816xi32, #tpu.memory_space<hbm>> -> memref<1x448xi32, #tpu.memory_space<hbm>>
      %dma_wait3A_78 = tpu.memref_squeeze %dma_wait3A_77 : memref<1x448xi32, #tpu.memory_space<hbm>> -> memref<448xi32, #tpu.memory_space<hbm>>
      %dma_wait3A_79 = tpu.memref_slice %arg3[%add3A_29, %add3A_57] : memref<4x802816xi32, #tpu.memory_space<hbm>> -> memref<1x448xi32, #tpu.memory_space<hbm>>
      %dma_wait3A_80 = tpu.memref_squeeze %dma_wait3A_79 : memref<1x448xi32, #tpu.memory_space<hbm>> -> memref<448xi32, #tpu.memory_space<hbm>>
      tpu.wait_dma2 semaphore(%arg13 : memref<!tpu.dma_semaphore, #tpu.memory_space<semaphore_mem>>) src(%dma_wait3A_80 : memref<448xi32, #tpu.memory_space<hbm>>) dst(%arg7 : memref<448xi32, #tpu.memory_space<vmem>>)
      %dma_wait3A_81 = tpu.memref_slice %arg4[%add3A_57] : memref<802816xi32, #tpu.memory_space<hbm>> -> memref<448xi32, #tpu.memory_space<hbm>>
      %dma_wait3A_82 = tpu.memref_slice %arg4[%add3A_57] : memref<802816xi32, #tpu.memory_space<hbm>> -> memref<448xi32, #tpu.memory_space<hbm>>
      tpu.wait_dma2 semaphore(%arg13 : memref<!tpu.dma_semaphore, #tpu.memory_space<semaphore_mem>>) src(%dma_wait3A_82 : memref<448xi32, #tpu.memory_space<hbm>>) dst(%arg9 : memref<448xi32, #tpu.memory_space<vmem>>)
      %dma_start3A_83 = arith.constant 0 : i32
      %dma_start3A_84 = arith.constant 0 : i32
      %dma_start3A_85 = tpu.memref_slice %arg2[%dma_start3A_83, %dma_start3A_84] : memref<200000x32xf32, #tpu.memory_space<hbm>> -> memref<200000x32xf32, #tpu.memory_space<hbm>>
      tpu.enqueue_indirect_dma source(%dma_start3A_85 : memref<200000x32xf32, #tpu.memory_space<hbm>>) target(%arg11 : memref<448x32xf32, #tpu.memory_space<vmem>>) offsets(%arg7 : memref<448xi32, #tpu.memory_space<vmem>>) semaphore(%arg14 : memref<!tpu.dma_semaphore, #tpu.memory_space<semaphore_mem>>)
      %dma_wait3A_86 = arith.constant 0 : i32
      %dma_wait3A_87 = arith.constant 0 : i32
      %dma_wait3A_88 = tpu.memref_slice %arg2[%dma_wait3A_86, %dma_wait3A_87] : memref<200000x32xf32, #tpu.memory_space<hbm>> -> memref<200000x32xf32, #tpu.memory_space<hbm>>
      tpu.wait_indirect_dma semaphore(%arg14 : memref<!tpu.dma_semaphore, #tpu.memory_space<semaphore_mem>>) src(%dma_wait3A_88 : memref<200000x32xf32, #tpu.memory_space<hbm>>) dst(%arg10 : memref<448x32xf32, #tpu.memory_space<vmem>>)
      %dma_start3A_89 = arith.constant 0 : i32
      %dma_start3A_90 = arith.constant 0 : i32
      %dma_start3A_91 = tpu.memref_slice %arg12[%dma_start3A_89, %dma_start3A_90] : memref<50008x32xf32, #tpu.memory_space<vmem_shared>> -> memref<50008x32xf32, #tpu.memory_space<vmem_shared>>
      tpu.enqueue_indirect_dma source(%arg10 : memref<448x32xf32, #tpu.memory_space<vmem>>) target(%dma_start3A_91 : memref<50008x32xf32, #tpu.memory_space<vmem_shared>>) offsets(%arg8 : memref<448xi32, #tpu.memory_space<vmem>>) semaphore(%arg15 : memref<!tpu.dma_semaphore, #tpu.memory_space<semaphore_mem>>) {add = true}
      %dma_wait3A_92 = arith.constant 0 : i32
      %dma_wait3A_93 = arith.constant 0 : i32
      %dma_wait3A_94 = tpu.memref_slice %arg2[%dma_wait3A_92, %dma_wait3A_93] : memref<200000x32xf32, #tpu.memory_space<hbm>> -> memref<200000x32xf32, #tpu.memory_space<hbm>>
      tpu.wait_indirect_dma semaphore(%arg14 : memref<!tpu.dma_semaphore, #tpu.memory_space<semaphore_mem>>) src(%dma_wait3A_94 : memref<200000x32xf32, #tpu.memory_space<hbm>>) dst(%arg11 : memref<448x32xf32, #tpu.memory_space<vmem>>)
      %dma_start3A_95 = arith.constant 0 : i32
      %dma_start3A_96 = arith.constant 0 : i32
      %dma_start3A_97 = tpu.memref_slice %arg12[%dma_start3A_95, %dma_start3A_96] : memref<50008x32xf32, #tpu.memory_space<vmem_shared>> -> memref<50008x32xf32, #tpu.memory_space<vmem_shared>>
      tpu.enqueue_indirect_dma source(%arg11 : memref<448x32xf32, #tpu.memory_space<vmem>>) target(%dma_start3A_97 : memref<50008x32xf32, #tpu.memory_space<vmem_shared>>) offsets(%arg9 : memref<448xi32, #tpu.memory_space<vmem>>) semaphore(%arg15 : memref<!tpu.dma_semaphore, #tpu.memory_space<semaphore_mem>>) {add = true}
      %dma_wait3A_98 = arith.constant 0 : i32
      %dma_wait3A_99 = arith.constant 0 : i32
      %dma_wait3A_100 = tpu.memref_slice %arg12[%dma_wait3A_98, %dma_wait3A_99] : memref<50008x32xf32, #tpu.memory_space<vmem_shared>> -> memref<50008x32xf32, #tpu.memory_space<vmem_shared>>
      tpu.wait_indirect_dma semaphore(%arg15 : memref<!tpu.dma_semaphore, #tpu.memory_space<semaphore_mem>>) src(%arg10 : memref<448x32xf32, #tpu.memory_space<vmem>>) dst(%dma_wait3A_100 : memref<50008x32xf32, #tpu.memory_space<vmem_shared>>)
      %dma_wait3A_101 = arith.constant 0 : i32
      %dma_wait3A_102 = arith.constant 0 : i32
      %dma_wait3A_103 = tpu.memref_slice %arg12[%dma_wait3A_101, %dma_wait3A_102] : memref<50008x32xf32, #tpu.memory_space<vmem_shared>> -> memref<50008x32xf32, #tpu.memory_space<vmem_shared>>
      tpu.wait_indirect_dma semaphore(%arg15 : memref<!tpu.dma_semaphore, #tpu.memory_space<semaphore_mem>>) src(%arg11 : memref<448x32xf32, #tpu.memory_space<vmem>>) dst(%dma_wait3A_103 : memref<50008x32xf32, #tpu.memory_space<vmem_shared>>)
    }
    %while3A_46 = arith.constant 1 : i32
    scf.for %while3A_52 = %while3A_44 to %while3A_40 step %while3A_46  : i32 {
      %mul3A_53 = arith.constant 896 : i32
      %mul3A_54 = arith.muli %while3A_52, %mul3A_53 : i32
      %add3A_55 = arith.addi %mul3A_0, %mul3A_54 : i32
      %add3A_56 = arith.constant 448 : i32
      %add3A_57 = arith.addi %add3A_55, %add3A_56 : i32
      %dma_start3A = tpu.memref_slice %arg3[%add3A_29, %add3A_55] : memref<4x802816xi32, #tpu.memory_space<hbm>> -> memref<1x448xi32, #tpu.memory_space<hbm>>
      %dma_start3A_58 = tpu.memref_squeeze %dma_start3A : memref<1x448xi32, #tpu.memory_space<hbm>> -> memref<448xi32, #tpu.memory_space<hbm>>
      %dma_start3A_59 = tpu.memref_slice %arg3[%add3A_29, %add3A_55] : memref<4x802816xi32, #tpu.memory_space<hbm>> -> memref<1x448xi32, #tpu.memory_space<hbm>>
      %dma_start3A_60 = tpu.memref_squeeze %dma_start3A_59 : memref<1x448xi32, #tpu.memory_space<hbm>> -> memref<448xi32, #tpu.memory_space<hbm>>
      tpu.enqueue_dma source(%dma_start3A_60 : memref<448xi32, #tpu.memory_space<hbm>>) target(%arg6 : memref<448xi32, #tpu.memory_space<vmem>>) target_semaphore(%arg13 : memref<!tpu.dma_semaphore, #tpu.memory_space<semaphore_mem>>)
      %dma_start3A_61 = tpu.memref_slice %arg4[%add3A_55] : memref<802816xi32, #tpu.memory_space<hbm>> -> memref<448xi32, #tpu.memory_space<hbm>>
      %dma_start3A_62 = tpu.memref_slice %arg4[%add3A_55] : memref<802816xi32, #tpu.memory_space<hbm>> -> memref<448xi32, #tpu.memory_space<hbm>>
      tpu.enqueue_dma source(%dma_start3A_62 : memref<448xi32, #tpu.memory_space<hbm>>) target(%arg8 : memref<448xi32, #tpu.memory_space<vmem>>) target_semaphore(%arg13 : memref<!tpu.dma_semaphore, #tpu.memory_space<semaphore_mem>>)
      %dma_start3A_63 = tpu.memref_slice %arg3[%add3A_29, %add3A_57] : memref<4x802816xi32, #tpu.memory_space<hbm>> -> memref<1x448xi32, #tpu.memory_space<hbm>>
      %dma_start3A_64 = tpu.memref_squeeze %dma_start3A_63 : memref<1x448xi32, #tpu.memory_space<hbm>> -> memref<448xi32, #tpu.memory_space<hbm>>
      %dma_start3A_65 = tpu.memref_slice %arg3[%add3A_29, %add3A_57] : memref<4x802816xi32, #tpu.memory_space<hbm>> -> memref<1x448xi32, #tpu.memory_space<hbm>>
      %dma_start3A_66 = tpu.memref_squeeze %dma_start3A_65 : memref<1x448xi32, #tpu.memory_space<hbm>> -> memref<448xi32, #tpu.memory_space<hbm>>
      tpu.enqueue_dma source(%dma_start3A_66 : memref<448xi32, #tpu.memory_space<hbm>>) target(%arg7 : memref<448xi32, #tpu.memory_space<vmem>>) target_semaphore(%arg13 : memref<!tpu.dma_semaphore, #tpu.memory_space<semaphore_mem>>)
      %dma_start3A_67 = tpu.memref_slice %arg4[%add3A_57] : memref<802816xi32, #tpu.memory_space<hbm>> -> memref<448xi32, #tpu.memory_space<hbm>>
      %dma_start3A_68 = tpu.memref_slice %arg4[%add3A_57] : memref<802816xi32, #tpu.memory_space<hbm>> -> memref<448xi32, #tpu.memory_space<hbm>>
      tpu.enqueue_dma source(%dma_start3A_68 : memref<448xi32, #tpu.memory_space<hbm>>) target(%arg9 : memref<448xi32, #tpu.memory_space<vmem>>) target_semaphore(%arg13 : memref<!tpu.dma_semaphore, #tpu.memory_space<semaphore_mem>>)
      %dma_wait3A = tpu.memref_slice %arg3[%add3A_29, %add3A_55] : memref<4x802816xi32, #tpu.memory_space<hbm>> -> memref<1x448xi32, #tpu.memory_space<hbm>>
      %dma_wait3A_69 = tpu.memref_squeeze %dma_wait3A : memref<1x448xi32, #tpu.memory_space<hbm>> -> memref<448xi32, #tpu.memory_space<hbm>>
      %dma_wait3A_70 = tpu.memref_slice %arg3[%add3A_29, %add3A_55] : memref<4x802816xi32, #tpu.memory_space<hbm>> -> memref<1x448xi32, #tpu.memory_space<hbm>>
      %dma_wait3A_71 = tpu.memref_squeeze %dma_wait3A_70 : memref<1x448xi32, #tpu.memory_space<hbm>> -> memref<448xi32, #tpu.memory_space<hbm>>
      tpu.wait_dma2 semaphore(%arg13 : memref<!tpu.dma_semaphore, #tpu.memory_space<semaphore_mem>>) src(%dma_wait3A_71 : memref<448xi32, #tpu.memory_space<hbm>>) dst(%arg6 : memref<448xi32, #tpu.memory_space<vmem>>)
      %dma_wait3A_72 = tpu.memref_slice %arg4[%add3A_55] : memref<802816xi32, #tpu.memory_space<hbm>> -> memref<448xi32, #tpu.memory_space<hbm>>
      %dma_wait3A_73 = tpu.memref_slice %arg4[%add3A_55] : memref<802816xi32, #tpu.memory_space<hbm>> -> memref<448xi32, #tpu.memory_space<hbm>>
      tpu.wait_dma2 semaphore(%arg13 : memref<!tpu.dma_semaphore, #tpu.memory_space<semaphore_mem>>) src(%dma_wait3A_73 : memref<448xi32, #tpu.memory_space<hbm>>) dst(%arg8 : memref<448xi32, #tpu.memory_space<vmem>>)
      %dma_start3A_74 = arith.constant 0 : i32
      %dma_start3A_75 = arith.constant 0 : i32
      %dma_start3A_76 = tpu.memref_slice %arg2[%dma_start3A_74, %dma_start3A_75] : memref<200000x32xf32, #tpu.memory_space<hbm>> -> memref<200000x32xf32, #tpu.memory_space<hbm>>
      tpu.enqueue_indirect_dma source(%dma_start3A_76 : memref<200000x32xf32, #tpu.memory_space<hbm>>) target(%arg10 : memref<448x32xf32, #tpu.memory_space<vmem>>) offsets(%arg6 : memref<448xi32, #tpu.memory_space<vmem>>) semaphore(%arg14 : memref<!tpu.dma_semaphore, #tpu.memory_space<semaphore_mem>>)
      %dma_wait3A_77 = tpu.memref_slice %arg3[%add3A_29, %add3A_57] : memref<4x802816xi32, #tpu.memory_space<hbm>> -> memref<1x448xi32, #tpu.memory_space<hbm>>
      %dma_wait3A_78 = tpu.memref_squeeze %dma_wait3A_77 : memref<1x448xi32, #tpu.memory_space<hbm>> -> memref<448xi32, #tpu.memory_space<hbm>>
      %dma_wait3A_79 = tpu.memref_slice %arg3[%add3A_29, %add3A_57] : memref<4x802816xi32, #tpu.memory_space<hbm>> -> memref<1x448xi32, #tpu.memory_space<hbm>>
      %dma_wait3A_80 = tpu.memref_squeeze %dma_wait3A_79 : memref<1x448xi32, #tpu.memory_space<hbm>> -> memref<448xi32, #tpu.memory_space<hbm>>
      tpu.wait_dma2 semaphore(%arg13 : memref<!tpu.dma_semaphore, #tpu.memory_space<semaphore_mem>>) src(%dma_wait3A_80 : memref<448xi32, #tpu.memory_space<hbm>>) dst(%arg7 : memref<448xi32, #tpu.memory_space<vmem>>)
      %dma_wait3A_81 = tpu.memref_slice %arg4[%add3A_57] : memref<802816xi32, #tpu.memory_space<hbm>> -> memref<448xi32, #tpu.memory_space<hbm>>
      %dma_wait3A_82 = tpu.memref_slice %arg4[%add3A_57] : memref<802816xi32, #tpu.memory_space<hbm>> -> memref<448xi32, #tpu.memory_space<hbm>>
      tpu.wait_dma2 semaphore(%arg13 : memref<!tpu.dma_semaphore, #tpu.memory_space<semaphore_mem>>) src(%dma_wait3A_82 : memref<448xi32, #tpu.memory_space<hbm>>) dst(%arg9 : memref<448xi32, #tpu.memory_space<vmem>>)
      %dma_start3A_83 = arith.constant 0 : i32
      %dma_start3A_84 = arith.constant 0 : i32
      %dma_start3A_85 = tpu.memref_slice %arg2[%dma_start3A_83, %dma_start3A_84] : memref<200000x32xf32, #tpu.memory_space<hbm>> -> memref<200000x32xf32, #tpu.memory_space<hbm>>
      tpu.enqueue_indirect_dma source(%dma_start3A_85 : memref<200000x32xf32, #tpu.memory_space<hbm>>) target(%arg11 : memref<448x32xf32, #tpu.memory_space<vmem>>) offsets(%arg7 : memref<448xi32, #tpu.memory_space<vmem>>) semaphore(%arg14 : memref<!tpu.dma_semaphore, #tpu.memory_space<semaphore_mem>>)
      %dma_wait3A_86 = arith.constant 0 : i32
      %dma_wait3A_87 = arith.constant 0 : i32
      %dma_wait3A_88 = tpu.memref_slice %arg2[%dma_wait3A_86, %dma_wait3A_87] : memref<200000x32xf32, #tpu.memory_space<hbm>> -> memref<200000x32xf32, #tpu.memory_space<hbm>>
      tpu.wait_indirect_dma semaphore(%arg14 : memref<!tpu.dma_semaphore, #tpu.memory_space<semaphore_mem>>) src(%dma_wait3A_88 : memref<200000x32xf32, #tpu.memory_space<hbm>>) dst(%arg10 : memref<448x32xf32, #tpu.memory_space<vmem>>)
      %dma_start3A_89 = arith.constant 0 : i32
      %dma_start3A_90 = arith.constant 0 : i32
      %dma_start3A_91 = tpu.memref_slice %arg12[%dma_start3A_89, %dma_start3A_90] : memref<50008x32xf32, #tpu.memory_space<vmem_shared>> -> memref<50008x32xf32, #tpu.memory_space<vmem_shared>>
      tpu.enqueue_indirect_dma source(%arg10 : memref<448x32xf32, #tpu.memory_space<vmem>>) target(%dma_start3A_91 : memref<50008x32xf32, #tpu.memory_space<vmem_shared>>) offsets(%arg8 : memref<448xi32, #tpu.memory_space<vmem>>) semaphore(%arg15 : memref<!tpu.dma_semaphore, #tpu.memory_space<semaphore_mem>>) {add = true}
      %dma_wait3A_92 = arith.constant 0 : i32
      %dma_wait3A_93 = arith.constant 0 : i32
      %dma_wait3A_94 = tpu.memref_slice %arg2[%dma_wait3A_92, %dma_wait3A_93] : memref<200000x32xf32, #tpu.memory_space<hbm>> -> memref<200000x32xf32, #tpu.memory_space<hbm>>
      tpu.wait_indirect_dma semaphore(%arg14 : memref<!tpu.dma_semaphore, #tpu.memory_space<semaphore_mem>>) src(%dma_wait3A_94 : memref<200000x32xf32, #tpu.memory_space<hbm>>) dst(%arg11 : memref<448x32xf32, #tpu.memory_space<vmem>>)
      %dma_start3A_95 = arith.constant 0 : i32
      %dma_start3A_96 = arith.constant 0 : i32
      %dma_start3A_97 = tpu.memref_slice %arg12[%dma_start3A_95, %dma_start3A_96] : memref<50008x32xf32, #tpu.memory_space<vmem_shared>> -> memref<50008x32xf32, #tpu.memory_space<vmem_shared>>
      tpu.enqueue_indirect_dma source(%arg11 : memref<448x32xf32, #tpu.memory_space<vmem>>) target(%dma_start3A_97 : memref<50008x32xf32, #tpu.memory_space<vmem_shared>>) offsets(%arg9 : memref<448xi32, #tpu.memory_space<vmem>>) semaphore(%arg15 : memref<!tpu.dma_semaphore, #tpu.memory_space<semaphore_mem>>) {add = true}
      %dma_wait3A_98 = arith.constant 0 : i32
      %dma_wait3A_99 = arith.constant 0 : i32
      %dma_wait3A_100 = tpu.memref_slice %arg12[%dma_wait3A_98, %dma_wait3A_99] : memref<50008x32xf32, #tpu.memory_space<vmem_shared>> -> memref<50008x32xf32, #tpu.memory_space<vmem_shared>>
      tpu.wait_indirect_dma semaphore(%arg15 : memref<!tpu.dma_semaphore, #tpu.memory_space<semaphore_mem>>) src(%arg10 : memref<448x32xf32, #tpu.memory_space<vmem>>) dst(%dma_wait3A_100 : memref<50008x32xf32, #tpu.memory_space<vmem_shared>>)
      %dma_wait3A_101 = arith.constant 0 : i32
      %dma_wait3A_102 = arith.constant 0 : i32
      %dma_wait3A_103 = tpu.memref_slice %arg12[%dma_wait3A_101, %dma_wait3A_102] : memref<50008x32xf32, #tpu.memory_space<vmem_shared>> -> memref<50008x32xf32, #tpu.memory_space<vmem_shared>>
      tpu.wait_indirect_dma semaphore(%arg15 : memref<!tpu.dma_semaphore, #tpu.memory_space<semaphore_mem>>) src(%arg11 : memref<448x32xf32, #tpu.memory_space<vmem>>) dst(%dma_wait3A_103 : memref<50008x32xf32, #tpu.memory_space<vmem_shared>>)
    }
    %barrier3A_47 = arith.constant 0 : index
    tpu.barrier barrier_id(%barrier3A_47)
    %mul3A_48 = arith.constant 50000 : i32
    %mul3A_49 = arith.muli %add3A_29, %mul3A_48 : i32
    %add3A_50 = arith.addi %mul3A_49, %mul3A_2 : i32
    "tpu.region"() ({
      %run_scoped3A = tpu.sem_alloc : memref<!tpu.dma_semaphore, #tpu.memory_space<semaphore_mem>>
      %dma_start3A = arith.constant 0 : i32
      %dma_start3A_52 = tpu.memref_slice %arg5[%add3A_50, %dma_start3A] : memref<200000x32xf32, #tpu.memory_space<hbm>> -> memref<3125x32xf32, #tpu.memory_space<hbm>>
      %dma_start3A_53 = arith.constant 0 : i32
      %dma_start3A_54 = tpu.memref_slice %arg12[%mul3A_2, %dma_start3A_53] : memref<50008x32xf32, #tpu.memory_space<vmem_shared>> -> memref<3125x32xf32, #tpu.memory_space<vmem_shared>>
      tpu.enqueue_dma source(%dma_start3A_54 : memref<3125x32xf32, #tpu.memory_space<vmem_shared>>) target(%dma_start3A_52 : memref<3125x32xf32, #tpu.memory_space<hbm>>) target_semaphore(%run_scoped3A : memref<!tpu.dma_semaphore, #tpu.memory_space<semaphore_mem>>)
      %dma_wait3A = arith.constant 0 : i32
      %dma_wait3A_55 = tpu.memref_slice %arg5[%add3A_50, %dma_wait3A] : memref<200000x32xf32, #tpu.memory_space<hbm>> -> memref<3125x32xf32, #tpu.memory_space<hbm>>
      %dma_wait3A_56 = arith.constant 0 : i32
      %dma_wait3A_57 = tpu.memref_slice %arg12[%mul3A_2, %dma_wait3A_56] : memref<50008x32xf32, #tpu.memory_space<vmem_shared>> -> memref<3125x32xf32, #tpu.memory_space<vmem_shared>>
      tpu.wait_dma2 semaphore(%run_scoped3A : memref<!tpu.dma_semaphore, #tpu.memory_space<semaphore_mem>>) src(%dma_wait3A_57 : memref<3125x32xf32, #tpu.memory_space<vmem_shared>>) dst(%dma_wait3A_55 : memref<3125x32xf32, #tpu.memory_space<hbm>>)
      tpu.yield
    }) : () -> ()
    %barrier3A_51 = arith.constant 0 : index
    tpu.barrier barrier_id(%barrier3A_51)
    return
  }
}

#map = affine_map<(d0, d1) -> (0, 0)>
#map1 = affine_map<(d0, d1) -> (0)>
module attributes {stable_mosaic.version = 14 : i64} {
  func.func @_sc_body(%arg0: i32, %arg1: i32, %arg2: memref<200000x32xf32, #tpu.memory_space<hbm>>, %arg3: memref<4x802816xi32, #tpu.memory_space<hbm>>, %arg4: memref<802816xi32, #tpu.memory_space<hbm>>, %arg5: memref<200000x32xf32, #tpu.memory_space<hbm>>, %arg6: memref<448xi32, #tpu.memory_space<vmem>>, %arg7: memref<448xi32, #tpu.memory_space<vmem>>, %arg8: memref<448xi32, #tpu.memory_space<vmem>>, %arg9: memref<448xi32, #tpu.memory_space<vmem>>, %arg10: memref<448x32xf32, #tpu.memory_space<vmem>>, %arg11: memref<448x32xf32, #tpu.memory_space<vmem>>, %arg12: memref<50008x32xf32, #tpu.memory_space<vmem_shared>>, %arg13: memref<!tpu.dma_semaphore, #tpu.memory_space<semaphore_mem>>, %arg14: memref<!tpu.dma_semaphore, #tpu.memory_space<semaphore_mem>>, %arg15: memref<!tpu.dma_semaphore, #tpu.memory_space<semaphore_mem>>) attributes {dimension_semantics = [#tpu.dimension_semantics<core_parallel>, #tpu.dimension_semantics<subcore_parallel>], iteration_bounds = array<i64: 2, 16>, scalar_prefetch = 0 : i64, scratch_operands = 10 : i64, tpu.core_type = #tpu.core_type<sc_vector_subcore>, window_params = [{transform_indices = #map}, {transform_indices = #map}, {transform_indices = #map1}, {transform_indices = #map}]} {
    %mul3A = arith.constant 50176 : i32
    %mul3A_0 = arith.muli %arg1, %mul3A : i32
    %mul3A_1 = arith.constant 3125 : i32
    %mul3A_2 = arith.muli %arg1, %mul3A_1 : i32
    %mul3A_3 = arith.constant 2 : i32
    %mul3A_4 = arith.muli %arg0, %mul3A_3 : i32
    %add3A = arith.constant 0 : i32
    %add3A_5 = arith.addi %mul3A_4, %add3A : i32
    %mul3A_6 = arith.constant 32 : i32
    %mul3A_7 = arith.muli %add3A_5, %mul3A_6 : i32
    %mul3A_8 = arith.constant 50000 : i32
    %mul3A_9 = arith.muli %add3A_5, %mul3A_8 : i32
    %add3A_10 = arith.addi %mul3A_9, %mul3A_2 : i32
    "tpu.region"() ({
      %run_scoped3A = tpu.sem_alloc : memref<!tpu.dma_semaphore, #tpu.memory_space<semaphore_mem>>
      %dma_start3A = arith.constant 0 : i32
      %dma_start3A_52 = tpu.memref_slice %arg12[%mul3A_2, %dma_start3A] : memref<50008x32xf32, #tpu.memory_space<vmem_shared>> -> memref<3125x32xf32, #tpu.memory_space<vmem_shared>>
      %dma_start3A_53 = arith.constant 0 : i32
      %dma_start3A_54 = tpu.memref_slice %arg2[%add3A_10, %dma_start3A_53] : memref<200000x32xf32, #tpu.memory_space<hbm>> -> memref<3125x32xf32, #tpu.memory_space<hbm>>
      tpu.enqueue_dma source(%dma_start3A_54 : memref<3125x32xf32, #tpu.memory_space<hbm>>) target(%dma_start3A_52 : memref<3125x32xf32, #tpu.memory_space<vmem_shared>>) target_semaphore(%run_scoped3A : memref<!tpu.dma_semaphore, #tpu.memory_space<semaphore_mem>>)
      %dma_wait3A = arith.constant 0 : i32
      %dma_wait3A_55 = tpu.memref_slice %arg12[%mul3A_2, %dma_wait3A] : memref<50008x32xf32, #tpu.memory_space<vmem_shared>> -> memref<3125x32xf32, #tpu.memory_space<vmem_shared>>
      %dma_wait3A_56 = arith.constant 0 : i32
      %dma_wait3A_57 = tpu.memref_slice %arg2[%add3A_10, %dma_wait3A_56] : memref<200000x32xf32, #tpu.memory_space<hbm>> -> memref<3125x32xf32, #tpu.memory_space<hbm>>
      tpu.wait_dma2 semaphore(%run_scoped3A : memref<!tpu.dma_semaphore, #tpu.memory_space<semaphore_mem>>) src(%dma_wait3A_57 : memref<3125x32xf32, #tpu.memory_space<hbm>>) dst(%dma_wait3A_55 : memref<3125x32xf32, #tpu.memory_space<vmem_shared>>)
      tpu.yield
    }) : () -> ()
    %barrier3A = arith.constant 0 : index
    tpu.barrier barrier_id(%barrier3A)
    %while3A = arith.constant 0 : i32
    %while3A_11 = arith.constant 0 : i32
    %while3A_12 = arith.constant 56 : i32
    %while3A_13 = arith.subi %while3A_12, %while3A_11 : i32
    %while3A_14 = arith.addi %while3A_11, %while3A_13 : i32
    %while3A_15 = arith.constant 1 : i32
    %while3A_16 = arith.divsi %while3A_13, %while3A_15 : i32
    %while3A_17 = arith.muli %while3A_16, %while3A_15 : i32
    %while3A_18 = arith.addi %while3A_11, %while3A_17 : i32
    %while3A_19 = arith.constant 1 : i32
    scf.for %while3A_52 = %while3A_11 to %while3A_18 step %while3A_19  : i32 {
      %mul3A_53 = arith.constant 896 : i32
      %mul3A_54 = arith.muli %while3A_52, %mul3A_53 : i32
      %add3A_55 = arith.addi %mul3A_0, %mul3A_54 : i32
      %add3A_56 = arith.constant 448 : i32
      %add3A_57 = arith.addi %add3A_55, %add3A_56 : i32
      %dma_start3A = tpu.memref_slice %arg3[%add3A_5, %add3A_55] : memref<4x802816xi32, #tpu.memory_space<hbm>> -> memref<1x448xi32, #tpu.memory_space<hbm>>
      %dma_start3A_58 = tpu.memref_squeeze %dma_start3A : memref<1x448xi32, #tpu.memory_space<hbm>> -> memref<448xi32, #tpu.memory_space<hbm>>
      %dma_start3A_59 = tpu.memref_slice %arg3[%add3A_5, %add3A_55] : memref<4x802816xi32, #tpu.memory_space<hbm>> -> memref<1x448xi32, #tpu.memory_space<hbm>>
      %dma_start3A_60 = tpu.memref_squeeze %dma_start3A_59 : memref<1x448xi32, #tpu.memory_space<hbm>> -> memref<448xi32, #tpu.memory_space<hbm>>
      tpu.enqueue_dma source(%dma_start3A_60 : memref<448xi32, #tpu.memory_space<hbm>>) target(%arg6 : memref<448xi32, #tpu.memory_space<vmem>>) target_semaphore(%arg13 : memref<!tpu.dma_semaphore, #tpu.memory_space<semaphore_mem>>)
      %dma_start3A_61 = tpu.memref_slice %arg4[%add3A_55] : memref<802816xi32, #tpu.memory_space<hbm>> -> memref<448xi32, #tpu.memory_space<hbm>>
      %dma_start3A_62 = tpu.memref_slice %arg4[%add3A_55] : memref<802816xi32, #tpu.memory_space<hbm>> -> memref<448xi32, #tpu.memory_space<hbm>>
      tpu.enqueue_dma source(%dma_start3A_62 : memref<448xi32, #tpu.memory_space<hbm>>) target(%arg8 : memref<448xi32, #tpu.memory_space<vmem>>) target_semaphore(%arg13 : memref<!tpu.dma_semaphore, #tpu.memory_space<semaphore_mem>>)
      %dma_start3A_63 = tpu.memref_slice %arg3[%add3A_5, %add3A_57] : memref<4x802816xi32, #tpu.memory_space<hbm>> -> memref<1x448xi32, #tpu.memory_space<hbm>>
      %dma_start3A_64 = tpu.memref_squeeze %dma_start3A_63 : memref<1x448xi32, #tpu.memory_space<hbm>> -> memref<448xi32, #tpu.memory_space<hbm>>
      %dma_start3A_65 = tpu.memref_slice %arg3[%add3A_5, %add3A_57] : memref<4x802816xi32, #tpu.memory_space<hbm>> -> memref<1x448xi32, #tpu.memory_space<hbm>>
      %dma_start3A_66 = tpu.memref_squeeze %dma_start3A_65 : memref<1x448xi32, #tpu.memory_space<hbm>> -> memref<448xi32, #tpu.memory_space<hbm>>
      tpu.enqueue_dma source(%dma_start3A_66 : memref<448xi32, #tpu.memory_space<hbm>>) target(%arg7 : memref<448xi32, #tpu.memory_space<vmem>>) target_semaphore(%arg13 : memref<!tpu.dma_semaphore, #tpu.memory_space<semaphore_mem>>)
      %dma_start3A_67 = tpu.memref_slice %arg4[%add3A_57] : memref<802816xi32, #tpu.memory_space<hbm>> -> memref<448xi32, #tpu.memory_space<hbm>>
      %dma_start3A_68 = tpu.memref_slice %arg4[%add3A_57] : memref<802816xi32, #tpu.memory_space<hbm>> -> memref<448xi32, #tpu.memory_space<hbm>>
      tpu.enqueue_dma source(%dma_start3A_68 : memref<448xi32, #tpu.memory_space<hbm>>) target(%arg9 : memref<448xi32, #tpu.memory_space<vmem>>) target_semaphore(%arg13 : memref<!tpu.dma_semaphore, #tpu.memory_space<semaphore_mem>>)
      %dma_wait3A = tpu.memref_slice %arg3[%add3A_5, %add3A_55] : memref<4x802816xi32, #tpu.memory_space<hbm>> -> memref<1x448xi32, #tpu.memory_space<hbm>>
      %dma_wait3A_69 = tpu.memref_squeeze %dma_wait3A : memref<1x448xi32, #tpu.memory_space<hbm>> -> memref<448xi32, #tpu.memory_space<hbm>>
      %dma_wait3A_70 = tpu.memref_slice %arg3[%add3A_5, %add3A_55] : memref<4x802816xi32, #tpu.memory_space<hbm>> -> memref<1x448xi32, #tpu.memory_space<hbm>>
      %dma_wait3A_71 = tpu.memref_squeeze %dma_wait3A_70 : memref<1x448xi32, #tpu.memory_space<hbm>> -> memref<448xi32, #tpu.memory_space<hbm>>
      tpu.wait_dma2 semaphore(%arg13 : memref<!tpu.dma_semaphore, #tpu.memory_space<semaphore_mem>>) src(%dma_wait3A_71 : memref<448xi32, #tpu.memory_space<hbm>>) dst(%arg6 : memref<448xi32, #tpu.memory_space<vmem>>)
      %dma_wait3A_72 = tpu.memref_slice %arg4[%add3A_55] : memref<802816xi32, #tpu.memory_space<hbm>> -> memref<448xi32, #tpu.memory_space<hbm>>
      %dma_wait3A_73 = tpu.memref_slice %arg4[%add3A_55] : memref<802816xi32, #tpu.memory_space<hbm>> -> memref<448xi32, #tpu.memory_space<hbm>>
      tpu.wait_dma2 semaphore(%arg13 : memref<!tpu.dma_semaphore, #tpu.memory_space<semaphore_mem>>) src(%dma_wait3A_73 : memref<448xi32, #tpu.memory_space<hbm>>) dst(%arg8 : memref<448xi32, #tpu.memory_space<vmem>>)
      %dma_start3A_74 = arith.constant 0 : i32
      %dma_start3A_75 = arith.constant 0 : i32
      %dma_start3A_76 = tpu.memref_slice %arg2[%dma_start3A_74, %dma_start3A_75] : memref<200000x32xf32, #tpu.memory_space<hbm>> -> memref<200000x32xf32, #tpu.memory_space<hbm>>
      tpu.enqueue_indirect_dma source(%dma_start3A_76 : memref<200000x32xf32, #tpu.memory_space<hbm>>) target(%arg10 : memref<448x32xf32, #tpu.memory_space<vmem>>) offsets(%arg6 : memref<448xi32, #tpu.memory_space<vmem>>) semaphore(%arg14 : memref<!tpu.dma_semaphore, #tpu.memory_space<semaphore_mem>>)
      %dma_wait3A_77 = tpu.memref_slice %arg3[%add3A_5, %add3A_57] : memref<4x802816xi32, #tpu.memory_space<hbm>> -> memref<1x448xi32, #tpu.memory_space<hbm>>
      %dma_wait3A_78 = tpu.memref_squeeze %dma_wait3A_77 : memref<1x448xi32, #tpu.memory_space<hbm>> -> memref<448xi32, #tpu.memory_space<hbm>>
      %dma_wait3A_79 = tpu.memref_slice %arg3[%add3A_5, %add3A_57] : memref<4x802816xi32, #tpu.memory_space<hbm>> -> memref<1x448xi32, #tpu.memory_space<hbm>>
      %dma_wait3A_80 = tpu.memref_squeeze %dma_wait3A_79 : memref<1x448xi32, #tpu.memory_space<hbm>> -> memref<448xi32, #tpu.memory_space<hbm>>
      tpu.wait_dma2 semaphore(%arg13 : memref<!tpu.dma_semaphore, #tpu.memory_space<semaphore_mem>>) src(%dma_wait3A_80 : memref<448xi32, #tpu.memory_space<hbm>>) dst(%arg7 : memref<448xi32, #tpu.memory_space<vmem>>)
      %dma_wait3A_81 = tpu.memref_slice %arg4[%add3A_57] : memref<802816xi32, #tpu.memory_space<hbm>> -> memref<448xi32, #tpu.memory_space<hbm>>
      %dma_wait3A_82 = tpu.memref_slice %arg4[%add3A_57] : memref<802816xi32, #tpu.memory_space<hbm>> -> memref<448xi32, #tpu.memory_space<hbm>>
      tpu.wait_dma2 semaphore(%arg13 : memref<!tpu.dma_semaphore, #tpu.memory_space<semaphore_mem>>) src(%dma_wait3A_82 : memref<448xi32, #tpu.memory_space<hbm>>) dst(%arg9 : memref<448xi32, #tpu.memory_space<vmem>>)
      %dma_start3A_83 = arith.constant 0 : i32
      %dma_start3A_84 = arith.constant 0 : i32
      %dma_start3A_85 = tpu.memref_slice %arg2[%dma_start3A_83, %dma_start3A_84] : memref<200000x32xf32, #tpu.memory_space<hbm>> -> memref<200000x32xf32, #tpu.memory_space<hbm>>
      tpu.enqueue_indirect_dma source(%dma_start3A_85 : memref<200000x32xf32, #tpu.memory_space<hbm>>) target(%arg11 : memref<448x32xf32, #tpu.memory_space<vmem>>) offsets(%arg7 : memref<448xi32, #tpu.memory_space<vmem>>) semaphore(%arg14 : memref<!tpu.dma_semaphore, #tpu.memory_space<semaphore_mem>>)
      %dma_wait3A_86 = arith.constant 0 : i32
      %dma_wait3A_87 = arith.constant 0 : i32
      %dma_wait3A_88 = tpu.memref_slice %arg2[%dma_wait3A_86, %dma_wait3A_87] : memref<200000x32xf32, #tpu.memory_space<hbm>> -> memref<200000x32xf32, #tpu.memory_space<hbm>>
      tpu.wait_indirect_dma semaphore(%arg14 : memref<!tpu.dma_semaphore, #tpu.memory_space<semaphore_mem>>) src(%dma_wait3A_88 : memref<200000x32xf32, #tpu.memory_space<hbm>>) dst(%arg10 : memref<448x32xf32, #tpu.memory_space<vmem>>)
      %dma_start3A_89 = arith.constant 0 : i32
      %dma_start3A_90 = arith.constant 0 : i32
      %dma_start3A_91 = tpu.memref_slice %arg12[%dma_start3A_89, %dma_start3A_90] : memref<50008x32xf32, #tpu.memory_space<vmem_shared>> -> memref<50008x32xf32, #tpu.memory_space<vmem_shared>>
      tpu.enqueue_indirect_dma source(%arg10 : memref<448x32xf32, #tpu.memory_space<vmem>>) target(%dma_start3A_91 : memref<50008x32xf32, #tpu.memory_space<vmem_shared>>) offsets(%arg8 : memref<448xi32, #tpu.memory_space<vmem>>) semaphore(%arg15 : memref<!tpu.dma_semaphore, #tpu.memory_space<semaphore_mem>>) {add = true}
      %dma_wait3A_92 = arith.constant 0 : i32
      %dma_wait3A_93 = arith.constant 0 : i32
      %dma_wait3A_94 = tpu.memref_slice %arg2[%dma_wait3A_92, %dma_wait3A_93] : memref<200000x32xf32, #tpu.memory_space<hbm>> -> memref<200000x32xf32, #tpu.memory_space<hbm>>
      tpu.wait_indirect_dma semaphore(%arg14 : memref<!tpu.dma_semaphore, #tpu.memory_space<semaphore_mem>>) src(%dma_wait3A_94 : memref<200000x32xf32, #tpu.memory_space<hbm>>) dst(%arg11 : memref<448x32xf32, #tpu.memory_space<vmem>>)
      %dma_start3A_95 = arith.constant 0 : i32
      %dma_start3A_96 = arith.constant 0 : i32
      %dma_start3A_97 = tpu.memref_slice %arg12[%dma_start3A_95, %dma_start3A_96] : memref<50008x32xf32, #tpu.memory_space<vmem_shared>> -> memref<50008x32xf32, #tpu.memory_space<vmem_shared>>
      tpu.enqueue_indirect_dma source(%arg11 : memref<448x32xf32, #tpu.memory_space<vmem>>) target(%dma_start3A_97 : memref<50008x32xf32, #tpu.memory_space<vmem_shared>>) offsets(%arg9 : memref<448xi32, #tpu.memory_space<vmem>>) semaphore(%arg15 : memref<!tpu.dma_semaphore, #tpu.memory_space<semaphore_mem>>) {add = true}
      %dma_wait3A_98 = arith.constant 0 : i32
      %dma_wait3A_99 = arith.constant 0 : i32
      %dma_wait3A_100 = tpu.memref_slice %arg12[%dma_wait3A_98, %dma_wait3A_99] : memref<50008x32xf32, #tpu.memory_space<vmem_shared>> -> memref<50008x32xf32, #tpu.memory_space<vmem_shared>>
      tpu.wait_indirect_dma semaphore(%arg15 : memref<!tpu.dma_semaphore, #tpu.memory_space<semaphore_mem>>) src(%arg10 : memref<448x32xf32, #tpu.memory_space<vmem>>) dst(%dma_wait3A_100 : memref<50008x32xf32, #tpu.memory_space<vmem_shared>>)
      %dma_wait3A_101 = arith.constant 0 : i32
      %dma_wait3A_102 = arith.constant 0 : i32
      %dma_wait3A_103 = tpu.memref_slice %arg12[%dma_wait3A_101, %dma_wait3A_102] : memref<50008x32xf32, #tpu.memory_space<vmem_shared>> -> memref<50008x32xf32, #tpu.memory_space<vmem_shared>>
      tpu.wait_indirect_dma semaphore(%arg15 : memref<!tpu.dma_semaphore, #tpu.memory_space<semaphore_mem>>) src(%arg11 : memref<448x32xf32, #tpu.memory_space<vmem>>) dst(%dma_wait3A_103 : memref<50008x32xf32, #tpu.memory_space<vmem_shared>>)
    }
    %while3A_20 = arith.constant 1 : i32
    scf.for %while3A_52 = %while3A_18 to %while3A_14 step %while3A_20  : i32 {
      %mul3A_53 = arith.constant 896 : i32
      %mul3A_54 = arith.muli %while3A_52, %mul3A_53 : i32
      %add3A_55 = arith.addi %mul3A_0, %mul3A_54 : i32
      %add3A_56 = arith.constant 448 : i32
      %add3A_57 = arith.addi %add3A_55, %add3A_56 : i32
      %dma_start3A = tpu.memref_slice %arg3[%add3A_5, %add3A_55] : memref<4x802816xi32, #tpu.memory_space<hbm>> -> memref<1x448xi32, #tpu.memory_space<hbm>>
      %dma_start3A_58 = tpu.memref_squeeze %dma_start3A : memref<1x448xi32, #tpu.memory_space<hbm>> -> memref<448xi32, #tpu.memory_space<hbm>>
      %dma_start3A_59 = tpu.memref_slice %arg3[%add3A_5, %add3A_55] : memref<4x802816xi32, #tpu.memory_space<hbm>> -> memref<1x448xi32, #tpu.memory_space<hbm>>
      %dma_start3A_60 = tpu.memref_squeeze %dma_start3A_59 : memref<1x448xi32, #tpu.memory_space<hbm>> -> memref<448xi32, #tpu.memory_space<hbm>>
      tpu.enqueue_dma source(%dma_start3A_60 : memref<448xi32, #tpu.memory_space<hbm>>) target(%arg6 : memref<448xi32, #tpu.memory_space<vmem>>) target_semaphore(%arg13 : memref<!tpu.dma_semaphore, #tpu.memory_space<semaphore_mem>>)
      %dma_start3A_61 = tpu.memref_slice %arg4[%add3A_55] : memref<802816xi32, #tpu.memory_space<hbm>> -> memref<448xi32, #tpu.memory_space<hbm>>
      %dma_start3A_62 = tpu.memref_slice %arg4[%add3A_55] : memref<802816xi32, #tpu.memory_space<hbm>> -> memref<448xi32, #tpu.memory_space<hbm>>
      tpu.enqueue_dma source(%dma_start3A_62 : memref<448xi32, #tpu.memory_space<hbm>>) target(%arg8 : memref<448xi32, #tpu.memory_space<vmem>>) target_semaphore(%arg13 : memref<!tpu.dma_semaphore, #tpu.memory_space<semaphore_mem>>)
      %dma_start3A_63 = tpu.memref_slice %arg3[%add3A_5, %add3A_57] : memref<4x802816xi32, #tpu.memory_space<hbm>> -> memref<1x448xi32, #tpu.memory_space<hbm>>
      %dma_start3A_64 = tpu.memref_squeeze %dma_start3A_63 : memref<1x448xi32, #tpu.memory_space<hbm>> -> memref<448xi32, #tpu.memory_space<hbm>>
      %dma_start3A_65 = tpu.memref_slice %arg3[%add3A_5, %add3A_57] : memref<4x802816xi32, #tpu.memory_space<hbm>> -> memref<1x448xi32, #tpu.memory_space<hbm>>
      %dma_start3A_66 = tpu.memref_squeeze %dma_start3A_65 : memref<1x448xi32, #tpu.memory_space<hbm>> -> memref<448xi32, #tpu.memory_space<hbm>>
      tpu.enqueue_dma source(%dma_start3A_66 : memref<448xi32, #tpu.memory_space<hbm>>) target(%arg7 : memref<448xi32, #tpu.memory_space<vmem>>) target_semaphore(%arg13 : memref<!tpu.dma_semaphore, #tpu.memory_space<semaphore_mem>>)
      %dma_start3A_67 = tpu.memref_slice %arg4[%add3A_57] : memref<802816xi32, #tpu.memory_space<hbm>> -> memref<448xi32, #tpu.memory_space<hbm>>
      %dma_start3A_68 = tpu.memref_slice %arg4[%add3A_57] : memref<802816xi32, #tpu.memory_space<hbm>> -> memref<448xi32, #tpu.memory_space<hbm>>
      tpu.enqueue_dma source(%dma_start3A_68 : memref<448xi32, #tpu.memory_space<hbm>>) target(%arg9 : memref<448xi32, #tpu.memory_space<vmem>>) target_semaphore(%arg13 : memref<!tpu.dma_semaphore, #tpu.memory_space<semaphore_mem>>)
      %dma_wait3A = tpu.memref_slice %arg3[%add3A_5, %add3A_55] : memref<4x802816xi32, #tpu.memory_space<hbm>> -> memref<1x448xi32, #tpu.memory_space<hbm>>
      %dma_wait3A_69 = tpu.memref_squeeze %dma_wait3A : memref<1x448xi32, #tpu.memory_space<hbm>> -> memref<448xi32, #tpu.memory_space<hbm>>
      %dma_wait3A_70 = tpu.memref_slice %arg3[%add3A_5, %add3A_55] : memref<4x802816xi32, #tpu.memory_space<hbm>> -> memref<1x448xi32, #tpu.memory_space<hbm>>
      %dma_wait3A_71 = tpu.memref_squeeze %dma_wait3A_70 : memref<1x448xi32, #tpu.memory_space<hbm>> -> memref<448xi32, #tpu.memory_space<hbm>>
      tpu.wait_dma2 semaphore(%arg13 : memref<!tpu.dma_semaphore, #tpu.memory_space<semaphore_mem>>) src(%dma_wait3A_71 : memref<448xi32, #tpu.memory_space<hbm>>) dst(%arg6 : memref<448xi32, #tpu.memory_space<vmem>>)
      %dma_wait3A_72 = tpu.memref_slice %arg4[%add3A_55] : memref<802816xi32, #tpu.memory_space<hbm>> -> memref<448xi32, #tpu.memory_space<hbm>>
      %dma_wait3A_73 = tpu.memref_slice %arg4[%add3A_55] : memref<802816xi32, #tpu.memory_space<hbm>> -> memref<448xi32, #tpu.memory_space<hbm>>
      tpu.wait_dma2 semaphore(%arg13 : memref<!tpu.dma_semaphore, #tpu.memory_space<semaphore_mem>>) src(%dma_wait3A_73 : memref<448xi32, #tpu.memory_space<hbm>>) dst(%arg8 : memref<448xi32, #tpu.memory_space<vmem>>)
      %dma_start3A_74 = arith.constant 0 : i32
      %dma_start3A_75 = arith.constant 0 : i32
      %dma_start3A_76 = tpu.memref_slice %arg2[%dma_start3A_74, %dma_start3A_75] : memref<200000x32xf32, #tpu.memory_space<hbm>> -> memref<200000x32xf32, #tpu.memory_space<hbm>>
      tpu.enqueue_indirect_dma source(%dma_start3A_76 : memref<200000x32xf32, #tpu.memory_space<hbm>>) target(%arg10 : memref<448x32xf32, #tpu.memory_space<vmem>>) offsets(%arg6 : memref<448xi32, #tpu.memory_space<vmem>>) semaphore(%arg14 : memref<!tpu.dma_semaphore, #tpu.memory_space<semaphore_mem>>)
      %dma_wait3A_77 = tpu.memref_slice %arg3[%add3A_5, %add3A_57] : memref<4x802816xi32, #tpu.memory_space<hbm>> -> memref<1x448xi32, #tpu.memory_space<hbm>>
      %dma_wait3A_78 = tpu.memref_squeeze %dma_wait3A_77 : memref<1x448xi32, #tpu.memory_space<hbm>> -> memref<448xi32, #tpu.memory_space<hbm>>
      %dma_wait3A_79 = tpu.memref_slice %arg3[%add3A_5, %add3A_57] : memref<4x802816xi32, #tpu.memory_space<hbm>> -> memref<1x448xi32, #tpu.memory_space<hbm>>
      %dma_wait3A_80 = tpu.memref_squeeze %dma_wait3A_79 : memref<1x448xi32, #tpu.memory_space<hbm>> -> memref<448xi32, #tpu.memory_space<hbm>>
      tpu.wait_dma2 semaphore(%arg13 : memref<!tpu.dma_semaphore, #tpu.memory_space<semaphore_mem>>) src(%dma_wait3A_80 : memref<448xi32, #tpu.memory_space<hbm>>) dst(%arg7 : memref<448xi32, #tpu.memory_space<vmem>>)
      %dma_wait3A_81 = tpu.memref_slice %arg4[%add3A_57] : memref<802816xi32, #tpu.memory_space<hbm>> -> memref<448xi32, #tpu.memory_space<hbm>>
      %dma_wait3A_82 = tpu.memref_slice %arg4[%add3A_57] : memref<802816xi32, #tpu.memory_space<hbm>> -> memref<448xi32, #tpu.memory_space<hbm>>
      tpu.wait_dma2 semaphore(%arg13 : memref<!tpu.dma_semaphore, #tpu.memory_space<semaphore_mem>>) src(%dma_wait3A_82 : memref<448xi32, #tpu.memory_space<hbm>>) dst(%arg9 : memref<448xi32, #tpu.memory_space<vmem>>)
      %dma_start3A_83 = arith.constant 0 : i32
      %dma_start3A_84 = arith.constant 0 : i32
      %dma_start3A_85 = tpu.memref_slice %arg2[%dma_start3A_83, %dma_start3A_84] : memref<200000x32xf32, #tpu.memory_space<hbm>> -> memref<200000x32xf32, #tpu.memory_space<hbm>>
      tpu.enqueue_indirect_dma source(%dma_start3A_85 : memref<200000x32xf32, #tpu.memory_space<hbm>>) target(%arg11 : memref<448x32xf32, #tpu.memory_space<vmem>>) offsets(%arg7 : memref<448xi32, #tpu.memory_space<vmem>>) semaphore(%arg14 : memref<!tpu.dma_semaphore, #tpu.memory_space<semaphore_mem>>)
      %dma_wait3A_86 = arith.constant 0 : i32
      %dma_wait3A_87 = arith.constant 0 : i32
      %dma_wait3A_88 = tpu.memref_slice %arg2[%dma_wait3A_86, %dma_wait3A_87] : memref<200000x32xf32, #tpu.memory_space<hbm>> -> memref<200000x32xf32, #tpu.memory_space<hbm>>
      tpu.wait_indirect_dma semaphore(%arg14 : memref<!tpu.dma_semaphore, #tpu.memory_space<semaphore_mem>>) src(%dma_wait3A_88 : memref<200000x32xf32, #tpu.memory_space<hbm>>) dst(%arg10 : memref<448x32xf32, #tpu.memory_space<vmem>>)
      %dma_start3A_89 = arith.constant 0 : i32
      %dma_start3A_90 = arith.constant 0 : i32
      %dma_start3A_91 = tpu.memref_slice %arg12[%dma_start3A_89, %dma_start3A_90] : memref<50008x32xf32, #tpu.memory_space<vmem_shared>> -> memref<50008x32xf32, #tpu.memory_space<vmem_shared>>
      tpu.enqueue_indirect_dma source(%arg10 : memref<448x32xf32, #tpu.memory_space<vmem>>) target(%dma_start3A_91 : memref<50008x32xf32, #tpu.memory_space<vmem_shared>>) offsets(%arg8 : memref<448xi32, #tpu.memory_space<vmem>>) semaphore(%arg15 : memref<!tpu.dma_semaphore, #tpu.memory_space<semaphore_mem>>) {add = true}
      %dma_wait3A_92 = arith.constant 0 : i32
      %dma_wait3A_93 = arith.constant 0 : i32
      %dma_wait3A_94 = tpu.memref_slice %arg2[%dma_wait3A_92, %dma_wait3A_93] : memref<200000x32xf32, #tpu.memory_space<hbm>> -> memref<200000x32xf32, #tpu.memory_space<hbm>>
      tpu.wait_indirect_dma semaphore(%arg14 : memref<!tpu.dma_semaphore, #tpu.memory_space<semaphore_mem>>) src(%dma_wait3A_94 : memref<200000x32xf32, #tpu.memory_space<hbm>>) dst(%arg11 : memref<448x32xf32, #tpu.memory_space<vmem>>)
      %dma_start3A_95 = arith.constant 0 : i32
      %dma_start3A_96 = arith.constant 0 : i32
      %dma_start3A_97 = tpu.memref_slice %arg12[%dma_start3A_95, %dma_start3A_96] : memref<50008x32xf32, #tpu.memory_space<vmem_shared>> -> memref<50008x32xf32, #tpu.memory_space<vmem_shared>>
      tpu.enqueue_indirect_dma source(%arg11 : memref<448x32xf32, #tpu.memory_space<vmem>>) target(%dma_start3A_97 : memref<50008x32xf32, #tpu.memory_space<vmem_shared>>) offsets(%arg9 : memref<448xi32, #tpu.memory_space<vmem>>) semaphore(%arg15 : memref<!tpu.dma_semaphore, #tpu.memory_space<semaphore_mem>>) {add = true}
      %dma_wait3A_98 = arith.constant 0 : i32
      %dma_wait3A_99 = arith.constant 0 : i32
      %dma_wait3A_100 = tpu.memref_slice %arg12[%dma_wait3A_98, %dma_wait3A_99] : memref<50008x32xf32, #tpu.memory_space<vmem_shared>> -> memref<50008x32xf32, #tpu.memory_space<vmem_shared>>
      tpu.wait_indirect_dma semaphore(%arg15 : memref<!tpu.dma_semaphore, #tpu.memory_space<semaphore_mem>>) src(%arg10 : memref<448x32xf32, #tpu.memory_space<vmem>>) dst(%dma_wait3A_100 : memref<50008x32xf32, #tpu.memory_space<vmem_shared>>)
      %dma_wait3A_101 = arith.constant 0 : i32
      %dma_wait3A_102 = arith.constant 0 : i32
      %dma_wait3A_103 = tpu.memref_slice %arg12[%dma_wait3A_101, %dma_wait3A_102] : memref<50008x32xf32, #tpu.memory_space<vmem_shared>> -> memref<50008x32xf32, #tpu.memory_space<vmem_shared>>
      tpu.wait_indirect_dma semaphore(%arg15 : memref<!tpu.dma_semaphore, #tpu.memory_space<semaphore_mem>>) src(%arg11 : memref<448x32xf32, #tpu.memory_space<vmem>>) dst(%dma_wait3A_103 : memref<50008x32xf32, #tpu.memory_space<vmem_shared>>)
    }
    %barrier3A_21 = arith.constant 0 : index
    tpu.barrier barrier_id(%barrier3A_21)
    %mul3A_22 = arith.constant 50000 : i32
    %mul3A_23 = arith.muli %add3A_5, %mul3A_22 : i32
    %add3A_24 = arith.addi %mul3A_23, %mul3A_2 : i32
    "tpu.region"() ({
      %run_scoped3A = tpu.sem_alloc : memref<!tpu.dma_semaphore, #tpu.memory_space<semaphore_mem>>
      %dma_start3A = arith.constant 0 : i32
      %dma_start3A_52 = tpu.memref_slice %arg5[%add3A_24, %dma_start3A] : memref<200000x32xf32, #tpu.memory_space<hbm>> -> memref<3125x32xf32, #tpu.memory_space<hbm>>
      %dma_start3A_53 = arith.constant 0 : i32
      %dma_start3A_54 = tpu.memref_slice %arg12[%mul3A_2, %dma_start3A_53] : memref<50008x32xf32, #tpu.memory_space<vmem_shared>> -> memref<3125x32xf32, #tpu.memory_space<vmem_shared>>
      tpu.enqueue_dma source(%dma_start3A_54 : memref<3125x32xf32, #tpu.memory_space<vmem_shared>>) target(%dma_start3A_52 : memref<3125x32xf32, #tpu.memory_space<hbm>>) target_semaphore(%run_scoped3A : memref<!tpu.dma_semaphore, #tpu.memory_space<semaphore_mem>>)
      %dma_wait3A = arith.constant 0 : i32
      %dma_wait3A_55 = tpu.memref_slice %arg5[%add3A_24, %dma_wait3A] : memref<200000x32xf32, #tpu.memory_space<hbm>> -> memref<3125x32xf32, #tpu.memory_space<hbm>>
      %dma_wait3A_56 = arith.constant 0 : i32
      %dma_wait3A_57 = tpu.memref_slice %arg12[%mul3A_2, %dma_wait3A_56] : memref<50008x32xf32, #tpu.memory_space<vmem_shared>> -> memref<3125x32xf32, #tpu.memory_space<vmem_shared>>
      tpu.wait_dma2 semaphore(%run_scoped3A : memref<!tpu.dma_semaphore, #tpu.memory_space<semaphore_mem>>) src(%dma_wait3A_57 : memref<3125x32xf32, #tpu.memory_space<vmem_shared>>) dst(%dma_wait3A_55 : memref<3125x32xf32, #tpu.memory_space<hbm>>)
      tpu.yield
    }) : () -> ()
    %barrier3A_25 = arith.constant 0 : index
    tpu.barrier barrier_id(%barrier3A_25)
    %mul3A_26 = arith.constant 2 : i32
    %mul3A_27 = arith.muli %arg0, %mul3A_26 : i32
    %add3A_28 = arith.constant 1 : i32
    %add3A_29 = arith.addi %mul3A_27, %add3A_28 : i32
    %mul3A_30 = arith.constant 32 : i32
    %mul3A_31 = arith.muli %add3A_29, %mul3A_30 : i32
    %mul3A_32 = arith.constant 50000 : i32
    %mul3A_33 = arith.muli %add3A_29, %mul3A_32 : i32
    %add3A_34 = arith.addi %mul3A_33, %mul3A_2 : i32
    "tpu.region"() ({
      %run_scoped3A = tpu.sem_alloc : memref<!tpu.dma_semaphore, #tpu.memory_space<semaphore_mem>>
      %dma_start3A = arith.constant 0 : i32
      %dma_start3A_52 = tpu.memref_slice %arg12[%mul3A_2, %dma_start3A] : memref<50008x32xf32, #tpu.memory_space<vmem_shared>> -> memref<3125x32xf32, #tpu.memory_space<vmem_shared>>
      %dma_start3A_53 = arith.constant 0 : i32
      %dma_start3A_54 = tpu.memref_slice %arg2[%add3A_34, %dma_start3A_53] : memref<200000x32xf32, #tpu.memory_space<hbm>> -> memref<3125x32xf32, #tpu.memory_space<hbm>>
      tpu.enqueue_dma source(%dma_start3A_54 : memref<3125x32xf32, #tpu.memory_space<hbm>>) target(%dma_start3A_52 : memref<3125x32xf32, #tpu.memory_space<vmem_shared>>) target_semaphore(%run_scoped3A : memref<!tpu.dma_semaphore, #tpu.memory_space<semaphore_mem>>)
      %dma_wait3A = arith.constant 0 : i32
      %dma_wait3A_55 = tpu.memref_slice %arg12[%mul3A_2, %dma_wait3A] : memref<50008x32xf32, #tpu.memory_space<vmem_shared>> -> memref<3125x32xf32, #tpu.memory_space<vmem_shared>>
      %dma_wait3A_56 = arith.constant 0 : i32
      %dma_wait3A_57 = tpu.memref_slice %arg2[%add3A_34, %dma_wait3A_56] : memref<200000x32xf32, #tpu.memory_space<hbm>> -> memref<3125x32xf32, #tpu.memory_space<hbm>>
      tpu.wait_dma2 semaphore(%run_scoped3A : memref<!tpu.dma_semaphore, #tpu.memory_space<semaphore_mem>>) src(%dma_wait3A_57 : memref<3125x32xf32, #tpu.memory_space<hbm>>) dst(%dma_wait3A_55 : memref<3125x32xf32, #tpu.memory_space<vmem_shared>>)
      tpu.yield
    }) : () -> ()
    %barrier3A_35 = arith.constant 0 : index
    tpu.barrier barrier_id(%barrier3A_35)
    %while3A_36 = arith.constant 0 : i32
    %while3A_37 = arith.constant 0 : i32
    %while3A_38 = arith.constant 56 : i32
    %while3A_39 = arith.subi %while3A_38, %while3A_37 : i32
    %while3A_40 = arith.addi %while3A_37, %while3A_39 : i32
    %while3A_41 = arith.constant 1 : i32
    %while3A_42 = arith.divsi %while3A_39, %while3A_41 : i32
    %while3A_43 = arith.muli %while3A_42, %while3A_41 : i32
    %while3A_44 = arith.addi %while3A_37, %while3A_43 : i32
    %while3A_45 = arith.constant 1 : i32
    scf.for %while3A_52 = %while3A_37 to %while3A_44 step %while3A_45  : i32 {
      %mul3A_53 = arith.constant 896 : i32
      %mul3A_54 = arith.muli %while3A_52, %mul3A_53 : i32
      %add3A_55 = arith.addi %mul3A_0, %mul3A_54 : i32
      %add3A_56 = arith.constant 448 : i32
      %add3A_57 = arith.addi %add3A_55, %add3A_56 : i32
      %dma_start3A = tpu.memref_slice %arg3[%add3A_29, %add3A_55] : memref<4x802816xi32, #tpu.memory_space<hbm>> -> memref<1x448xi32, #tpu.memory_space<hbm>>
      %dma_start3A_58 = tpu.memref_squeeze %dma_start3A : memref<1x448xi32, #tpu.memory_space<hbm>> -> memref<448xi32, #tpu.memory_space<hbm>>
      %dma_start3A_59 = tpu.memref_slice %arg3[%add3A_29, %add3A_55] : memref<4x802816xi32, #tpu.memory_space<hbm>> -> memref<1x448xi32, #tpu.memory_space<hbm>>
      %dma_start3A_60 = tpu.memref_squeeze %dma_start3A_59 : memref<1x448xi32, #tpu.memory_space<hbm>> -> memref<448xi32, #tpu.memory_space<hbm>>
      tpu.enqueue_dma source(%dma_start3A_60 : memref<448xi32, #tpu.memory_space<hbm>>) target(%arg6 : memref<448xi32, #tpu.memory_space<vmem>>) target_semaphore(%arg13 : memref<!tpu.dma_semaphore, #tpu.memory_space<semaphore_mem>>)
      %dma_start3A_61 = tpu.memref_slice %arg4[%add3A_55] : memref<802816xi32, #tpu.memory_space<hbm>> -> memref<448xi32, #tpu.memory_space<hbm>>
      %dma_start3A_62 = tpu.memref_slice %arg4[%add3A_55] : memref<802816xi32, #tpu.memory_space<hbm>> -> memref<448xi32, #tpu.memory_space<hbm>>
      tpu.enqueue_dma source(%dma_start3A_62 : memref<448xi32, #tpu.memory_space<hbm>>) target(%arg8 : memref<448xi32, #tpu.memory_space<vmem>>) target_semaphore(%arg13 : memref<!tpu.dma_semaphore, #tpu.memory_space<semaphore_mem>>)
      %dma_start3A_63 = tpu.memref_slice %arg3[%add3A_29, %add3A_57] : memref<4x802816xi32, #tpu.memory_space<hbm>> -> memref<1x448xi32, #tpu.memory_space<hbm>>
      %dma_start3A_64 = tpu.memref_squeeze %dma_start3A_63 : memref<1x448xi32, #tpu.memory_space<hbm>> -> memref<448xi32, #tpu.memory_space<hbm>>
      %dma_start3A_65 = tpu.memref_slice %arg3[%add3A_29, %add3A_57] : memref<4x802816xi32, #tpu.memory_space<hbm>> -> memref<1x448xi32, #tpu.memory_space<hbm>>
      %dma_start3A_66 = tpu.memref_squeeze %dma_start3A_65 : memref<1x448xi32, #tpu.memory_space<hbm>> -> memref<448xi32, #tpu.memory_space<hbm>>
      tpu.enqueue_dma source(%dma_start3A_66 : memref<448xi32, #tpu.memory_space<hbm>>) target(%arg7 : memref<448xi32, #tpu.memory_space<vmem>>) target_semaphore(%arg13 : memref<!tpu.dma_semaphore, #tpu.memory_space<semaphore_mem>>)
      %dma_start3A_67 = tpu.memref_slice %arg4[%add3A_57] : memref<802816xi32, #tpu.memory_space<hbm>> -> memref<448xi32, #tpu.memory_space<hbm>>
      %dma_start3A_68 = tpu.memref_slice %arg4[%add3A_57] : memref<802816xi32, #tpu.memory_space<hbm>> -> memref<448xi32, #tpu.memory_space<hbm>>
      tpu.enqueue_dma source(%dma_start3A_68 : memref<448xi32, #tpu.memory_space<hbm>>) target(%arg9 : memref<448xi32, #tpu.memory_space<vmem>>) target_semaphore(%arg13 : memref<!tpu.dma_semaphore, #tpu.memory_space<semaphore_mem>>)
      %dma_wait3A = tpu.memref_slice %arg3[%add3A_29, %add3A_55] : memref<4x802816xi32, #tpu.memory_space<hbm>> -> memref<1x448xi32, #tpu.memory_space<hbm>>
      %dma_wait3A_69 = tpu.memref_squeeze %dma_wait3A : memref<1x448xi32, #tpu.memory_space<hbm>> -> memref<448xi32, #tpu.memory_space<hbm>>
      %dma_wait3A_70 = tpu.memref_slice %arg3[%add3A_29, %add3A_55] : memref<4x802816xi32, #tpu.memory_space<hbm>> -> memref<1x448xi32, #tpu.memory_space<hbm>>
      %dma_wait3A_71 = tpu.memref_squeeze %dma_wait3A_70 : memref<1x448xi32, #tpu.memory_space<hbm>> -> memref<448xi32, #tpu.memory_space<hbm>>
      tpu.wait_dma2 semaphore(%arg13 : memref<!tpu.dma_semaphore, #tpu.memory_space<semaphore_mem>>) src(%dma_wait3A_71 : memref<448xi32, #tpu.memory_space<hbm>>) dst(%arg6 : memref<448xi32, #tpu.memory_space<vmem>>)
      %dma_wait3A_72 = tpu.memref_slice %arg4[%add3A_55] : memref<802816xi32, #tpu.memory_space<hbm>> -> memref<448xi32, #tpu.memory_space<hbm>>
      %dma_wait3A_73 = tpu.memref_slice %arg4[%add3A_55] : memref<802816xi32, #tpu.memory_space<hbm>> -> memref<448xi32, #tpu.memory_space<hbm>>
      tpu.wait_dma2 semaphore(%arg13 : memref<!tpu.dma_semaphore, #tpu.memory_space<semaphore_mem>>) src(%dma_wait3A_73 : memref<448xi32, #tpu.memory_space<hbm>>) dst(%arg8 : memref<448xi32, #tpu.memory_space<vmem>>)
      %dma_start3A_74 = arith.constant 0 : i32
      %dma_start3A_75 = arith.constant 0 : i32
      %dma_start3A_76 = tpu.memref_slice %arg2[%dma_start3A_74, %dma_start3A_75] : memref<200000x32xf32, #tpu.memory_space<hbm>> -> memref<200000x32xf32, #tpu.memory_space<hbm>>
      tpu.enqueue_indirect_dma source(%dma_start3A_76 : memref<200000x32xf32, #tpu.memory_space<hbm>>) target(%arg10 : memref<448x32xf32, #tpu.memory_space<vmem>>) offsets(%arg6 : memref<448xi32, #tpu.memory_space<vmem>>) semaphore(%arg14 : memref<!tpu.dma_semaphore, #tpu.memory_space<semaphore_mem>>)
      %dma_wait3A_77 = tpu.memref_slice %arg3[%add3A_29, %add3A_57] : memref<4x802816xi32, #tpu.memory_space<hbm>> -> memref<1x448xi32, #tpu.memory_space<hbm>>
      %dma_wait3A_78 = tpu.memref_squeeze %dma_wait3A_77 : memref<1x448xi32, #tpu.memory_space<hbm>> -> memref<448xi32, #tpu.memory_space<hbm>>
      %dma_wait3A_79 = tpu.memref_slice %arg3[%add3A_29, %add3A_57] : memref<4x802816xi32, #tpu.memory_space<hbm>> -> memref<1x448xi32, #tpu.memory_space<hbm>>
      %dma_wait3A_80 = tpu.memref_squeeze %dma_wait3A_79 : memref<1x448xi32, #tpu.memory_space<hbm>> -> memref<448xi32, #tpu.memory_space<hbm>>
      tpu.wait_dma2 semaphore(%arg13 : memref<!tpu.dma_semaphore, #tpu.memory_space<semaphore_mem>>) src(%dma_wait3A_80 : memref<448xi32, #tpu.memory_space<hbm>>) dst(%arg7 : memref<448xi32, #tpu.memory_space<vmem>>)
      %dma_wait3A_81 = tpu.memref_slice %arg4[%add3A_57] : memref<802816xi32, #tpu.memory_space<hbm>> -> memref<448xi32, #tpu.memory_space<hbm>>
      %dma_wait3A_82 = tpu.memref_slice %arg4[%add3A_57] : memref<802816xi32, #tpu.memory_space<hbm>> -> memref<448xi32, #tpu.memory_space<hbm>>
      tpu.wait_dma2 semaphore(%arg13 : memref<!tpu.dma_semaphore, #tpu.memory_space<semaphore_mem>>) src(%dma_wait3A_82 : memref<448xi32, #tpu.memory_space<hbm>>) dst(%arg9 : memref<448xi32, #tpu.memory_space<vmem>>)
      %dma_start3A_83 = arith.constant 0 : i32
      %dma_start3A_84 = arith.constant 0 : i32
      %dma_start3A_85 = tpu.memref_slice %arg2[%dma_start3A_83, %dma_start3A_84] : memref<200000x32xf32, #tpu.memory_space<hbm>> -> memref<200000x32xf32, #tpu.memory_space<hbm>>
      tpu.enqueue_indirect_dma source(%dma_start3A_85 : memref<200000x32xf32, #tpu.memory_space<hbm>>) target(%arg11 : memref<448x32xf32, #tpu.memory_space<vmem>>) offsets(%arg7 : memref<448xi32, #tpu.memory_space<vmem>>) semaphore(%arg14 : memref<!tpu.dma_semaphore, #tpu.memory_space<semaphore_mem>>)
      %dma_wait3A_86 = arith.constant 0 : i32
      %dma_wait3A_87 = arith.constant 0 : i32
      %dma_wait3A_88 = tpu.memref_slice %arg2[%dma_wait3A_86, %dma_wait3A_87] : memref<200000x32xf32, #tpu.memory_space<hbm>> -> memref<200000x32xf32, #tpu.memory_space<hbm>>
      tpu.wait_indirect_dma semaphore(%arg14 : memref<!tpu.dma_semaphore, #tpu.memory_space<semaphore_mem>>) src(%dma_wait3A_88 : memref<200000x32xf32, #tpu.memory_space<hbm>>) dst(%arg10 : memref<448x32xf32, #tpu.memory_space<vmem>>)
      %dma_start3A_89 = arith.constant 0 : i32
      %dma_start3A_90 = arith.constant 0 : i32
      %dma_start3A_91 = tpu.memref_slice %arg12[%dma_start3A_89, %dma_start3A_90] : memref<50008x32xf32, #tpu.memory_space<vmem_shared>> -> memref<50008x32xf32, #tpu.memory_space<vmem_shared>>
      tpu.enqueue_indirect_dma source(%arg10 : memref<448x32xf32, #tpu.memory_space<vmem>>) target(%dma_start3A_91 : memref<50008x32xf32, #tpu.memory_space<vmem_shared>>) offsets(%arg8 : memref<448xi32, #tpu.memory_space<vmem>>) semaphore(%arg15 : memref<!tpu.dma_semaphore, #tpu.memory_space<semaphore_mem>>) {add = true}
      %dma_wait3A_92 = arith.constant 0 : i32
      %dma_wait3A_93 = arith.constant 0 : i32
      %dma_wait3A_94 = tpu.memref_slice %arg2[%dma_wait3A_92, %dma_wait3A_93] : memref<200000x32xf32, #tpu.memory_space<hbm>> -> memref<200000x32xf32, #tpu.memory_space<hbm>>
      tpu.wait_indirect_dma semaphore(%arg14 : memref<!tpu.dma_semaphore, #tpu.memory_space<semaphore_mem>>) src(%dma_wait3A_94 : memref<200000x32xf32, #tpu.memory_space<hbm>>) dst(%arg11 : memref<448x32xf32, #tpu.memory_space<vmem>>)
      %dma_start3A_95 = arith.constant 0 : i32
      %dma_start3A_96 = arith.constant 0 : i32
      %dma_start3A_97 = tpu.memref_slice %arg12[%dma_start3A_95, %dma_start3A_96] : memref<50008x32xf32, #tpu.memory_space<vmem_shared>> -> memref<50008x32xf32, #tpu.memory_space<vmem_shared>>
      tpu.enqueue_indirect_dma source(%arg11 : memref<448x32xf32, #tpu.memory_space<vmem>>) target(%dma_start3A_97 : memref<50008x32xf32, #tpu.memory_space<vmem_shared>>) offsets(%arg9 : memref<448xi32, #tpu.memory_space<vmem>>) semaphore(%arg15 : memref<!tpu.dma_semaphore, #tpu.memory_space<semaphore_mem>>) {add = true}
      %dma_wait3A_98 = arith.constant 0 : i32
      %dma_wait3A_99 = arith.constant 0 : i32
      %dma_wait3A_100 = tpu.memref_slice %arg12[%dma_wait3A_98, %dma_wait3A_99] : memref<50008x32xf32, #tpu.memory_space<vmem_shared>> -> memref<50008x32xf32, #tpu.memory_space<vmem_shared>>
      tpu.wait_indirect_dma semaphore(%arg15 : memref<!tpu.dma_semaphore, #tpu.memory_space<semaphore_mem>>) src(%arg10 : memref<448x32xf32, #tpu.memory_space<vmem>>) dst(%dma_wait3A_100 : memref<50008x32xf32, #tpu.memory_space<vmem_shared>>)
      %dma_wait3A_101 = arith.constant 0 : i32
      %dma_wait3A_102 = arith.constant 0 : i32
      %dma_wait3A_103 = tpu.memref_slice %arg12[%dma_wait3A_101, %dma_wait3A_102] : memref<50008x32xf32, #tpu.memory_space<vmem_shared>> -> memref<50008x32xf32, #tpu.memory_space<vmem_shared>>
      tpu.wait_indirect_dma semaphore(%arg15 : memref<!tpu.dma_semaphore, #tpu.memory_space<semaphore_mem>>) src(%arg11 : memref<448x32xf32, #tpu.memory_space<vmem>>) dst(%dma_wait3A_103 : memref<50008x32xf32, #tpu.memory_space<vmem_shared>>)
    }
    %while3A_46 = arith.constant 1 : i32
    scf.for %while3A_52 = %while3A_44 to %while3A_40 step %while3A_46  : i32 {
      %mul3A_53 = arith.constant 896 : i32
      %mul3A_54 = arith.muli %while3A_52, %mul3A_53 : i32
      %add3A_55 = arith.addi %mul3A_0, %mul3A_54 : i32
      %add3A_56 = arith.constant 448 : i32
      %add3A_57 = arith.addi %add3A_55, %add3A_56 : i32
      %dma_start3A = tpu.memref_slice %arg3[%add3A_29, %add3A_55] : memref<4x802816xi32, #tpu.memory_space<hbm>> -> memref<1x448xi32, #tpu.memory_space<hbm>>
      %dma_start3A_58 = tpu.memref_squeeze %dma_start3A : memref<1x448xi32, #tpu.memory_space<hbm>> -> memref<448xi32, #tpu.memory_space<hbm>>
      %dma_start3A_59 = tpu.memref_slice %arg3[%add3A_29, %add3A_55] : memref<4x802816xi32, #tpu.memory_space<hbm>> -> memref<1x448xi32, #tpu.memory_space<hbm>>
      %dma_start3A_60 = tpu.memref_squeeze %dma_start3A_59 : memref<1x448xi32, #tpu.memory_space<hbm>> -> memref<448xi32, #tpu.memory_space<hbm>>
      tpu.enqueue_dma source(%dma_start3A_60 : memref<448xi32, #tpu.memory_space<hbm>>) target(%arg6 : memref<448xi32, #tpu.memory_space<vmem>>) target_semaphore(%arg13 : memref<!tpu.dma_semaphore, #tpu.memory_space<semaphore_mem>>)
      %dma_start3A_61 = tpu.memref_slice %arg4[%add3A_55] : memref<802816xi32, #tpu.memory_space<hbm>> -> memref<448xi32, #tpu.memory_space<hbm>>
      %dma_start3A_62 = tpu.memref_slice %arg4[%add3A_55] : memref<802816xi32, #tpu.memory_space<hbm>> -> memref<448xi32, #tpu.memory_space<hbm>>
      tpu.enqueue_dma source(%dma_start3A_62 : memref<448xi32, #tpu.memory_space<hbm>>) target(%arg8 : memref<448xi32, #tpu.memory_space<vmem>>) target_semaphore(%arg13 : memref<!tpu.dma_semaphore, #tpu.memory_space<semaphore_mem>>)
      %dma_start3A_63 = tpu.memref_slice %arg3[%add3A_29, %add3A_57] : memref<4x802816xi32, #tpu.memory_space<hbm>> -> memref<1x448xi32, #tpu.memory_space<hbm>>
      %dma_start3A_64 = tpu.memref_squeeze %dma_start3A_63 : memref<1x448xi32, #tpu.memory_space<hbm>> -> memref<448xi32, #tpu.memory_space<hbm>>
      %dma_start3A_65 = tpu.memref_slice %arg3[%add3A_29, %add3A_57] : memref<4x802816xi32, #tpu.memory_space<hbm>> -> memref<1x448xi32, #tpu.memory_space<hbm>>
      %dma_start3A_66 = tpu.memref_squeeze %dma_start3A_65 : memref<1x448xi32, #tpu.memory_space<hbm>> -> memref<448xi32, #tpu.memory_space<hbm>>
      tpu.enqueue_dma source(%dma_start3A_66 : memref<448xi32, #tpu.memory_space<hbm>>) target(%arg7 : memref<448xi32, #tpu.memory_space<vmem>>) target_semaphore(%arg13 : memref<!tpu.dma_semaphore, #tpu.memory_space<semaphore_mem>>)
      %dma_start3A_67 = tpu.memref_slice %arg4[%add3A_57] : memref<802816xi32, #tpu.memory_space<hbm>> -> memref<448xi32, #tpu.memory_space<hbm>>
      %dma_start3A_68 = tpu.memref_slice %arg4[%add3A_57] : memref<802816xi32, #tpu.memory_space<hbm>> -> memref<448xi32, #tpu.memory_space<hbm>>
      tpu.enqueue_dma source(%dma_start3A_68 : memref<448xi32, #tpu.memory_space<hbm>>) target(%arg9 : memref<448xi32, #tpu.memory_space<vmem>>) target_semaphore(%arg13 : memref<!tpu.dma_semaphore, #tpu.memory_space<semaphore_mem>>)
      %dma_wait3A = tpu.memref_slice %arg3[%add3A_29, %add3A_55] : memref<4x802816xi32, #tpu.memory_space<hbm>> -> memref<1x448xi32, #tpu.memory_space<hbm>>
      %dma_wait3A_69 = tpu.memref_squeeze %dma_wait3A : memref<1x448xi32, #tpu.memory_space<hbm>> -> memref<448xi32, #tpu.memory_space<hbm>>
      %dma_wait3A_70 = tpu.memref_slice %arg3[%add3A_29, %add3A_55] : memref<4x802816xi32, #tpu.memory_space<hbm>> -> memref<1x448xi32, #tpu.memory_space<hbm>>
      %dma_wait3A_71 = tpu.memref_squeeze %dma_wait3A_70 : memref<1x448xi32, #tpu.memory_space<hbm>> -> memref<448xi32, #tpu.memory_space<hbm>>
      tpu.wait_dma2 semaphore(%arg13 : memref<!tpu.dma_semaphore, #tpu.memory_space<semaphore_mem>>) src(%dma_wait3A_71 : memref<448xi32, #tpu.memory_space<hbm>>) dst(%arg6 : memref<448xi32, #tpu.memory_space<vmem>>)
      %dma_wait3A_72 = tpu.memref_slice %arg4[%add3A_55] : memref<802816xi32, #tpu.memory_space<hbm>> -> memref<448xi32, #tpu.memory_space<hbm>>
      %dma_wait3A_73 = tpu.memref_slice %arg4[%add3A_55] : memref<802816xi32, #tpu.memory_space<hbm>> -> memref<448xi32, #tpu.memory_space<hbm>>
      tpu.wait_dma2 semaphore(%arg13 : memref<!tpu.dma_semaphore, #tpu.memory_space<semaphore_mem>>) src(%dma_wait3A_73 : memref<448xi32, #tpu.memory_space<hbm>>) dst(%arg8 : memref<448xi32, #tpu.memory_space<vmem>>)
      %dma_start3A_74 = arith.constant 0 : i32
      %dma_start3A_75 = arith.constant 0 : i32
      %dma_start3A_76 = tpu.memref_slice %arg2[%dma_start3A_74, %dma_start3A_75] : memref<200000x32xf32, #tpu.memory_space<hbm>> -> memref<200000x32xf32, #tpu.memory_space<hbm>>
      tpu.enqueue_indirect_dma source(%dma_start3A_76 : memref<200000x32xf32, #tpu.memory_space<hbm>>) target(%arg10 : memref<448x32xf32, #tpu.memory_space<vmem>>) offsets(%arg6 : memref<448xi32, #tpu.memory_space<vmem>>) semaphore(%arg14 : memref<!tpu.dma_semaphore, #tpu.memory_space<semaphore_mem>>)
      %dma_wait3A_77 = tpu.memref_slice %arg3[%add3A_29, %add3A_57] : memref<4x802816xi32, #tpu.memory_space<hbm>> -> memref<1x448xi32, #tpu.memory_space<hbm>>
      %dma_wait3A_78 = tpu.memref_squeeze %dma_wait3A_77 : memref<1x448xi32, #tpu.memory_space<hbm>> -> memref<448xi32, #tpu.memory_space<hbm>>
      %dma_wait3A_79 = tpu.memref_slice %arg3[%add3A_29, %add3A_57] : memref<4x802816xi32, #tpu.memory_space<hbm>> -> memref<1x448xi32, #tpu.memory_space<hbm>>
      %dma_wait3A_80 = tpu.memref_squeeze %dma_wait3A_79 : memref<1x448xi32, #tpu.memory_space<hbm>> -> memref<448xi32, #tpu.memory_space<hbm>>
      tpu.wait_dma2 semaphore(%arg13 : memref<!tpu.dma_semaphore, #tpu.memory_space<semaphore_mem>>) src(%dma_wait3A_80 : memref<448xi32, #tpu.memory_space<hbm>>) dst(%arg7 : memref<448xi32, #tpu.memory_space<vmem>>)
      %dma_wait3A_81 = tpu.memref_slice %arg4[%add3A_57] : memref<802816xi32, #tpu.memory_space<hbm>> -> memref<448xi32, #tpu.memory_space<hbm>>
      %dma_wait3A_82 = tpu.memref_slice %arg4[%add3A_57] : memref<802816xi32, #tpu.memory_space<hbm>> -> memref<448xi32, #tpu.memory_space<hbm>>
      tpu.wait_dma2 semaphore(%arg13 : memref<!tpu.dma_semaphore, #tpu.memory_space<semaphore_mem>>) src(%dma_wait3A_82 : memref<448xi32, #tpu.memory_space<hbm>>) dst(%arg9 : memref<448xi32, #tpu.memory_space<vmem>>)
      %dma_start3A_83 = arith.constant 0 : i32
      %dma_start3A_84 = arith.constant 0 : i32
      %dma_start3A_85 = tpu.memref_slice %arg2[%dma_start3A_83, %dma_start3A_84] : memref<200000x32xf32, #tpu.memory_space<hbm>> -> memref<200000x32xf32, #tpu.memory_space<hbm>>
      tpu.enqueue_indirect_dma source(%dma_start3A_85 : memref<200000x32xf32, #tpu.memory_space<hbm>>) target(%arg11 : memref<448x32xf32, #tpu.memory_space<vmem>>) offsets(%arg7 : memref<448xi32, #tpu.memory_space<vmem>>) semaphore(%arg14 : memref<!tpu.dma_semaphore, #tpu.memory_space<semaphore_mem>>)
      %dma_wait3A_86 = arith.constant 0 : i32
      %dma_wait3A_87 = arith.constant 0 : i32
      %dma_wait3A_88 = tpu.memref_slice %arg2[%dma_wait3A_86, %dma_wait3A_87] : memref<200000x32xf32, #tpu.memory_space<hbm>> -> memref<200000x32xf32, #tpu.memory_space<hbm>>
      tpu.wait_indirect_dma semaphore(%arg14 : memref<!tpu.dma_semaphore, #tpu.memory_space<semaphore_mem>>) src(%dma_wait3A_88 : memref<200000x32xf32, #tpu.memory_space<hbm>>) dst(%arg10 : memref<448x32xf32, #tpu.memory_space<vmem>>)
      %dma_start3A_89 = arith.constant 0 : i32
      %dma_start3A_90 = arith.constant 0 : i32
      %dma_start3A_91 = tpu.memref_slice %arg12[%dma_start3A_89, %dma_start3A_90] : memref<50008x32xf32, #tpu.memory_space<vmem_shared>> -> memref<50008x32xf32, #tpu.memory_space<vmem_shared>>
      tpu.enqueue_indirect_dma source(%arg10 : memref<448x32xf32, #tpu.memory_space<vmem>>) target(%dma_start3A_91 : memref<50008x32xf32, #tpu.memory_space<vmem_shared>>) offsets(%arg8 : memref<448xi32, #tpu.memory_space<vmem>>) semaphore(%arg15 : memref<!tpu.dma_semaphore, #tpu.memory_space<semaphore_mem>>) {add = true}
      %dma_wait3A_92 = arith.constant 0 : i32
      %dma_wait3A_93 = arith.constant 0 : i32
      %dma_wait3A_94 = tpu.memref_slice %arg2[%dma_wait3A_92, %dma_wait3A_93] : memref<200000x32xf32, #tpu.memory_space<hbm>> -> memref<200000x32xf32, #tpu.memory_space<hbm>>
      tpu.wait_indirect_dma semaphore(%arg14 : memref<!tpu.dma_semaphore, #tpu.memory_space<semaphore_mem>>) src(%dma_wait3A_94 : memref<200000x32xf32, #tpu.memory_space<hbm>>) dst(%arg11 : memref<448x32xf32, #tpu.memory_space<vmem>>)
      %dma_start3A_95 = arith.constant 0 : i32
      %dma_start3A_96 = arith.constant 0 : i32
      %dma_start3A_97 = tpu.memref_slice %arg12[%dma_start3A_95, %dma_start3A_96] : memref<50008x32xf32, #tpu.memory_space<vmem_shared>> -> memref<50008x32xf32, #tpu.memory_space<vmem_shared>>
      tpu.enqueue_indirect_dma source(%arg11 : memref<448x32xf32, #tpu.memory_space<vmem>>) target(%dma_start3A_97 : memref<50008x32xf32, #tpu.memory_space<vmem_shared>>) offsets(%arg9 : memref<448xi32, #tpu.memory_space<vmem>>) semaphore(%arg15 : memref<!tpu.dma_semaphore, #tpu.memory_space<semaphore_mem>>) {add = true}
      %dma_wait3A_98 = arith.constant 0 : i32
      %dma_wait3A_99 = arith.constant 0 : i32
      %dma_wait3A_100 = tpu.memref_slice %arg12[%dma_wait3A_98, %dma_wait3A_99] : memref<50008x32xf32, #tpu.memory_space<vmem_shared>> -> memref<50008x32xf32, #tpu.memory_space<vmem_shared>>
      tpu.wait_indirect_dma semaphore(%arg15 : memref<!tpu.dma_semaphore, #tpu.memory_space<semaphore_mem>>) src(%arg10 : memref<448x32xf32, #tpu.memory_space<vmem>>) dst(%dma_wait3A_100 : memref<50008x32xf32, #tpu.memory_space<vmem_shared>>)
      %dma_wait3A_101 = arith.constant 0 : i32
      %dma_wait3A_102 = arith.constant 0 : i32
      %dma_wait3A_103 = tpu.memref_slice %arg12[%dma_wait3A_101, %dma_wait3A_102] : memref<50008x32xf32, #tpu.memory_space<vmem_shared>> -> memref<50008x32xf32, #tpu.memory_space<vmem_shared>>
      tpu.wait_indirect_dma semaphore(%arg15 : memref<!tpu.dma_semaphore, #tpu.memory_space<semaphore_mem>>) src(%arg11 : memref<448x32xf32, #tpu.memory_space<vmem>>) dst(%dma_wait3A_103 : memref<50008x32xf32, #tpu.memory_space<vmem_shared>>)
    }
    %barrier3A_47 = arith.constant 0 : index
    tpu.barrier barrier_id(%barrier3A_47)
    %mul3A_48 = arith.constant 50000 : i32
    %mul3A_49 = arith.muli %add3A_29, %mul3A_48 : i32
    %add3A_50 = arith.addi %mul3A_49, %mul3A_2 : i32
    "tpu.region"() ({
      %run_scoped3A = tpu.sem_alloc : memref<!tpu.dma_semaphore, #tpu.memory_space<semaphore_mem>>
      %dma_start3A = arith.constant 0 : i32
      %dma_start3A_52 = tpu.memref_slice %arg5[%add3A_50, %dma_start3A] : memref<200000x32xf32, #tpu.memory_space<hbm>> -> memref<3125x32xf32, #tpu.memory_space<hbm>>
      %dma_start3A_53 = arith.constant 0 : i32
      %dma_start3A_54 = tpu.memref_slice %arg12[%mul3A_2, %dma_start3A_53] : memref<50008x32xf32, #tpu.memory_space<vmem_shared>> -> memref<3125x32xf32, #tpu.memory_space<vmem_shared>>
      tpu.enqueue_dma source(%dma_start3A_54 : memref<3125x32xf32, #tpu.memory_space<vmem_shared>>) target(%dma_start3A_52 : memref<3125x32xf32, #tpu.memory_space<hbm>>) target_semaphore(%run_scoped3A : memref<!tpu.dma_semaphore, #tpu.memory_space<semaphore_mem>>)
      %dma_wait3A = arith.constant 0 : i32
      %dma_wait3A_55 = tpu.memref_slice %arg5[%add3A_50, %dma_wait3A] : memref<200000x32xf32, #tpu.memory_space<hbm>> -> memref<3125x32xf32, #tpu.memory_space<hbm>>
      %dma_wait3A_56 = arith.constant 0 : i32
      %dma_wait3A_57 = tpu.memref_slice %arg12[%mul3A_2, %dma_wait3A_56] : memref<50008x32xf32, #tpu.memory_space<vmem_shared>> -> memref<3125x32xf32, #tpu.memory_space<vmem_shared>>
      tpu.wait_dma2 semaphore(%run_scoped3A : memref<!tpu.dma_semaphore, #tpu.memory_space<semaphore_mem>>) src(%dma_wait3A_57 : memref<3125x32xf32, #tpu.memory_space<vmem_shared>>) dst(%dma_wait3A_55 : memref<3125x32xf32, #tpu.memory_space<hbm>>)
      tpu.yield
    }) : () -> ()
    %barrier3A_51 = arith.constant 0 : index
    tpu.barrier barrier_id(%barrier3A_51)
    return
  }
}

module attributes {stable_mosaic.version = 14 : i64} {
  func.func @_inproj_body(%arg0: i32, %arg1: i32, %arg2: memref<1000x8xf32, #tpu.memory_space<vmem>>, %arg3: memref<8x128xf32, #tpu.memory_space<vmem>>, %arg4: memref<1x128xf32, #tpu.memory_space<vmem>>, %arg5: memref<1000x32xf32, #tpu.memory_space<vmem>>, %arg6: memref<1000x128xf32, #tpu.memory_space<vmem>>) attributes {dimension_semantics = [#tpu.dimension_semantics<arbitrary>, #tpu.dimension_semantics<arbitrary>], iteration_bounds = array<i64: 50, 4>, scalar_prefetch = 0 : i64, scratch_operands = 1 : i64, tpu.core_type = #tpu.core_type<tc>, window_params = [{transform_indices = @transform_0, window_bounds = array<i64: 1000, 8>}, {pipeline_mode = #tpu.pipeline_mode<synchronous>, transform_indices = @transform_1, window_bounds = array<i64: 8, 128>}, {pipeline_mode = #tpu.pipeline_mode<synchronous>, transform_indices = @transform_2, window_bounds = array<i64: 1, 128>}, {transform_indices = @transform_3, window_bounds = array<i64: 1000, 32>}]} {
    %eq3A = arith.constant 0 : i32
    %eq3A_0 = arith.cmpi eq, %arg1, %eq3A : i32
    %convert_element_type3A = arith.extui %eq3A_0 : i1 to i32
    %cond3A = arith.constant 0 : i32
    %cond3A_1 = arith.cmpi ne, %convert_element_type3A, %cond3A : i32
    scf.if %cond3A_1 {
      %get3A = arith.constant 0 : index
      %get3A_22 = arith.constant 0 : index
      %get3A_23 = vector.load %arg2[%get3A, %get3A_22] : memref<1000x8xf32, #tpu.memory_space<vmem>>, vector<1000x8xf32>
      %get3A_24 = arith.constant 0 : index
      %get3A_25 = arith.constant 0 : index
      %get3A_26 = vector.load %arg3[%get3A_24, %get3A_25] : memref<8x128xf32, #tpu.memory_space<vmem>>, vector<8x128xf32>
      %dot_general3A = arith.constant dense<0.000000e+00> : vector<1000x128xf32>
      %dot_general3A_27 = tpu.matmul %get3A_23, %get3A_26, %dot_general3A {dimension_numbers = #tpu.dot_dimension_numbers<[1], [0], [0], [1], [0, 0, 1, 1], [], []>, transpose_lhs_hint = false} : vector<1000x8xf32>, vector<8x128xf32>, vector<1000x128xf32> -> vector<1000x128xf32>
      %get3A_28 = arith.constant 0 : index
      %get3A_29 = arith.constant 0 : index
      %get3A_30 = vector.load %arg4[%get3A_28, %get3A_29] : memref<1x128xf32, #tpu.memory_space<vmem>>, vector<1x128xf32>
      %add3A = vector.broadcast %get3A_30 : vector<1x128xf32> to vector<1000x128xf32>
      %add3A_31 = arith.addf %dot_general3A_27, %add3A : vector<1000x128xf32>
      %max3A = arith.constant 0.000000e+00 : f32
      %max3A_32 = vector.broadcast %max3A : f32 to vector<1000x128xf32>
      %max3A_33 = arith.maximumf %add3A_31, %max3A_32 : vector<1000x128xf32>
      %swap3A = arith.constant 0 : index
      %swap3A_34 = arith.constant 0 : index
      %swap3A_35 = vector.load %arg6[%swap3A, %swap3A_34] : memref<1000x128xf32, #tpu.memory_space<vmem>>, vector<1000x128xf32>
      tpu.vector_store %arg6[%swap3A, %swap3A_34], %max3A_33 {strides = array<i32>} : memref<1000x128xf32, #tpu.memory_space<vmem>>, vector<1000x128xf32>,
    } else {
    }
    %eq3A_2 = arith.constant 0 : i32
    %eq3A_3 = arith.cmpi eq, %arg1, %eq3A_2 : i32
    %convert_element_type3A_4 = arith.extui %eq3A_3 : i1 to i32
    %cond3A_5 = arith.constant 0 : i32
    %cond3A_6 = arith.cmpi ne, %convert_element_type3A_4, %cond3A_5 : i32
    scf.if %cond3A_6 {
      %get3A = arith.constant 0 : index
      %get3A_22 = arith.constant 0 : index
      %get3A_23 = vector.load %arg6[%get3A, %get3A_22] : memref<1000x128xf32, #tpu.memory_space<vmem>>, vector<1000x32xf32>
      %swap3A = arith.constant 0 : index
      %swap3A_24 = arith.constant 0 : index
      %swap3A_25 = vector.load %arg5[%swap3A, %swap3A_24] : memref<1000x32xf32, #tpu.memory_space<vmem>>, vector<1000x32xf32>
      tpu.vector_store %arg5[%swap3A, %swap3A_24], %get3A_23 {strides = array<i32>} : memref<1000x32xf32, #tpu.memory_space<vmem>>, vector<1000x32xf32>,
    } else {
    }
    %eq3A_7 = arith.constant 1 : i32
    %eq3A_8 = arith.cmpi eq, %arg1, %eq3A_7 : i32
    %convert_element_type3A_9 = arith.extui %eq3A_8 : i1 to i32
    %cond3A_10 = arith.constant 0 : i32
    %cond3A_11 = arith.cmpi ne, %convert_element_type3A_9, %cond3A_10 : i32
    scf.if %cond3A_11 {
      %get3A = arith.constant 0 : index
      %get3A_22 = arith.constant 32 : index
      %get3A_23 = vector.load %arg6[%get3A, %get3A_22] : memref<1000x128xf32, #tpu.memory_space<vmem>>, vector<1000x32xf32>
      %swap3A = arith.constant 0 : index
      %swap3A_24 = arith.constant 0 : index
      %swap3A_25 = vector.load %arg5[%swap3A, %swap3A_24] : memref<1000x32xf32, #tpu.memory_space<vmem>>, vector<1000x32xf32>
      tpu.vector_store %arg5[%swap3A, %swap3A_24], %get3A_23 {strides = array<i32>} : memref<1000x32xf32, #tpu.memory_space<vmem>>, vector<1000x32xf32>,
    } else {
    }
    %eq3A_12 = arith.constant 2 : i32
    %eq3A_13 = arith.cmpi eq, %arg1, %eq3A_12 : i32
    %convert_element_type3A_14 = arith.extui %eq3A_13 : i1 to i32
    %cond3A_15 = arith.constant 0 : i32
    %cond3A_16 = arith.cmpi ne, %convert_element_type3A_14, %cond3A_15 : i32
    scf.if %cond3A_16 {
      %get3A = arith.constant 0 : index
      %get3A_22 = arith.constant 64 : index
      %get3A_23 = vector.load %arg6[%get3A, %get3A_22] : memref<1000x128xf32, #tpu.memory_space<vmem>>, vector<1000x32xf32>
      %swap3A = arith.constant 0 : index
      %swap3A_24 = arith.constant 0 : index
      %swap3A_25 = vector.load %arg5[%swap3A, %swap3A_24] : memref<1000x32xf32, #tpu.memory_space<vmem>>, vector<1000x32xf32>
      tpu.vector_store %arg5[%swap3A, %swap3A_24], %get3A_23 {strides = array<i32>} : memref<1000x32xf32, #tpu.memory_space<vmem>>, vector<1000x32xf32>,
    } else {
    }
    %eq3A_17 = arith.constant 3 : i32
    %eq3A_18 = arith.cmpi eq, %arg1, %eq3A_17 : i32
    %convert_element_type3A_19 = arith.extui %eq3A_18 : i1 to i32
    %cond3A_20 = arith.constant 0 : i32
    %cond3A_21 = arith.cmpi ne, %convert_element_type3A_19, %cond3A_20 : i32
    scf.if %cond3A_21 {
      %get3A = arith.constant 0 : index
      %get3A_22 = arith.constant 96 : index
      %get3A_23 = vector.load %arg6[%get3A, %get3A_22] : memref<1000x128xf32, #tpu.memory_space<vmem>>, vector<1000x32xf32>
      %swap3A = arith.constant 0 : index
      %swap3A_24 = arith.constant 0 : index
      %swap3A_25 = vector.load %arg5[%swap3A, %swap3A_24] : memref<1000x32xf32, #tpu.memory_space<vmem>>, vector<1000x32xf32>
      tpu.vector_store %arg5[%swap3A, %swap3A_24], %get3A_23 {strides = array<i32>} : memref<1000x32xf32, #tpu.memory_space<vmem>>, vector<1000x32xf32>,
    } else {
    }
    return
  }
  func.func @transform_0(%arg0: i32, %arg1: i32) -> (i32, i32) {
    %c0_i32 = arith.constant 0 : i32
    %c0_i32_0 = arith.constant 0 : i32
    return %arg0, %c0_i32 : i32, i32
  }
  func.func @transform_1(%arg0: i32, %arg1: i32) -> (i32, i32) {
    %c0_i32 = arith.constant 0 : i32
    %c0_i32_0 = arith.constant 0 : i32
    %c0_i32_1 = arith.constant 0 : i32
    return %c0_i32, %c0_i32_0 : i32, i32
  }
  func.func @transform_2(%arg0: i32, %arg1: i32) -> (i32, i32) {
    %c0_i32 = arith.constant 0 : i32
    %c0_i32_0 = arith.constant 0 : i32
    %c0_i32_1 = arith.constant 0 : i32
    return %c0_i32, %c0_i32_0 : i32, i32
  }
  func.func @transform_3(%arg0: i32, %arg1: i32) -> (i32, i32) {
    %mul3A = arith.constant 50 : i32
    %mul3A_0 = arith.muli %arg1, %mul3A : i32
    %add3A = arith.addi %mul3A_0, %arg0 : i32
    %c0_i32 = arith.constant 0 : i32
    %c0_i32_1 = arith.constant 0 : i32
    return %add3A, %c0_i32 : i32, i32
  }
}

module attributes {stable_mosaic.version = 14 : i64} {
  func.func @_mlp_slab_body(%arg0: i32, %arg1: i32, %arg2: memref<1000x32xf32, #tpu.memory_space<vmem>>, %arg3: memref<1000x32xf32, #tpu.memory_space<vmem>>, %arg4: memref<1000x32xf32, #tpu.memory_space<vmem>>, %arg5: memref<1000x32xf32, #tpu.memory_space<vmem>>, %arg6: memref<128x128xf32, #tpu.memory_space<vmem>>, %arg7: memref<1x128xf32, #tpu.memory_space<vmem>>, %arg8: memref<128x128xf32, #tpu.memory_space<vmem>>, %arg9: memref<1x128xf32, #tpu.memory_space<vmem>>, %arg10: memref<1000x32xf32, #tpu.memory_space<vmem>>, %arg11: memref<1000x128xf32, #tpu.memory_space<vmem>>) attributes {dimension_semantics = [#tpu.dimension_semantics<arbitrary>, #tpu.dimension_semantics<arbitrary>], iteration_bounds = array<i64: 50, 4>, scalar_prefetch = 0 : i64, scratch_operands = 1 : i64, tpu.core_type = #tpu.core_type<tc>, window_params = [{transform_indices = @transform_0, window_bounds = array<i64: 1000, 32>}, {transform_indices = @transform_1, window_bounds = array<i64: 1000, 32>}, {transform_indices = @transform_2, window_bounds = array<i64: 1000, 32>}, {transform_indices = @transform_3, window_bounds = array<i64: 1000, 32>}, {pipeline_mode = #tpu.pipeline_mode<synchronous>, transform_indices = @transform_4, window_bounds = array<i64: 128, 128>}, {pipeline_mode = #tpu.pipeline_mode<synchronous>, transform_indices = @transform_5, window_bounds = array<i64: 1, 128>}, {pipeline_mode = #tpu.pipeline_mode<synchronous>, transform_indices = @transform_6, window_bounds = array<i64: 128, 128>}, {pipeline_mode = #tpu.pipeline_mode<synchronous>, transform_indices = @transform_7, window_bounds = array<i64: 1, 128>}, {transform_indices = @transform_8, window_bounds = array<i64: 1000, 32>}]} {
    %eq3A = arith.constant 0 : i32
    %eq3A_0 = arith.cmpi eq, %arg1, %eq3A : i32
    %convert_element_type3A = arith.extui %eq3A_0 : i1 to i32
    %cond3A = arith.constant 0 : i32
    %cond3A_1 = arith.cmpi ne, %convert_element_type3A, %cond3A : i32
    scf.if %cond3A_1 {
      %get3A = arith.constant 0 : index
      %get3A_22 = arith.constant 0 : index
      %get3A_23 = vector.load %arg2[%get3A, %get3A_22] : memref<1000x32xf32, #tpu.memory_space<vmem>>, vector<1000x32xf32>
      %get3A_24 = arith.constant 0 : index
      %get3A_25 = arith.constant 0 : index
      %get3A_26 = vector.load %arg3[%get3A_24, %get3A_25] : memref<1000x32xf32, #tpu.memory_space<vmem>>, vector<1000x32xf32>
      %get3A_27 = arith.constant 0 : index
      %get3A_28 = arith.constant 0 : index
      %get3A_29 = vector.load %arg4[%get3A_27, %get3A_28] : memref<1000x32xf32, #tpu.memory_space<vmem>>, vector<1000x32xf32>
      %get3A_30 = arith.constant 0 : index
      %get3A_31 = arith.constant 0 : index
      %get3A_32 = vector.load %arg5[%get3A_30, %get3A_31] : memref<1000x32xf32, #tpu.memory_space<vmem>>, vector<1000x32xf32>
      %concatenate3A = tpu.concatenate %get3A_23, %get3A_26, %get3A_29, %get3A_32 in 1 : vector<1000x32xf32>, vector<1000x32xf32>, vector<1000x32xf32>, vector<1000x32xf32> -> vector<1000x128xf32>
      %get3A_33 = arith.constant 0 : index
      %get3A_34 = arith.constant 0 : index
      %get3A_35 = vector.load %arg6[%get3A_33, %get3A_34] : memref<128x128xf32, #tpu.memory_space<vmem>>, vector<128x128xf32>
      %dot_general3A = arith.constant dense<0.000000e+00> : vector<1000x128xf32>
      %dot_general3A_36 = tpu.matmul %concatenate3A, %get3A_35, %dot_general3A {dimension_numbers = #tpu.dot_dimension_numbers<[1], [0], [0], [1], [0, 0, 1, 1], [], []>, transpose_lhs_hint = false} : vector<1000x128xf32>, vector<128x128xf32>, vector<1000x128xf32> -> vector<1000x128xf32>
      %get3A_37 = arith.constant 0 : index
      %get3A_38 = arith.constant 0 : index
      %get3A_39 = vector.load %arg7[%get3A_37, %get3A_38] : memref<1x128xf32, #tpu.memory_space<vmem>>, vector<1x128xf32>
      %add3A = vector.broadcast %get3A_39 : vector<1x128xf32> to vector<1000x128xf32>
      %add3A_40 = arith.addf %dot_general3A_36, %add3A : vector<1000x128xf32>
      %max3A = arith.constant 0.000000e+00 : f32
      %max3A_41 = vector.broadcast %max3A : f32 to vector<1000x128xf32>
      %max3A_42 = arith.maximumf %add3A_40, %max3A_41 : vector<1000x128xf32>
      %get3A_43 = arith.constant 0 : index
      %get3A_44 = arith.constant 0 : index
      %get3A_45 = vector.load %arg8[%get3A_43, %get3A_44] : memref<128x128xf32, #tpu.memory_space<vmem>>, vector<128x128xf32>
      %dot_general3A_46 = arith.constant dense<0.000000e+00> : vector<1000x128xf32>
      %dot_general3A_47 = tpu.matmul %max3A_42, %get3A_45, %dot_general3A_46 {dimension_numbers = #tpu.dot_dimension_numbers<[1], [0], [0], [1], [0, 0, 1, 1], [], []>, transpose_lhs_hint = false} : vector<1000x128xf32>, vector<128x128xf32>, vector<1000x128xf32> -> vector<1000x128xf32>
      %get3A_48 = arith.constant 0 : index
      %get3A_49 = arith.constant 0 : index
      %get3A_50 = vector.load %arg9[%get3A_48, %get3A_49] : memref<1x128xf32, #tpu.memory_space<vmem>>, vector<1x128xf32>
      %add3A_51 = vector.broadcast %get3A_50 : vector<1x128xf32> to vector<1000x128xf32>
      %add3A_52 = arith.addf %dot_general3A_47, %add3A_51 : vector<1000x128xf32>
      %max3A_53 = arith.constant 0.000000e+00 : f32
      %max3A_54 = vector.broadcast %max3A_53 : f32 to vector<1000x128xf32>
      %max3A_55 = arith.maximumf %add3A_52, %max3A_54 : vector<1000x128xf32>
      %swap3A = arith.constant 0 : index
      %swap3A_56 = arith.constant 0 : index
      %swap3A_57 = vector.load %arg11[%swap3A, %swap3A_56] : memref<1000x128xf32, #tpu.memory_space<vmem>>, vector<1000x128xf32>
      tpu.vector_store %arg11[%swap3A, %swap3A_56], %max3A_55 {strides = array<i32>} : memref<1000x128xf32, #tpu.memory_space<vmem>>, vector<1000x128xf32>,
    } else {
    }
    %eq3A_2 = arith.constant 0 : i32
    %eq3A_3 = arith.cmpi eq, %arg1, %eq3A_2 : i32
    %convert_element_type3A_4 = arith.extui %eq3A_3 : i1 to i32
    %cond3A_5 = arith.constant 0 : i32
    %cond3A_6 = arith.cmpi ne, %convert_element_type3A_4, %cond3A_5 : i32
    scf.if %cond3A_6 {
      %get3A = arith.constant 0 : index
      %get3A_22 = arith.constant 0 : index
      %get3A_23 = vector.load %arg11[%get3A, %get3A_22] : memref<1000x128xf32, #tpu.memory_space<vmem>>, vector<1000x32xf32>
      %swap3A = arith.constant 0 : index
      %swap3A_24 = arith.constant 0 : index
      %swap3A_25 = vector.load %arg10[%swap3A, %swap3A_24] : memref<1000x32xf32, #tpu.memory_space<vmem>>, vector<1000x32xf32>
      tpu.vector_store %arg10[%swap3A, %swap3A_24], %get3A_23 {strides = array<i32>} : memref<1000x32xf32, #tpu.memory_space<vmem>>, vector<1000x32xf32>,
    } else {
    }
    %eq3A_7 = arith.constant 1 : i32
    %eq3A_8 = arith.cmpi eq, %arg1, %eq3A_7 : i32
    %convert_element_type3A_9 = arith.extui %eq3A_8 : i1 to i32
    %cond3A_10 = arith.constant 0 : i32
    %cond3A_11 = arith.cmpi ne, %convert_element_type3A_9, %cond3A_10 : i32
    scf.if %cond3A_11 {
      %get3A = arith.constant 0 : index
      %get3A_22 = arith.constant 32 : index
      %get3A_23 = vector.load %arg11[%get3A, %get3A_22] : memref<1000x128xf32, #tpu.memory_space<vmem>>, vector<1000x32xf32>
      %swap3A = arith.constant 0 : index
      %swap3A_24 = arith.constant 0 : index
      %swap3A_25 = vector.load %arg10[%swap3A, %swap3A_24] : memref<1000x32xf32, #tpu.memory_space<vmem>>, vector<1000x32xf32>
      tpu.vector_store %arg10[%swap3A, %swap3A_24], %get3A_23 {strides = array<i32>} : memref<1000x32xf32, #tpu.memory_space<vmem>>, vector<1000x32xf32>,
    } else {
    }
    %eq3A_12 = arith.constant 2 : i32
    %eq3A_13 = arith.cmpi eq, %arg1, %eq3A_12 : i32
    %convert_element_type3A_14 = arith.extui %eq3A_13 : i1 to i32
    %cond3A_15 = arith.constant 0 : i32
    %cond3A_16 = arith.cmpi ne, %convert_element_type3A_14, %cond3A_15 : i32
    scf.if %cond3A_16 {
      %get3A = arith.constant 0 : index
      %get3A_22 = arith.constant 64 : index
      %get3A_23 = vector.load %arg11[%get3A, %get3A_22] : memref<1000x128xf32, #tpu.memory_space<vmem>>, vector<1000x32xf32>
      %swap3A = arith.constant 0 : index
      %swap3A_24 = arith.constant 0 : index
      %swap3A_25 = vector.load %arg10[%swap3A, %swap3A_24] : memref<1000x32xf32, #tpu.memory_space<vmem>>, vector<1000x32xf32>
      tpu.vector_store %arg10[%swap3A, %swap3A_24], %get3A_23 {strides = array<i32>} : memref<1000x32xf32, #tpu.memory_space<vmem>>, vector<1000x32xf32>,
    } else {
    }
    %eq3A_17 = arith.constant 3 : i32
    %eq3A_18 = arith.cmpi eq, %arg1, %eq3A_17 : i32
    %convert_element_type3A_19 = arith.extui %eq3A_18 : i1 to i32
    %cond3A_20 = arith.constant 0 : i32
    %cond3A_21 = arith.cmpi ne, %convert_element_type3A_19, %cond3A_20 : i32
    scf.if %cond3A_21 {
      %get3A = arith.constant 0 : index
      %get3A_22 = arith.constant 96 : index
      %get3A_23 = vector.load %arg11[%get3A, %get3A_22] : memref<1000x128xf32, #tpu.memory_space<vmem>>, vector<1000x32xf32>
      %swap3A = arith.constant 0 : index
      %swap3A_24 = arith.constant 0 : index
      %swap3A_25 = vector.load %arg10[%swap3A, %swap3A_24] : memref<1000x32xf32, #tpu.memory_space<vmem>>, vector<1000x32xf32>
      tpu.vector_store %arg10[%swap3A, %swap3A_24], %get3A_23 {strides = array<i32>} : memref<1000x32xf32, #tpu.memory_space<vmem>>, vector<1000x32xf32>,
    } else {
    }
    return
  }
  func.func @transform_0(%arg0: i32, %arg1: i32) -> (i32, i32) {
    %add3A = arith.constant 0 : i32
    %add3A_0 = arith.addi %add3A, %arg0 : i32
    %c0_i32 = arith.constant 0 : i32
    %c0_i32_1 = arith.constant 0 : i32
    return %add3A_0, %c0_i32 : i32, i32
  }
  func.func @transform_1(%arg0: i32, %arg1: i32) -> (i32, i32) {
    %add3A = arith.constant 50 : i32
    %add3A_0 = arith.addi %add3A, %arg0 : i32
    %c0_i32 = arith.constant 0 : i32
    %c0_i32_1 = arith.constant 0 : i32
    return %add3A_0, %c0_i32 : i32, i32
  }
  func.func @transform_2(%arg0: i32, %arg1: i32) -> (i32, i32) {
    %add3A = arith.constant 100 : i32
    %add3A_0 = arith.addi %add3A, %arg0 : i32
    %c0_i32 = arith.constant 0 : i32
    %c0_i32_1 = arith.constant 0 : i32
    return %add3A_0, %c0_i32 : i32, i32
  }
  func.func @transform_3(%arg0: i32, %arg1: i32) -> (i32, i32) {
    %add3A = arith.constant 150 : i32
    %add3A_0 = arith.addi %add3A, %arg0 : i32
    %c0_i32 = arith.constant 0 : i32
    %c0_i32_1 = arith.constant 0 : i32
    return %add3A_0, %c0_i32 : i32, i32
  }
  func.func @transform_4(%arg0: i32, %arg1: i32) -> (i32, i32) {
    %c0_i32 = arith.constant 0 : i32
    %c0_i32_0 = arith.constant 0 : i32
    %c0_i32_1 = arith.constant 0 : i32
    return %c0_i32, %c0_i32_0 : i32, i32
  }
  func.func @transform_5(%arg0: i32, %arg1: i32) -> (i32, i32) {
    %c0_i32 = arith.constant 0 : i32
    %c0_i32_0 = arith.constant 0 : i32
    %c0_i32_1 = arith.constant 0 : i32
    return %c0_i32, %c0_i32_0 : i32, i32
  }
  func.func @transform_6(%arg0: i32, %arg1: i32) -> (i32, i32) {
    %c0_i32 = arith.constant 0 : i32
    %c0_i32_0 = arith.constant 0 : i32
    %c0_i32_1 = arith.constant 0 : i32
    return %c0_i32, %c0_i32_0 : i32, i32
  }
  func.func @transform_7(%arg0: i32, %arg1: i32) -> (i32, i32) {
    %c0_i32 = arith.constant 0 : i32
    %c0_i32_0 = arith.constant 0 : i32
    %c0_i32_1 = arith.constant 0 : i32
    return %c0_i32, %c0_i32_0 : i32, i32
  }
  func.func @transform_8(%arg0: i32, %arg1: i32) -> (i32, i32) {
    %mul3A = arith.constant 50 : i32
    %mul3A_0 = arith.muli %arg1, %mul3A : i32
    %add3A = arith.addi %mul3A_0, %arg0 : i32
    %c0_i32 = arith.constant 0 : i32
    %c0_i32_1 = arith.constant 0 : i32
    return %add3A, %c0_i32 : i32, i32
  }
}

module attributes {stable_mosaic.version = 14 : i64} {
  func.func @_mlp_body(%arg0: i32, %arg1: memref<1000x32xf32, #tpu.memory_space<vmem>>, %arg2: memref<1000x32xf32, #tpu.memory_space<vmem>>, %arg3: memref<1000x32xf32, #tpu.memory_space<vmem>>, %arg4: memref<1000x32xf32, #tpu.memory_space<vmem>>, %arg5: memref<128x128xf32, #tpu.memory_space<vmem>>, %arg6: memref<1x128xf32, #tpu.memory_space<vmem>>, %arg7: memref<128x128xf32, #tpu.memory_space<vmem>>, %arg8: memref<1x128xf32, #tpu.memory_space<vmem>>, %arg9: memref<1000x128xf32, #tpu.memory_space<vmem>>) attributes {dimension_semantics = [#tpu.dimension_semantics<arbitrary>], iteration_bounds = array<i64: 50>, scalar_prefetch = 0 : i64, scratch_operands = 0 : i64, tpu.core_type = #tpu.core_type<tc>, window_params = [{transform_indices = @transform_0, window_bounds = array<i64: 1000, 32>}, {transform_indices = @transform_1, window_bounds = array<i64: 1000, 32>}, {transform_indices = @transform_2, window_bounds = array<i64: 1000, 32>}, {transform_indices = @transform_3, window_bounds = array<i64: 1000, 32>}, {pipeline_mode = #tpu.pipeline_mode<synchronous>, transform_indices = @transform_4, window_bounds = array<i64: 128, 128>}, {pipeline_mode = #tpu.pipeline_mode<synchronous>, transform_indices = @transform_5, window_bounds = array<i64: 1, 128>}, {pipeline_mode = #tpu.pipeline_mode<synchronous>, transform_indices = @transform_6, window_bounds = array<i64: 128, 128>}, {pipeline_mode = #tpu.pipeline_mode<synchronous>, transform_indices = @transform_7, window_bounds = array<i64: 1, 128>}, {transform_indices = @transform_8, window_bounds = array<i64: 1000, 128>}]} {
    %get3A = arith.constant 0 : index
    %get3A_0 = arith.constant 0 : index
    %get3A_1 = vector.load %arg1[%get3A, %get3A_0] : memref<1000x32xf32, #tpu.memory_space<vmem>>, vector<1000x32xf32>
    %get3A_2 = arith.constant 0 : index
    %get3A_3 = arith.constant 0 : index
    %get3A_4 = vector.load %arg2[%get3A_2, %get3A_3] : memref<1000x32xf32, #tpu.memory_space<vmem>>, vector<1000x32xf32>
    %get3A_5 = arith.constant 0 : index
    %get3A_6 = arith.constant 0 : index
    %get3A_7 = vector.load %arg3[%get3A_5, %get3A_6] : memref<1000x32xf32, #tpu.memory_space<vmem>>, vector<1000x32xf32>
    %get3A_8 = arith.constant 0 : index
    %get3A_9 = arith.constant 0 : index
    %get3A_10 = vector.load %arg4[%get3A_8, %get3A_9] : memref<1000x32xf32, #tpu.memory_space<vmem>>, vector<1000x32xf32>
    %concatenate3A = tpu.concatenate %get3A_1, %get3A_4, %get3A_7, %get3A_10 in 1 : vector<1000x32xf32>, vector<1000x32xf32>, vector<1000x32xf32>, vector<1000x32xf32> -> vector<1000x128xf32>
    %get3A_11 = arith.constant 0 : index
    %get3A_12 = arith.constant 0 : index
    %get3A_13 = vector.load %arg5[%get3A_11, %get3A_12] : memref<128x128xf32, #tpu.memory_space<vmem>>, vector<128x128xf32>
    %dot_general3A = arith.constant dense<0.000000e+00> : vector<1000x128xf32>
    %dot_general3A_14 = tpu.matmul %concatenate3A, %get3A_13, %dot_general3A {dimension_numbers = #tpu.dot_dimension_numbers<[1], [0], [0], [1], [0, 0, 1, 1], [], []>, transpose_lhs_hint = false} : vector<1000x128xf32>, vector<128x128xf32>, vector<1000x128xf32> -> vector<1000x128xf32>
    %get3A_15 = arith.constant 0 : index
    %get3A_16 = arith.constant 0 : index
    %get3A_17 = vector.load %arg6[%get3A_15, %get3A_16] : memref<1x128xf32, #tpu.memory_space<vmem>>, vector<1x128xf32>
    %add3A = vector.broadcast %get3A_17 : vector<1x128xf32> to vector<1000x128xf32>
    %add3A_18 = arith.addf %dot_general3A_14, %add3A : vector<1000x128xf32>
    %max3A = arith.constant 0.000000e+00 : f32
    %max3A_19 = vector.broadcast %max3A : f32 to vector<1000x128xf32>
    %max3A_20 = arith.maximumf %add3A_18, %max3A_19 : vector<1000x128xf32>
    %get3A_21 = arith.constant 0 : index
    %get3A_22 = arith.constant 0 : index
    %get3A_23 = vector.load %arg7[%get3A_21, %get3A_22] : memref<128x128xf32, #tpu.memory_space<vmem>>, vector<128x128xf32>
    %dot_general3A_24 = arith.constant dense<0.000000e+00> : vector<1000x128xf32>
    %dot_general3A_25 = tpu.matmul %max3A_20, %get3A_23, %dot_general3A_24 {dimension_numbers = #tpu.dot_dimension_numbers<[1], [0], [0], [1], [0, 0, 1, 1], [], []>, transpose_lhs_hint = false} : vector<1000x128xf32>, vector<128x128xf32>, vector<1000x128xf32> -> vector<1000x128xf32>
    %get3A_26 = arith.constant 0 : index
    %get3A_27 = arith.constant 0 : index
    %get3A_28 = vector.load %arg8[%get3A_26, %get3A_27] : memref<1x128xf32, #tpu.memory_space<vmem>>, vector<1x128xf32>
    %add3A_29 = vector.broadcast %get3A_28 : vector<1x128xf32> to vector<1000x128xf32>
    %add3A_30 = arith.addf %dot_general3A_25, %add3A_29 : vector<1000x128xf32>
    %max3A_31 = arith.constant 0.000000e+00 : f32
    %max3A_32 = vector.broadcast %max3A_31 : f32 to vector<1000x128xf32>
    %max3A_33 = arith.maximumf %add3A_30, %max3A_32 : vector<1000x128xf32>
    %swap3A = arith.constant 0 : index
    %swap3A_34 = arith.constant 0 : index
    %swap3A_35 = vector.load %arg9[%swap3A, %swap3A_34] : memref<1000x128xf32, #tpu.memory_space<vmem>>, vector<1000x128xf32>
    tpu.vector_store %arg9[%swap3A, %swap3A_34], %max3A_33 {strides = array<i32>} : memref<1000x128xf32, #tpu.memory_space<vmem>>, vector<1000x128xf32>,
    return
  }
  func.func @transform_0(%arg0: i32) -> (i32, i32) {
    %add3A = arith.constant 0 : i32
    %add3A_0 = arith.addi %add3A, %arg0 : i32
    %c0_i32 = arith.constant 0 : i32
    %c0_i32_1 = arith.constant 0 : i32
    return %add3A_0, %c0_i32 : i32, i32
  }
  func.func @transform_1(%arg0: i32) -> (i32, i32) {
    %add3A = arith.constant 50 : i32
    %add3A_0 = arith.addi %add3A, %arg0 : i32
    %c0_i32 = arith.constant 0 : i32
    %c0_i32_1 = arith.constant 0 : i32
    return %add3A_0, %c0_i32 : i32, i32
  }
  func.func @transform_2(%arg0: i32) -> (i32, i32) {
    %add3A = arith.constant 100 : i32
    %add3A_0 = arith.addi %add3A, %arg0 : i32
    %c0_i32 = arith.constant 0 : i32
    %c0_i32_1 = arith.constant 0 : i32
    return %add3A_0, %c0_i32 : i32, i32
  }
  func.func @transform_3(%arg0: i32) -> (i32, i32) {
    %add3A = arith.constant 150 : i32
    %add3A_0 = arith.addi %add3A, %arg0 : i32
    %c0_i32 = arith.constant 0 : i32
    %c0_i32_1 = arith.constant 0 : i32
    return %add3A_0, %c0_i32 : i32, i32
  }
  func.func @transform_4(%arg0: i32) -> (i32, i32) {
    %c0_i32 = arith.constant 0 : i32
    %c0_i32_0 = arith.constant 0 : i32
    %c0_i32_1 = arith.constant 0 : i32
    return %c0_i32, %c0_i32_0 : i32, i32
  }
  func.func @transform_5(%arg0: i32) -> (i32, i32) {
    %c0_i32 = arith.constant 0 : i32
    %c0_i32_0 = arith.constant 0 : i32
    %c0_i32_1 = arith.constant 0 : i32
    return %c0_i32, %c0_i32_0 : i32, i32
  }
  func.func @transform_6(%arg0: i32) -> (i32, i32) {
    %c0_i32 = arith.constant 0 : i32
    %c0_i32_0 = arith.constant 0 : i32
    %c0_i32_1 = arith.constant 0 : i32
    return %c0_i32, %c0_i32_0 : i32, i32
  }
  func.func @transform_7(%arg0: i32) -> (i32, i32) {
    %c0_i32 = arith.constant 0 : i32
    %c0_i32_0 = arith.constant 0 : i32
    %c0_i32_1 = arith.constant 0 : i32
    return %c0_i32, %c0_i32_0 : i32, i32
  }
  func.func @transform_8(%arg0: i32) -> (i32, i32) {
    %c0_i32 = arith.constant 0 : i32
    %c0_i32_0 = arith.constant 0 : i32
    return %arg0, %c0_i32 : i32, i32
  }
}

module attributes {stable_mosaic.version = 14 : i64} {
  func.func @_pool_body(%arg0: i32, %arg1: memref<1000x128xf32, #tpu.memory_space<vmem>>, %arg2: memref<1x1x1000xi32, #tpu.memory_space<vmem>>, %arg3: memref<64x128xf32, #tpu.memory_space<vmem>>, %arg4: memref<64x128xf32, #tpu.memory_space<vmem>>) attributes {dimension_semantics = [#tpu.dimension_semantics<arbitrary>], iteration_bounds = array<i64: 50>, scalar_prefetch = 0 : i64, scratch_operands = 0 : i64, tpu.core_type = #tpu.core_type<tc>, window_params = [{transform_indices = @transform_0, window_bounds = array<i64: 1000, 128>}, {transform_indices = @transform_1, window_bounds = array<i64: 1, 1, 1000>}, {pipeline_mode = #tpu.pipeline_mode<synchronous>, transform_indices = @transform_2, window_bounds = array<i64: 64, 128>}, {pipeline_mode = #tpu.pipeline_mode<synchronous>, transform_indices = @transform_3, window_bounds = array<i64: 64, 128>}]} {
    %get3A = arith.constant 0 : index
    %get3A_0 = arith.constant 0 : index
    %get3A_1 = arith.constant 0 : index
    %get3A_2 = vector.load %arg2[%get3A, %get3A_0, %get3A_1] : memref<1x1x1000xi32, #tpu.memory_space<vmem>>, vector<1x1x1000xi32>
    %get3A_3 = vector.shape_cast %get3A_2 : vector<1x1x1000xi32> to vector<1000xi32>
    %iota3A = tpu.iota {dimensions = array<i32: 0>} : vector<64x1000xi32>
    %broadcast_in_dim3A = vector.shape_cast %get3A_3 : vector<1000xi32> to vector<1x1000xi32>
    %eq3A = vector.broadcast %broadcast_in_dim3A : vector<1x1000xi32> to vector<64x1000xi32>
    %eq3A_4 = arith.cmpi eq, %eq3A, %iota3A : vector<64x1000xi32>
    %convert_element_type3A = arith.extui %eq3A_4 : vector<64x1000xi1> to vector<64x1000xi32>
    %convert_element_type3A_5 = arith.sitofp %convert_element_type3A : vector<64x1000xi32> to vector<64x1000xf32>
    %get3A_6 = arith.constant 0 : index
    %get3A_7 = arith.constant 0 : index
    %get3A_8 = vector.load %arg1[%get3A_6, %get3A_7] : memref<1000x128xf32, #tpu.memory_space<vmem>>, vector<1000x128xf32>
    %dot_general3A = arith.constant dense<0.000000e+00> : vector<64x128xf32>
    %dot_general3A_9 = tpu.matmul %convert_element_type3A_5, %get3A_8, %dot_general3A {dimension_numbers = #tpu.dot_dimension_numbers<[1], [0], [0], [1], [0, 0, 1, 1], [], []>, transpose_lhs_hint = false} : vector<64x1000xf32>, vector<1000x128xf32>, vector<64x128xf32> -> vector<64x128xf32>
    %reduce_sum3A = arith.constant dense<0.000000e+00> : vector<64xf32>
    %reduce_sum3A_10 = vector.multi_reduction <add>, %convert_element_type3A_5, %reduce_sum3A [1] : vector<64x1000xf32> to vector<64xf32>
    %broadcast_in_dim3A_11 = vector.shape_cast %reduce_sum3A_10 : vector<64xf32> to vector<64x1xf32>
    %broadcast_in_dim3A_12 = vector.shape_cast %broadcast_in_dim3A_11 : vector<64x1xf32> to vector<64x1xf32>
    %broadcast_in_dim3A_13 = vector.broadcast %broadcast_in_dim3A_12 : vector<64x1xf32> to vector<64x128xf32>
    %eq3A_14 = arith.constant 0 : i32
    %eq3A_15 = arith.cmpi eq, %arg0, %eq3A_14 : i32
    %convert_element_type3A_16 = arith.extui %eq3A_15 : i1 to i32
    %cond3A = arith.constant 0 : i32
    %cond3A_17 = arith.cmpi ne, %convert_element_type3A_16, %cond3A : i32
    scf.if %cond3A_17 {
      %broadcast_in_dim3A_30 = arith.constant 0.000000e+00 : f32
      %broadcast_in_dim3A_31 = vector.broadcast %broadcast_in_dim3A_30 : f32 to vector<64x128xf32>
      %swap3A_32 = arith.constant 0 : index
      %swap3A_33 = arith.constant 0 : index
      %swap3A_34 = vector.load %arg3[%swap3A_32, %swap3A_33] : memref<64x128xf32, #tpu.memory_space<vmem>>, vector<64x128xf32>
      tpu.vector_store %arg3[%swap3A_32, %swap3A_33], %broadcast_in_dim3A_31 {strides = array<i32>} : memref<64x128xf32, #tpu.memory_space<vmem>>, vector<64x128xf32>,
      %broadcast_in_dim3A_35 = arith.constant 0.000000e+00 : f32
      %broadcast_in_dim3A_36 = vector.broadcast %broadcast_in_dim3A_35 : f32 to vector<64x128xf32>
      %swap3A_37 = arith.constant 0 : index
      %swap3A_38 = arith.constant 0 : index
      %swap3A_39 = vector.load %arg4[%swap3A_37, %swap3A_38] : memref<64x128xf32, #tpu.memory_space<vmem>>, vector<64x128xf32>
      tpu.vector_store %arg4[%swap3A_37, %swap3A_38], %broadcast_in_dim3A_36 {strides = array<i32>} : memref<64x128xf32, #tpu.memory_space<vmem>>, vector<64x128xf32>,
    } else {
    }
    %get3A_18 = arith.constant 0 : index
    %get3A_19 = arith.constant 0 : index
    %get3A_20 = vector.load %arg3[%get3A_18, %get3A_19] : memref<64x128xf32, #tpu.memory_space<vmem>>, vector<64x128xf32>
    %add3A = arith.addf %get3A_20, %dot_general3A_9 : vector<64x128xf32>
    %swap3A = arith.constant 0 : index
    %swap3A_21 = arith.constant 0 : index
    %swap3A_22 = vector.load %arg3[%swap3A, %swap3A_21] : memref<64x128xf32, #tpu.memory_space<vmem>>, vector<64x128xf32>
    tpu.vector_store %arg3[%swap3A, %swap3A_21], %add3A {strides = array<i32>} : memref<64x128xf32, #tpu.memory_space<vmem>>, vector<64x128xf32>,
    %get3A_23 = arith.constant 0 : index
    %get3A_24 = arith.constant 0 : index
    %get3A_25 = vector.load %arg4[%get3A_23, %get3A_24] : memref<64x128xf32, #tpu.memory_space<vmem>>, vector<64x128xf32>
    %add3A_26 = arith.addf %get3A_25, %broadcast_in_dim3A_13 : vector<64x128xf32>
    %swap3A_27 = arith.constant 0 : index
    %swap3A_28 = arith.constant 0 : index
    %swap3A_29 = vector.load %arg4[%swap3A_27, %swap3A_28] : memref<64x128xf32, #tpu.memory_space<vmem>>, vector<64x128xf32>
    tpu.vector_store %arg4[%swap3A_27, %swap3A_28], %add3A_26 {strides = array<i32>} : memref<64x128xf32, #tpu.memory_space<vmem>>, vector<64x128xf32>,
    return
  }
  func.func @transform_0(%arg0: i32) -> (i32, i32) {
    %c0_i32 = arith.constant 0 : i32
    %c0_i32_0 = arith.constant 0 : i32
    return %arg0, %c0_i32 : i32, i32
  }
  func.func @transform_1(%arg0: i32) -> (i32, i32, i32) {
    %c0_i32 = arith.constant 0 : i32
    %c0_i32_0 = arith.constant 0 : i32
    %c0_i32_1 = arith.constant 0 : i32
    return %arg0, %c0_i32, %c0_i32_0 : i32, i32, i32
  }
  func.func @transform_2(%arg0: i32) -> (i32, i32) {
    %c0_i32 = arith.constant 0 : i32
    %c0_i32_0 = arith.constant 0 : i32
    %c0_i32_1 = arith.constant 0 : i32
    return %c0_i32, %c0_i32_0 : i32, i32
  }
  func.func @transform_3(%arg0: i32) -> (i32, i32) {
    %c0_i32 = arith.constant 0 : i32
    %c0_i32_0 = arith.constant 0 : i32
    %c0_i32_1 = arith.constant 0 : i32
    return %c0_i32, %c0_i32_0 : i32, i32
  }
}

module attributes {stable_mosaic.version = 14 : i64} {
  func.func @_heads_body(%arg0: memref<64x128xf32, #tpu.memory_space<vmem>>, %arg1: memref<64x128xf32, #tpu.memory_space<vmem>>, %arg2: memref<64x4xf32, #tpu.memory_space<vmem>>, %arg3: memref<128x128xf32, #tpu.memory_space<vmem>>, %arg4: memref<4x128xf32, #tpu.memory_space<vmem>>, %arg5: memref<1x128xf32, #tpu.memory_space<vmem>>, %arg6: memref<128x384xf32, #tpu.memory_space<vmem>>, %arg7: memref<1x384xf32, #tpu.memory_space<vmem>>, %arg8: memref<384x16xf32, #tpu.memory_space<vmem>>, %arg9: memref<1x16xf32, #tpu.memory_space<vmem>>, %arg10: memref<64x16xf32, #tpu.memory_space<vmem>>) attributes {dimension_semantics = [], scalar_prefetch = 0 : i64, scratch_operands = 0 : i64, tpu.core_type = #tpu.core_type<tc>} {
    %get3A = arith.constant 0 : index
    %get3A_0 = arith.constant 0 : index
    %get3A_1 = vector.load %arg0[%get3A, %get3A_0] : memref<64x128xf32, #tpu.memory_space<vmem>>, vector<64x128xf32>
    %get3A_2 = arith.constant 0 : index
    %get3A_3 = arith.constant 0 : index
    %get3A_4 = vector.load %arg1[%get3A_2, %get3A_3] : memref<64x128xf32, #tpu.memory_space<vmem>>, vector<64x128xf32>
    %max3A = arith.constant 1.000000e+00 : f32
    %max3A_5 = vector.broadcast %max3A : f32 to vector<64x128xf32>
    %max3A_6 = arith.maximumf %get3A_4, %max3A_5 : vector<64x128xf32>
    %div3A = arith.divf %get3A_1, %max3A_6 : vector<64x128xf32>
    %get3A_7 = arith.constant 0 : index
    %get3A_8 = arith.constant 0 : index
    %get3A_9 = vector.load %arg3[%get3A_7, %get3A_8] : memref<128x128xf32, #tpu.memory_space<vmem>>, vector<128x128xf32>
    %dot_general3A = arith.constant dense<0.000000e+00> : vector<64x128xf32>
    %dot_general3A_10 = tpu.matmul %div3A, %get3A_9, %dot_general3A {dimension_numbers = #tpu.dot_dimension_numbers<[1], [0], [0], [1], [0, 0, 1, 1], [], []>, transpose_lhs_hint = false} : vector<64x128xf32>, vector<128x128xf32>, vector<64x128xf32> -> vector<64x128xf32>
    %get3A_11 = arith.constant 0 : index
    %get3A_12 = arith.constant 0 : index
    %get3A_13 = vector.load %arg2[%get3A_11, %get3A_12] : memref<64x4xf32, #tpu.memory_space<vmem>>, vector<64x4xf32>
    %get3A_14 = arith.constant 0 : index
    %get3A_15 = arith.constant 0 : index
    %get3A_16 = vector.load %arg4[%get3A_14, %get3A_15] : memref<4x128xf32, #tpu.memory_space<vmem>>, vector<4x128xf32>
    %dot_general3A_17 = arith.constant dense<0.000000e+00> : vector<64x128xf32>
    %dot_general3A_18 = tpu.matmul %get3A_13, %get3A_16, %dot_general3A_17 {dimension_numbers = #tpu.dot_dimension_numbers<[1], [0], [0], [1], [0, 0, 1, 1], [], []>, transpose_lhs_hint = false} : vector<64x4xf32>, vector<4x128xf32>, vector<64x128xf32> -> vector<64x128xf32>
    %add3A = arith.addf %dot_general3A_10, %dot_general3A_18 : vector<64x128xf32>
    %get3A_19 = arith.constant 0 : index
    %get3A_20 = arith.constant 0 : index
    %get3A_21 = vector.load %arg5[%get3A_19, %get3A_20] : memref<1x128xf32, #tpu.memory_space<vmem>>, vector<1x128xf32>
    %add3A_22 = vector.broadcast %get3A_21 : vector<1x128xf32> to vector<64x128xf32>
    %add3A_23 = arith.addf %add3A, %add3A_22 : vector<64x128xf32>
    %max3A_24 = arith.constant 0.000000e+00 : f32
    %max3A_25 = vector.broadcast %max3A_24 : f32 to vector<64x128xf32>
    %max3A_26 = arith.maximumf %add3A_23, %max3A_25 : vector<64x128xf32>
    %get3A_27 = arith.constant 0 : index
    %get3A_28 = arith.constant 0 : index
    %get3A_29 = vector.load %arg6[%get3A_27, %get3A_28] : memref<128x384xf32, #tpu.memory_space<vmem>>, vector<128x384xf32>
    %dot_general3A_30 = arith.constant dense<0.000000e+00> : vector<64x384xf32>
    %dot_general3A_31 = tpu.matmul %max3A_26, %get3A_29, %dot_general3A_30 {dimension_numbers = #tpu.dot_dimension_numbers<[1], [0], [0], [1], [0, 0, 1, 1], [], []>, transpose_lhs_hint = false} : vector<64x128xf32>, vector<128x384xf32>, vector<64x384xf32> -> vector<64x384xf32>
    %get3A_32 = arith.constant 0 : index
    %get3A_33 = arith.constant 0 : index
    %get3A_34 = vector.load %arg7[%get3A_32, %get3A_33] : memref<1x384xf32, #tpu.memory_space<vmem>>, vector<1x384xf32>
    %add3A_35 = vector.broadcast %get3A_34 : vector<1x384xf32> to vector<64x384xf32>
    %add3A_36 = arith.addf %dot_general3A_31, %add3A_35 : vector<64x384xf32>
    %max3A_37 = arith.constant 0.000000e+00 : f32
    %max3A_38 = vector.broadcast %max3A_37 : f32 to vector<64x384xf32>
    %max3A_39 = arith.maximumf %add3A_36, %max3A_38 : vector<64x384xf32>
    %get3A_40 = arith.constant 0 : index
    %get3A_41 = arith.constant 0 : index
    %get3A_42 = vector.load %arg8[%get3A_40, %get3A_41] : memref<384x16xf32, #tpu.memory_space<vmem>>, vector<384x16xf32>
    %dot_general3A_43 = arith.constant dense<0.000000e+00> : vector<64x16xf32>
    %dot_general3A_44 = tpu.matmul %max3A_39, %get3A_42, %dot_general3A_43 {dimension_numbers = #tpu.dot_dimension_numbers<[1], [0], [0], [1], [0, 0, 1, 1], [], []>, transpose_lhs_hint = false} : vector<64x384xf32>, vector<384x16xf32>, vector<64x16xf32> -> vector<64x16xf32>
    %get3A_45 = arith.constant 0 : index
    %get3A_46 = arith.constant 0 : index
    %get3A_47 = vector.load %arg9[%get3A_45, %get3A_46] : memref<1x16xf32, #tpu.memory_space<vmem>>, vector<1x16xf32>
    %add3A_48 = vector.broadcast %get3A_47 : vector<1x16xf32> to vector<64x16xf32>
    %add3A_49 = arith.addf %dot_general3A_44, %add3A_48 : vector<64x16xf32>
    %swap3A = arith.constant 0 : index
    %swap3A_50 = arith.constant 0 : index
    %swap3A_51 = vector.load %arg10[%swap3A, %swap3A_50] : memref<64x16xf32, #tpu.memory_space<vmem>>, vector<64x16xf32>
    tpu.vector_store %arg10[%swap3A, %swap3A_50], %add3A_49 {strides = array<i32>} : memref<64x16xf32, #tpu.memory_space<vmem>>, vector<64x16xf32>,
    return
  }
}

</mosaic_0001>

<sc_bundles>
// kernel: kernel.11.cloned.1.call-start
scs
__scs_entry_jumppad:
0x0: {  	(pc) =	sbr.rel $0x88, $3  }
0x1: {  	(tag) =	ssettag $0x0;
	lr =	simm.s32 $0x1  }
0x2: {  	[smem:$0x3F81] =	sst lr;
	_ =	strace $0xD0000000  }
0x3: {  	_ = 	snop  }
0x4: {  	_ = 	snop  }
0x5: {  	_ = 	snop  }
0x6: {  	_ = 	snop  }
0x7: {  	_ = 	snop  }
__scs_overlays_trampoline_lowered:
0x8: {  	[smem:$0x3F90] =	sst s0  }
0x9: {  	[smem:$0x3F91] =	sst s1  }
0xa: {  	[smem:$0x3F92] =	sst s2  }
0xb: {  	[smem:$0x3F93] =	sst s3  }
0xc: {  	[smem:$0x3F94] =	sst s4  }
0xd: {  	[smem:$0x3F95] =	sst s5  }
0xe: {  	[smem:$0x3F96] =	sst s6  }
0xf: {  	[smem:$0x3F97] =	sst s7  }
0x10: {  	[smem:$0x3F98] =	sst s8  }
0x11: {  	[smem:$0x3F99] =	sst s9;
	s0 =	simm.s32 @!p0 $0x0  }
0x12: {  	s1 =	sld [smem:$0x3F7F];
	s0 =	simm.s32 @p0 $0x1  }
0x13: {  	[smem:$0x3F9A] =	sst s0;
	s0 =	simm.s32 @!p1 $0x0  }
0x14: {  	s2 =	sld [smem:$0x3F7E];
	s0 =	simm.s32 @p1 $0x1  }
0x15: {  	[smem:$0x3F9B] =	sst s0;
	s0 =	simm.s32 @!p2 $0x0  }
0x16: {  	s3 =	sld [smem:$0x3FDB];
	s0 =	simm.s32 @p2 $0x1  }
0x17: {  	s4 =	simm.s32 $0x1BF5;
	[smem:$0x3F9D] =	sst s0  }
0x18: {  	s0 =	sld [smem:$0x3F80];
	_ =	swait.ge [sflag:s4], $0x0  }
0x19: {  	s7 =	sld [smem:$0x3F81]  }
0x1a: {  	s8 =	sadd.s32 $0xFFFFE003, lr  }
0x1b: {  	s9 =	sadd.s32 $0xFFFFFEF7, lr;
	s5 =	simm.s32 $0xFFFFFFFF;
	p2 =	slt.u32 s8, $0xFFFFF086  }
0x1c: {  	p1 =	slt.u32 s9, $0xF7A;
	s5 =	simm.s32 @!p2 $0x0  }
0x1d: {  	s5 =	simm.s32 @p1 $0x1;
	p0 =	seq.s32 s7, s2  }
0x1e: {  	s7 =	smul.u32 @!p0 $0xF7A, s2;
	p2 =	seq.s32 @!p0 s5, $0x0  }
0x1f: {  	s9 =	smul.u32 $0xF7A, s1;
	s8 =	simm.s32 @!p0 $0x1BF5;
	p2 =	por !p2, p0  }
0x20: {  	[sflag:s8] =	ssyncset.s32 @!p0 $0xFFFFF086;
	s6 =	sadd.s32 @!p0 s3, s7;
	s7 =	simm.s32 @!p0 $0x108  }
0x21: {  	s3 =	sadd.s32 s3, s9;
	s6 =	sadd.s32 @!p0 $0x88, s6;
	s7 =	simm.s32 @p2 $0x1082  }
0x22: {  	[simem:s7], [sflag:s8] =	dma.local @!p0 [hbm:s6], $0xF7A  }
0x23: {  	s9 =	sor.u32 $0xD0000000, s2;
	s6 =	simm.s32 $0x108;
	_ =	swait.ge @!p0 [sflag:s8], $0x0  }
0x24: {  	s3 =	sadd.s32 $0x88, s3;
	s6 =	simm.s32 @!p1 $0x1082;
	[sflag:s4] =	ssyncset.s32 $0xFFFFF086  }
0x25: {  	[simem:s6], [sflag:s4] =	dma.local [hbm:s3], $0xF7A  }
0x26: {  	[smem:$0x3F81] =	sst s1;
	(tag) =	ssettag s2;
	_ =	strace s9  }
0x27: {  	s1 =	sld [smem:$0x3F91]  }
0x28: {  	s2 =	sld [smem:$0x3F92]  }
0x29: {  	s4 =	sld [smem:$0x3F94]  }
0x2a: {  	p0 =	seq.s32 s5, $0x0;
	s5 =	sld [smem:$0x3F95]  }
0x2b: {  	s6 =	sld [smem:$0x3F96]  }
0x2c: {  	s7 =	sld [smem:$0x3F97]  }
0x2d: {  	s3 =	simm.s32 $0x108;
	s8 =	sld [smem:$0x3F98]  }
0x2e: {  	s3 =	simm.s32 @!p0 $0x1082;
	s9 =	sld [smem:$0x3F99]  }
0x2f: {  	lr =	sadd.s32 s0, s3;
	s0 =	sld [smem:$0x3F90]  }
0x30: {  	s3 =	sld [smem:$0x3F93]  }
0x31: {  	[smem:$0x3F9C] =	sst s10  }
0x32: {  	s10 =	sld [smem:$0x3F9A];
	_ =	sdelay $0x3  }
0x33: {  	p0 =	seq.s32 s10, $0x1;
	s10 =	sld [smem:$0x3F9C];
	_ =	sdelay $0x3  }
0x34: {  	[smem:$0x3F9C] =	sst s10  }
0x35: {  	s10 =	sld [smem:$0x3F9B];
	_ =	sdelay $0x3  }
0x36: {  	p1 =	seq.s32 s10, $0x1;
	s10 =	sld [smem:$0x3F9C];
	_ =	sdelay $0x3  }
0x37: {  	[smem:$0x3F9C] =	sst s10  }
0x38: {  	s10 =	sld [smem:$0x3F9D]  }
0x39: {  	_ = 	snop;
	(pc) =	sbr.ind lr, $3  }
0x3a: {  	_ = 	snop  }
0x3b: {  	_ = 	snop  }
0x3c: {  	p2 =	seq.s32 s10, $0x1;
	s10 =	sld [smem:$0x3F9C]  }
0x3d: {  	_ =	shalt  }
0x3e: {  	_ =	shalt  }
0x3f: {  	_ =	shalt  }
0x40: {  	_ =	shalt  }
0x41: {  	_ =	shalt  }
0x42: {  	_ =	shalt  }
0x43: {  	_ =	shalt  }
0x44: {  	_ =	shalt  }
0x45: {  	_ =	shalt  }
0x46: {  	_ =	shalt  }
0x47: {  	_ =	shalt  }
0x48: {  	_ =	shalt  }
0x49: {  	_ =	shalt  }
0x4a: {  	_ =	shalt  }
0x4b: {  	_ =	shalt  }
0x4c: {  	_ =	shalt  }
0x4d: {  	_ =	shalt  }
0x4e: {  	_ =	shalt  }
0x4f: {  	_ =	shalt  }
0x50: {  	_ =	shalt  }
0x51: {  	_ =	shalt  }
0x52: {  	_ =	shalt  }
0x53: {  	_ =	shalt  }
0x54: {  	_ =	shalt  }
0x55: {  	_ =	shalt  }
0x56: {  	_ =	shalt  }
0x57: {  	_ =	shalt  }
0x58: {  	_ =	shalt  }
0x59: {  	_ =	shalt  }
0x5a: {  	_ =	shalt  }
0x5b: {  	_ =	shalt  }
0x5c: {  	_ =	shalt  }
0x5d: {  	_ =	shalt  }
0x5e: {  	_ =	shalt  }
0x5f: {  	_ =	shalt  }
0x60: {  	_ =	shalt  }
0x61: {  	_ =	shalt  }
0x62: {  	_ =	shalt  }
0x63: {  	_ =	shalt  }
0x64: {  	_ =	shalt  }
0x65: {  	_ =	shalt  }
0x66: {  	_ =	shalt  }
0x67: {  	_ =	shalt  }
0x68: {  	_ =	shalt  }
0x69: {  	_ =	shalt  }
0x6a: {  	_ =	shalt  }
0x6b: {  	_ =	shalt  }
0x6c: {  	_ =	shalt  }
0x6d: {  	_ =	shalt  }
0x6e: {  	_ =	shalt  }
0x6f: {  	_ =	shalt  }
0x70: {  	_ =	shalt  }
0x71: {  	_ =	shalt  }
0x72: {  	_ =	shalt  }
0x73: {  	_ =	shalt  }
0x74: {  	_ =	shalt  }
0x75: {  	_ =	shalt  }
0x76: {  	_ =	shalt  }
0x77: {  	_ =	shalt  }
0x78: {  	_ =	shalt  }
0x79: {  	_ =	shalt  }
0x7a: {  	_ =	shalt  }
0x7b: {  	_ =	shalt  }
0x7c: {  	_ =	shalt  }
0x7d: {  	_ =	shalt  }
0x7e: {  	_ =	shalt  }
0x7f: {  	_ =	shalt  }
0x80: {  	_ =	shalt  }
0x81: {  	_ =	shalt  }
0x82: {  	_ =	shalt  }
0x83: {  	_ =	shalt  }
0x84: {  	_ =	shalt  }
0x85: {  	_ =	shalt  }
0x86: {  	_ =	shalt  }
0x87: {  	_ =	shalt  }
.Lfunc_end0:
.L_simem_size_0:
called_computation_lowered:
.L_overlay_start_0:
0x88: {  	s2 =	sld [smem:$0x3FD9]  }
0x89: {  	s3 =	sld [smem:$0x3FFE];
	_ =	sdelay $0x1  }
0x8a: {  	s1 =	srdreg.scid  }
0x8b: {  	s0 =	sand.u32 $0x1, s1  }
0x8c: {  	s16 =	sshll.u32 s0, $0xA;
	s2 =	sadd.s32 s3, s2  }
0x8d: {  	s2 =	sadd.s32 s2, s16  }
0x8e: {  	[smem:$0x3FA8] =	sst s2  }
0x8f: {  	_ = 	snop  }
0x90: {  	(tm) =	ssettm $0x1  }
0x91: {  	s17 =	sld [smem:$0x3FFB];
	_ =	sdelay $0x3  }
0x92: {  	_ =	strace s17  }
0x93: {  	s2 =	sld [smem:$0x3FFC];
	_ =	sdelay $0x3  }
0x94: {  	_ =	strace s2  }
0x95: {  	s2 =	sld [smem:$0x3FFD];
	_ =	sdelay $0x3  }
0x96: {  	_ =	strace s2  }
0x97: {  	_ =	strace $0x8FFFFFFF  }
0x98: {  	s18 =	sld [smem:$0x3FDB];
	_ =	sdelay $0x1  }
0x99: {  	s19 =	simm.s32 $_scs_section_size  }
0x9a: {  	s4 =	simm.s32 $_size__tile_overlayer_lowered;
	s5 =	simm.s32 $_tile_overlayer_lowered  }
0x9b: {  	s22 =	simm.s32 $0x1BFF;
	s21 =	sshll.u32 s5, $0x1;
	s2 =	sadd.s32 s19, s18  }
0x9c: {  	s6 =	simm.s32 $0x0;
	s20 =	sshll.u32 s4, $0x1;
	s4 =	sadd.s32 s21, s2  }
0x9d: {  	[timem:s6], [sflag:s22] =	dma.local [hbm:s4], s20  }
0x9e: {  	_ =	swait.ge [sflag:s22], s20  }
0x9f: {  	s3 =	ssub.s32 $0x0, s20;
	[sflag:s22] =	ssyncset.done $0x0  }
0xa0: {  	[sflag:s22] =	ssyncadd.s32 s3;
	_ =	sdelay $0x1  }
0xa1: {  	s23 =	simm.s32 $0x1B8B  }
0xa2: {  	_ =	swait.ge [sflag:s23], $0x1  }
0xa3: {  	[sflag:s23] =	ssyncset.done $0x0  }
0xa4: {  	s25 =	simm.s32 $0x1B8E;
	s24 =	sld [smem:$0x3FFE];
	[sflag:s23] =	ssyncadd.s32 $0xFFFFFFFF  }
0xa5: {  	s26 =	simm.s32 $execute0_lowered;
	[smem:$0x3FD2] =	sst s25  }
0xa6: {  	s4 =	sshll.u32 s26, $0x1;
	_ =	strace $0x80000046;
	[dreg:$0x1] =	wrdreg $0xFFFFFFFF  }
0xa7: {  	s28 =	simm.s32 $_size_execute0_lowered;
	s2 =	sadd.s32 s2, s4;
	[dreg:$0x0] =	wrdreg $0x0  }
0xa8: {  	s4 =	sshll.u32 s28, $0x1;
	[dreg:$0x2] =	wrdreg s2  }
0xa9: {  	[dreg:$0x3] =	wrdreg s4  }
0xaa: {  	[dreg:$0x4] =	wrdreg $0xC0  }
0xab: {  	_ =	task [dreg:s6], $0x5FFFF  }
0xac: {  	[dreg:$0x1] =	wrdreg $0xFFFFFFFF  }
0xad: {  	[dreg:$0x0] =	wrdreg $0x60  }
0xae: {  	[dreg:$0x2] =	wrdreg s24  }
0xaf: {  	[dreg:$0x3] =	wrdreg $0x77000  }
0xb0: {  	[dreg:$0x4] =	wrdreg $0x9  }
0xb1: {  	_ =	task.clear_ibuf [dreg:s6], $0x5FFFF;
	_ =	strace $0x90000046  }
0xb2: {  	s29 =	simm.s32 $0x9;
	_ =	strace $0x80000048  }
0xb3: {  	_ =	swait.ge [sflag:s29], $0x1  }
0xb4: {  	[sflag:s29] =	ssyncadd.s32 $0xFFFFFFFF  }
0xb5: {  	_ =	strace $0x90000048  }
0xb6: {  	_ =	sfence  }
0xb7: {  	s30 =	sld [smem:$0x0];
	_ =	sdelay $0x2  }
0xb8: {  	s31 =	sshll.u32 s1, $0xD;
	s1 =	sshrl.u32 s1, $0x2  }
0xb9: {  	s3 =	sand.u32 $0x4000, s31;
	s1 =	sadd.s32 s1, s30  }
0xba: {  	s0 =	sor.u32 s3, s0;
	s1 =	sshll.u32 s1, $0x11  }
0xbb: {  	s0 =	sor.u32 s1, s0  }
0xbc: {  	s0 =	sadd.s32 $0x8F2B, s0  }
0xbd: {  	[sflag:s0] =	ssyncadd.remote.s32 $0x1  }
0xbe: {  	_ =	sfence.sel $0xFFFF  }
0xbf: {  	[dreg:$0x0] =	wrdreg $0xFFFFFFFF;
	(pc) =	sbr.abs _section_cstart, $3  }
0xc0: {  	[dreg:$0x1] =	wrdreg $0xFFFFFFFF  }
0xc1: {  	_ =	task.clear_ibuf [dreg:s6], $0x2FFFF;
	_ =	strace $0x9FFFFFFF  }
0xc2: {  	(tm) =	ssettm $0x7FFFFFFF  }
0xc3: {  	_ =	shalt  }
tec
execute0_lowered:
.L_overlay_start_1:
0x0: {  	(tag) =	ssettag $0x1  }
0x1: {  	s5 =	rddreg [dreg:$0x0]  }
0x2: {  	s1 =	rddreg [dreg:$0x1];
	s2 =	stileid.u32  }
0x3: {  	s3 =	simm.s32 $0x0;
	s7 =	srdreg.scid;
	s6 =	smul.u32 $0x1880, s2  }
0x4: {  	s19 =	simm.s32 $0x1C0;
	[smem:$0x7FF] =	sst s3;
	s8 =	smul.u32 $0xC35, s2  }
0x5: {  	s4 =	sadd.s32 $0x67200, s5;
	s15 =	sadd.s32 $0x5200, s5;
	s12 =	smul.u32 $0x61A80, s2  }
0x6: {  	s7 =	sand.u32 $0x1, s7;
	s10 =	sadd.s32 $0x143000, s5;
	s14 =	smul.u32 $0xC400, s2  }
0x7: {  	s26 =	sshll.u32 s2, $0x6;
	_ =	strace $0x80000047;
	s9 =	smul.u32 $0x186A0, s7  }
0x8: {  	s20 =	ssub.s32 $0x2, s7;
	s23 =	sshllo.u32 s7, $0x1;
	s17 =	smul.u32 $0x188000, s7  }
0x9: {  	s11 =	sadd.s32 s6, s5;
	s21 =	sshrl.u32 s20, $0x1;
	s24 =	sshrl.u32 s12, $0x2  }
0xa: {  	s6 =	smul.u32 $0xC350, s23;
	s23 =	simm.s32 $0x3F00;
	s13 =	ssub.s32 s20, s21  }
0xb: {  	s22 =	sadd.s32 s8, s9;
	s16 =	sadd.s32 s24, s1;
	s14 =	sadd.s32 s14, s17  }
0xc: {  	s11 =	sadd.s32 $0x12A800, s11;
	s20 =	simm.s32 $0x540;
	s21 =	simm.s32 $0x1  }
0xd: {  	s24 =	simm.s32 $0x2;
	s25 =	sshll.u32 s22, $0x2;
	s8 =	sadd.s32 s8, s6  }
0xe: {  	s6 =	sor.u32 $0x1C04, s26;
	s29 =	sshrl.u32 s14, $0x3;
	s30 =	sor.u32 $0x1C0, s14  }
0xf: {  	s17 =	sadd.s32 $0xC4000, s14;
	s18 =	sadd.s32 $0xC41C0, s14;
	s16 =	sshrl.u32 s16, $0x3  }
0x10: {  	s22 =	simm.s32 $0x700;
	s26 =	simm.s32 $0x0;
	s5 =	sadd.s32 s4, s25  }
0x11: {  	s7 =	sadd.s32 s10, s25;
	s28 =	sshll.u32 s8, $0x2;
	s12 =	sadd.s32 s29, s15  }
0x12: {  	s17 =	sshrl.u32 s17, $0x3;
	s31 =	sshrl.u32 s18, $0x3;
	s18 =	simm.s32 $0x380  }
0x13: {  	s25 =	simm.s32 $0x3;
	s8 =	sadd.s32 s4, s28;
	s9 =	sadd.s32 s10, s28  }
0x14: {  	s10 =	smax.u32 s13, $0x1;
	s13 =	sshrl.u32 s30, $0x3;
	s14 =	sadd.s32 s17, s15  }
0x15: {  	s17 =	simm.s32 $0x4;
	s13 =	sadd.s32 s13, s15;
	s15 =	sadd.s32 s31, s15  }
.LBB2_1:
0x16: {  	[spmem:s16], [sflag:s6] =	dma.local [hbm:s5], $0x30D4  }
0x17: {  	_ =	swait.ge [sflag:s17], $0x30D4  }
0x18: {  	[sflag:s17] =	ssyncset.done $0x0  }
0x19: {  	[sflag:s17] =	ssyncadd.s32 $0xFFFFCF2C  }
0x1a: {  	s28 =	sadd.s32 $0x0, s12;
	[bflag:$0x0] =	sbarrier.arrive $0xFFFF  }
0x1b: {  	[tilespmem:s3], [sflag:$0x1] =	stream.linear.gather [hbm4b:s28+s3], $0x1C0, $0x38;
	[tilespmem:$0x1FDB0] =	vst v63  }
0x1c: {  	s28 =	sadd.s32 $0x0, s11  }
0x1d: {  	[tilespmem:s18], [sflag:$0x1] =	stream.linear.gather [hbm4b:s28+s3], $0x1C0, $0x38;
	[tilespmem:$0x1FDB0] =	vst v63  }
0x1e: {  	s29 =	sadd.s32 $0x0, s13  }
0x1f: {  	[tilespmem:s19], [sflag:$0x1] =	stream.linear.gather [hbm4b:s29+s3], $0x1C0, $0x38;
	[tilespmem:$0x1FDB0] =	vst v63  }
0x20: {  	s28 =	sadd.s32 $0x38, s28  }
0x21: {  	[tilespmem:s20], [sflag:$0x1] =	stream.linear.gather [hbm4b:s28+s3], $0x1C0, $0x38;
	[tilespmem:$0x1FDB0] =	vst v63  }
0x22: {  	_ =	swait.ge [sflag:s21], $0x1C0  }
0x23: {  	[sflag:s21] =	ssyncset.done $0x0  }
0x24: {  	[sflag:s21] =	ssyncadd.s32 $0xFFFFFE40  }
0x25: {  	_ =	swait.ge [sflag:s21], $0x1C0  }
0x26: {  	[sflag:s21] =	ssyncset.done $0x0  }
0x27: {  	[sflag:s21] =	ssyncadd.s32 $0xFFFFFE40  }
0x28: {  	[tilespmem:s22], [sflag:$0x2] =	stream.indirect.gather [hbm4b:s4+s19], $0x20, s3, s19, $0xb8;
	[tilespmem:$0x1FDB0] =	vst v63  }
0x29: {  	_ =	swait.ge [sflag:s21], $0x1C0  }
0x2a: {  	[sflag:s21] =	ssyncset.done $0x0  }
0x2b: {  	[sflag:s21] =	ssyncadd.s32 $0xFFFFFE40  }
0x2c: {  	_ =	swait.ge [sflag:s21], $0x1C0  }
0x2d: {  	[sflag:s21] =	ssyncset.done $0x0  }
0x2e: {  	[sflag:s21] =	ssyncadd.s32 $0xFFFFFE40  }
0x2f: {  	[tilespmem:s23], [sflag:$0x2] =	stream.indirect.gather [hbm4b:s4+s19], $0x20, s19, s19, $0xb8;
	[tilespmem:$0x1FDB0] =	vst v63  }
0x30: {  	_ =	swait.ge [sflag:s24], $0x3800  }
0x31: {  	[sflag:s24] =	ssyncset.done $0x0  }
0x32: {  	[sflag:s24] =	ssyncadd.s32 $0xFFFFC800  }
0x33: {  	[spmem:s1] =	stream.indirect.scatter.add.f32 [tilespmem:s22], [sflag:$0x3], $0x20, s18, s19, $0xb8;
	[tilespmem:$0x1FDB0] =	vst v63  }
0x34: {  	_ =	swait.ge [sflag:s24], $0x3800  }
0x35: {  	[sflag:s24] =	ssyncset.done $0x0  }
0x36: {  	[sflag:s24] =	ssyncadd.s32 $0xFFFFC800  }
0x37: {  	[spmem:s1] =	stream.indirect.scatter.add.f32 [tilespmem:s23], [sflag:$0x3], $0x20, s20, s19, $0xb8;
	[tilespmem:$0x1FDB0] =	vst v63  }
0x38: {  	_ =	swait.ge [sflag:s25], $0x3800  }
0x39: {  	[sflag:s25] =	ssyncset.done $0x0  }
0x3a: {  	[sflag:s25] =	ssyncadd.s32 $0xFFFFC800  }
0x3b: {  	_ =	swait.ge [sflag:s25], $0x3800  }
0x3c: {  	s30 =	simm.s32 $0xE0;
	s28 =	simm.s32 $0x70;
	[sflag:s25] =	ssyncset.done $0x0  }
.LBB2_2:
0x3d: {  	s31 =	sadd.s32 s28, s12  }
0x3e: {  	[sflag:s25] =	ssyncadd.s32 $0xFFFFC800;
	s0 =	smov.u32 s30;
	s29 =	sadd.s32 $0x70, s30  }
0x3f: {  	[tilespmem:s3], [sflag:$0x1] =	stream.linear.gather [hbm4b:s31+s3], $0x1C0, $0x38;
	[tilespmem:$0x1FDB0] =	vst v63  }
0x40: {  	p0 =	sne.s32 s30, $0x1810;
	s30 =	sadd.s32 s28, s11  }
0x41: {  	[tilespmem:s18], [sflag:$0x1] =	stream.linear.gather [hbm4b:s30+s3], $0x1C0, $0x38;
	[tilespmem:$0x1FDB0] =	vst v63  }
0x42: {  	s31 =	sadd.s32 s28, s13;
	s28 =	smov.u32 s0  }
0x43: {  	[tilespmem:s19], [sflag:$0x1] =	stream.linear.gather [hbm4b:s31+s3], $0x1C0, $0x38;
	[tilespmem:$0x1FDB0] =	vst v63  }
0x44: {  	s0 =	sadd.s32 $0x38, s30  }
0x45: {  	[tilespmem:s20], [sflag:$0x1] =	stream.linear.gather [hbm4b:s0+s3], $0x1C0, $0x38;
	[tilespmem:$0x1FDB0] =	vst v63  }
0x46: {  	_ =	swait.ge [sflag:s21], $0x1C0  }
0x47: {  	[sflag:s21] =	ssyncset.done $0x0  }
0x48: {  	[sflag:s21] =	ssyncadd.s32 $0xFFFFFE40  }
0x49: {  	_ =	swait.ge [sflag:s21], $0x1C0  }
0x4a: {  	[sflag:s21] =	ssyncset.done $0x0  }
0x4b: {  	[sflag:s21] =	ssyncadd.s32 $0xFFFFFE40  }
0x4c: {  	[tilespmem:s22], [sflag:$0x2] =	stream.indirect.gather [hbm4b:s4+s19], $0x20, s3, s19, $0xb8;
	[tilespmem:$0x1FDB0] =	vst v63  }
0x4d: {  	_ =	swait.ge [sflag:s21], $0x1C0  }
0x4e: {  	[sflag:s21] =	ssyncset.done $0x0  }
0x4f: {  	[sflag:s21] =	ssyncadd.s32 $0xFFFFFE40  }
0x50: {  	_ =	swait.ge [sflag:s21], $0x1C0  }
0x51: {  	[sflag:s21] =	ssyncset.done $0x0  }
0x52: {  	[sflag:s21] =	ssyncadd.s32 $0xFFFFFE40  }
0x53: {  	[tilespmem:s23], [sflag:$0x2] =	stream.indirect.gather [hbm4b:s4+s19], $0x20, s19, s19, $0xb8;
	[tilespmem:$0x1FDB0] =	vst v63  }
0x54: {  	_ =	swait.ge [sflag:s24], $0x3800  }
0x55: {  	[sflag:s24] =	ssyncset.done $0x0  }
0x56: {  	[sflag:s24] =	ssyncadd.s32 $0xFFFFC800  }
0x57: {  	[spmem:s1] =	stream.indirect.scatter.add.f32 [tilespmem:s22], [sflag:$0x3], $0x20, s18, s19, $0xb8;
	[tilespmem:$0x1FDB0] =	vst v63  }
0x58: {  	_ =	swait.ge [sflag:s24], $0x3800  }
0x59: {  	[sflag:s24] =	ssyncset.done $0x0  }
0x5a: {  	[sflag:s24] =	ssyncadd.s32 $0xFFFFC800  }
0x5b: {  	[spmem:s1] =	stream.indirect.scatter.add.f32 [tilespmem:s23], [sflag:$0x3], $0x20, s20, s19, $0xb8;
	[tilespmem:$0x1FDB0] =	vst v63  }
.Ltmp0:
0x5c: {  	_ =	swait.ge [sflag:s25], $0x3800;
	(pc) =	sbr.rel @p0 .LBB2_2-.Ltmp0, $4  }
0x5d: {  	[sflag:s25] =	ssyncset.done $0x0  }
0x5e: {  	[sflag:s25] =	ssyncadd.s32 $0xFFFFC800  }
0x5f: {  	_ =	swait.ge [sflag:s25], $0x3800  }
0x60: {  	s30 =	smov.u32 s29;
	[sflag:s25] =	ssyncset.done $0x0  }
0x61: {  	s0 =	sadd.s32 s28, s12;
	[sflag:s25] =	ssyncadd.s32 $0xFFFFC800  }
0x62: {  	[tilespmem:s3], [sflag:$0x1] =	stream.linear.gather [hbm4b:s0+s3], $0x1C0, $0x38;
	[tilespmem:$0x1FDB0] =	vst v63  }
0x63: {  	s31 =	sadd.s32 s28, s11  }
0x64: {  	[tilespmem:s18], [sflag:$0x1] =	stream.linear.gather [hbm4b:s31+s3], $0x1C0, $0x38;
	[tilespmem:$0x1FDB0] =	vst v63  }
0x65: {  	s28 =	sadd.s32 s28, s13  }
0x66: {  	[tilespmem:s19], [sflag:$0x1] =	stream.linear.gather [hbm4b:s28+s3], $0x1C0, $0x38;
	[tilespmem:$0x1FDB0] =	vst v63  }
0x67: {  	s0 =	sadd.s32 $0x38, s31  }
0x68: {  	[tilespmem:s20], [sflag:$0x1] =	stream.linear.gather [hbm4b:s0+s3], $0x1C0, $0x38;
	[tilespmem:$0x1FDB0] =	vst v63  }
0x69: {  	_ =	swait.ge [sflag:s21], $0x1C0  }
0x6a: {  	[sflag:s21] =	ssyncset.done $0x0  }
0x6b: {  	[sflag:s21] =	ssyncadd.s32 $0xFFFFFE40  }
0x6c: {  	_ =	swait.ge [sflag:s21], $0x1C0  }
0x6d: {  	[sflag:s21] =	ssyncset.done $0x0  }
0x6e: {  	[sflag:s21] =	ssyncadd.s32 $0xFFFFFE40  }
0x6f: {  	[tilespmem:s22], [sflag:$0x2] =	stream.indirect.gather [hbm4b:s4+s19], $0x20, s3, s19, $0xb8;
	[tilespmem:$0x1FDB0] =	vst v63  }
0x70: {  	_ =	swait.ge [sflag:s21], $0x1C0  }
0x71: {  	[sflag:s21] =	ssyncset.done $0x0  }
0x72: {  	[sflag:s21] =	ssyncadd.s32 $0xFFFFFE40  }
0x73: {  	_ =	swait.ge [sflag:s21], $0x1C0  }
0x74: {  	[sflag:s21] =	ssyncset.done $0x0  }
0x75: {  	[sflag:s21] =	ssyncadd.s32 $0xFFFFFE40  }
0x76: {  	[tilespmem:s23], [sflag:$0x2] =	stream.indirect.gather [hbm4b:s4+s19], $0x20, s19, s19, $0xb8;
	[tilespmem:$0x1FDB0] =	vst v63  }
0x77: {  	_ =	swait.ge [sflag:s24], $0x3800  }
0x78: {  	[sflag:s24] =	ssyncset.done $0x0  }
0x79: {  	[sflag:s24] =	ssyncadd.s32 $0xFFFFC800  }
0x7a: {  	[spmem:s1] =	stream.indirect.scatter.add.f32 [tilespmem:s22], [sflag:$0x3], $0x20, s18, s19, $0xb8;
	[tilespmem:$0x1FDB0] =	vst v63  }
0x7b: {  	_ =	swait.ge [sflag:s24], $0x3800  }
0x7c: {  	[sflag:s24] =	ssyncset.done $0x0  }
0x7d: {  	[sflag:s24] =	ssyncadd.s32 $0xFFFFC800  }
0x7e: {  	[spmem:s1] =	stream.indirect.scatter.add.f32 [tilespmem:s23], [sflag:$0x3], $0x20, s20, s19, $0xb8;
	[tilespmem:$0x1FDB0] =	vst v63  }
0x7f: {  	_ =	swait.ge [sflag:s25], $0x3800  }
0x80: {  	[sflag:s25] =	ssyncset.done $0x0  }
0x81: {  	[sflag:s25] =	ssyncadd.s32 $0xFFFFC800  }
0x82: {  	_ =	swait.ge [sflag:s25], $0x3800  }
0x83: {  	[sflag:s25] =	ssyncset.done $0x0  }
0x84: {  	[sflag:s25] =	ssyncadd.s32 $0xFFFFC800  }
0x85: {  	[bflag:$0x0] =	sbarrier.arrive $0xFFFF  }
0x86: {  	[hbm:s7], [sflag:s6] =	dma.local [spmem:s16], $0x30D4  }
0x87: {  	_ =	swait.ge [sflag:s17], $0x30D4  }
0x88: {  	[sflag:s17] =	ssyncset.done $0x0  }
0x89: {  	[sflag:s17] =	ssyncadd.s32 $0xFFFFCF2C  }
0x8a: {  	[bflag:$0x0] =	sbarrier.arrive $0xFFFF  }
0x8b: {  	[spmem:s16], [sflag:s6] =	dma.local [hbm:s8], $0x30D4  }
0x8c: {  	_ =	swait.ge [sflag:s17], $0x30D4  }
0x8d: {  	[sflag:s17] =	ssyncset.done $0x0  }
0x8e: {  	[sflag:s17] =	ssyncadd.s32 $0xFFFFCF2C  }
0x8f: {  	s29 =	sadd.s32 $0x0, s14;
	[bflag:$0x0] =	sbarrier.arrive $0xFFFF  }
0x90: {  	[tilespmem:s3], [sflag:$0x1] =	stream.linear.gather [hbm4b:s29+s3], $0x1C0, $0x38;
	[tilespmem:$0x1FDB0] =	vst v63  }
0x91: {  	s31 =	sadd.s32 $0x0, s11  }
0x92: {  	[tilespmem:s18], [sflag:$0x1] =	stream.linear.gather [hbm4b:s31+s3], $0x1C0, $0x38;
	[tilespmem:$0x1FDB0] =	vst v63  }
0x93: {  	s28 =	sadd.s32 $0x0, s15  }
0x94: {  	[tilespmem:s19], [sflag:$0x1] =	stream.linear.gather [hbm4b:s28+s3], $0x1C0, $0x38;
	[tilespmem:$0x1FDB0] =	vst v63  }
0x95: {  	s0 =	sadd.s32 $0x38, s31  }
0x96: {  	[tilespmem:s20], [sflag:$0x1] =	stream.linear.gather [hbm4b:s0+s3], $0x1C0, $0x38;
	[tilespmem:$0x1FDB0] =	vst v63  }
0x97: {  	_ =	swait.ge [sflag:s21], $0x1C0  }
0x98: {  	[sflag:s21] =	ssyncset.done $0x0  }
0x99: {  	[sflag:s21] =	ssyncadd.s32 $0xFFFFFE40  }
0x9a: {  	_ =	swait.ge [sflag:s21], $0x1C0  }
0x9b: {  	[sflag:s21] =	ssyncset.done $0x0  }
0x9c: {  	[sflag:s21] =	ssyncadd.s32 $0xFFFFFE40  }
0x9d: {  	[tilespmem:s22], [sflag:$0x2] =	stream.indirect.gather [hbm4b:s4+s19], $0x20, s3, s19, $0xb8;
	[tilespmem:$0x1FDB0] =	vst v63  }
0x9e: {  	_ =	swait.ge [sflag:s21], $0x1C0  }
0x9f: {  	[sflag:s21] =	ssyncset.done $0x0  }
0xa0: {  	[sflag:s21] =	ssyncadd.s32 $0xFFFFFE40  }
0xa1: {  	_ =	swait.ge [sflag:s21], $0x1C0  }
0xa2: {  	[sflag:s21] =	ssyncset.done $0x0  }
0xa3: {  	[sflag:s21] =	ssyncadd.s32 $0xFFFFFE40  }
0xa4: {  	[tilespmem:s23], [sflag:$0x2] =	stream.indirect.gather [hbm4b:s4+s19], $0x20, s19, s19, $0xb8;
	[tilespmem:$0x1FDB0] =	vst v63  }
0xa5: {  	_ =	swait.ge [sflag:s24], $0x3800  }
0xa6: {  	[sflag:s24] =	ssyncset.done $0x0  }
0xa7: {  	[sflag:s24] =	ssyncadd.s32 $0xFFFFC800  }
0xa8: {  	[spmem:s1] =	stream.indirect.scatter.add.f32 [tilespmem:s22], [sflag:$0x3], $0x20, s18, s19, $0xb8;
	[tilespmem:$0x1FDB0] =	vst v63  }
0xa9: {  	_ =	swait.ge [sflag:s24], $0x3800  }
0xaa: {  	[sflag:s24] =	ssyncset.done $0x0  }
0xab: {  	[sflag:s24] =	ssyncadd.s32 $0xFFFFC800  }
0xac: {  	[spmem:s1] =	stream.indirect.scatter.add.f32 [tilespmem:s23], [sflag:$0x3], $0x20, s20, s19, $0xb8;
	[tilespmem:$0x1FDB0] =	vst v63  }
0xad: {  	_ =	swait.ge [sflag:s25], $0x3800  }
0xae: {  	[sflag:s25] =	ssyncset.done $0x0  }
0xaf: {  	[sflag:s25] =	ssyncadd.s32 $0xFFFFC800  }
0xb0: {  	_ =	swait.ge [sflag:s25], $0x3800  }
0xb1: {  	s30 =	simm.s32 $0xE0;
	s28 =	simm.s32 $0x70;
	[sflag:s25] =	ssyncset.done $0x0  }
.LBB2_4:
0xb2: {  	s0 =	sadd.s32 s28, s14  }
0xb3: {  	[sflag:s25] =	ssyncadd.s32 $0xFFFFC800;
	s31 =	smov.u32 s30;
	s29 =	sadd.s32 $0x70, s30  }
0xb4: {  	[tilespmem:s3], [sflag:$0x1] =	stream.linear.gather [hbm4b:s0+s3], $0x1C0, $0x38;
	[tilespmem:$0x1FDB0] =	vst v63  }
0xb5: {  	p0 =	sne.s32 s30, $0x1810;
	s0 =	sadd.s32 s28, s11  }
0xb6: {  	[tilespmem:s18], [sflag:$0x1] =	stream.linear.gather [hbm4b:s0+s3], $0x1C0, $0x38;
	[tilespmem:$0x1FDB0] =	vst v63  }
0xb7: {  	s30 =	sadd.s32 s28, s15;
	s28 =	smov.u32 s31  }
0xb8: {  	[tilespmem:s19], [sflag:$0x1] =	stream.linear.gather [hbm4b:s30+s3], $0x1C0, $0x38;
	[tilespmem:$0x1FDB0] =	vst v63  }
0xb9: {  	s0 =	sadd.s32 $0x38, s0  }
0xba: {  	[tilespmem:s20], [sflag:$0x1] =	stream.linear.gather [hbm4b:s0+s3], $0x1C0, $0x38;
	[tilespmem:$0x1FDB0] =	vst v63  }
0xbb: {  	_ =	swait.ge [sflag:s21], $0x1C0  }
0xbc: {  	[sflag:s21] =	ssyncset.done $0x0  }
0xbd: {  	[sflag:s21] =	ssyncadd.s32 $0xFFFFFE40  }
0xbe: {  	_ =	swait.ge [sflag:s21], $0x1C0  }
0xbf: {  	[sflag:s21] =	ssyncset.done $0x0  }
0xc0: {  	[sflag:s21] =	ssyncadd.s32 $0xFFFFFE40  }
0xc1: {  	[tilespmem:s22], [sflag:$0x2] =	stream.indirect.gather [hbm4b:s4+s19], $0x20, s3, s19, $0xb8;
	[tilespmem:$0x1FDB0] =	vst v63  }
0xc2: {  	_ =	swait.ge [sflag:s21], $0x1C0  }
0xc3: {  	[sflag:s21] =	ssyncset.done $0x0  }
0xc4: {  	[sflag:s21] =	ssyncadd.s32 $0xFFFFFE40  }
0xc5: {  	_ =	swait.ge [sflag:s21], $0x1C0  }
0xc6: {  	[sflag:s21] =	ssyncset.done $0x0  }
0xc7: {  	[sflag:s21] =	ssyncadd.s32 $0xFFFFFE40  }
0xc8: {  	[tilespmem:s23], [sflag:$0x2] =	stream.indirect.gather [hbm4b:s4+s19], $0x20, s19, s19, $0xb8;
	[tilespmem:$0x1FDB0] =	vst v63  }
0xc9: {  	_ =	swait.ge [sflag:s24], $0x3800  }
0xca: {  	[sflag:s24] =	ssyncset.done $0x0  }
0xcb: {  	[sflag:s24] =	ssyncadd.s32 $0xFFFFC800  }
0xcc: {  	[spmem:s1] =	stream.indirect.scatter.add.f32 [tilespmem:s22], [sflag:$0x3], $0x20, s18, s19, $0xb8;
	[tilespmem:$0x1FDB0] =	vst v63  }
0xcd: {  	_ =	swait.ge [sflag:s24], $0x3800  }
0xce: {  	[sflag:s24] =	ssyncset.done $0x0  }
0xcf: {  	[sflag:s24] =	ssyncadd.s32 $0xFFFFC800  }
0xd0: {  	[spmem:s1] =	stream.indirect.scatter.add.f32 [tilespmem:s23], [sflag:$0x3], $0x20, s20, s19, $0xb8;
	[tilespmem:$0x1FDB0] =	vst v63  }
.Ltmp1:
0xd1: {  	_ =	swait.ge [sflag:s25], $0x3800;
	(pc) =	sbr.rel @p0 .LBB2_4-.Ltmp1, $4  }
0xd2: {  	[sflag:s25] =	ssyncset.done $0x0  }
0xd3: {  	[sflag:s25] =	ssyncadd.s32 $0xFFFFC800  }
0xd4: {  	_ =	swait.ge [sflag:s25], $0x3800  }
0xd5: {  	s30 =	smov.u32 s29;
	[sflag:s25] =	ssyncset.done $0x0  }
0xd6: {  	s0 =	sadd.s32 s28, s14;
	[sflag:s25] =	ssyncadd.s32 $0xFFFFC800  }
0xd7: {  	[tilespmem:s3], [sflag:$0x1] =	stream.linear.gather [hbm4b:s0+s3], $0x1C0, $0x38;
	[tilespmem:$0x1FDB0] =	vst v63  }
0xd8: {  	s30 =	sadd.s32 s28, s11  }
0xd9: {  	[tilespmem:s18], [sflag:$0x1] =	stream.linear.gather [hbm4b:s30+s3], $0x1C0, $0x38;
	[tilespmem:$0x1FDB0] =	vst v63  }
0xda: {  	s31 =	sadd.s32 s28, s15  }
0xdb: {  	[tilespmem:s19], [sflag:$0x1] =	stream.linear.gather [hbm4b:s31+s3], $0x1C0, $0x38;
	[tilespmem:$0x1FDB0] =	vst v63  }
0xdc: {  	s0 =	sadd.s32 $0x38, s30  }
0xdd: {  	[tilespmem:s20], [sflag:$0x1] =	stream.linear.gather [hbm4b:s0+s3], $0x1C0, $0x38;
	[tilespmem:$0x1FDB0] =	vst v63  }
0xde: {  	_ =	swait.ge [sflag:s21], $0x1C0  }
0xdf: {  	[sflag:s21] =	ssyncset.done $0x0  }
0xe0: {  	[sflag:s21] =	ssyncadd.s32 $0xFFFFFE40  }
0xe1: {  	_ =	swait.ge [sflag:s21], $0x1C0  }
0xe2: {  	[sflag:s21] =	ssyncset.done $0x0  }
0xe3: {  	[sflag:s21] =	ssyncadd.s32 $0xFFFFFE40  }
0xe4: {  	[tilespmem:s22], [sflag:$0x2] =	stream.indirect.gather [hbm4b:s4+s19], $0x20, s3, s19, $0xb8;
	[tilespmem:$0x1FDB0] =	vst v63  }
0xe5: {  	_ =	swait.ge [sflag:s21], $0x1C0  }
0xe6: {  	[sflag:s21] =	ssyncset.done $0x0  }
0xe7: {  	[sflag:s21] =	ssyncadd.s32 $0xFFFFFE40  }
0xe8: {  	_ =	swait.ge [sflag:s21], $0x1C0  }
0xe9: {  	[sflag:s21] =	ssyncset.done $0x0  }
0xea: {  	[sflag:s21] =	ssyncadd.s32 $0xFFFFFE40  }
0xeb: {  	[tilespmem:s23], [sflag:$0x2] =	stream.indirect.gather [hbm4b:s4+s19], $0x20, s19, s19, $0xb8;
	[tilespmem:$0x1FDB0] =	vst v63  }
0xec: {  	_ =	swait.ge [sflag:s24], $0x3800  }
0xed: {  	[sflag:s24] =	ssyncset.done $0x0  }
0xee: {  	[sflag:s24] =	ssyncadd.s32 $0xFFFFC800  }
0xef: {  	[spmem:s1] =	stream.indirect.scatter.add.f32 [tilespmem:s22], [sflag:$0x3], $0x20, s18, s19, $0xb8;
	[tilespmem:$0x1FDB0] =	vst v63  }
0xf0: {  	_ =	swait.ge [sflag:s24], $0x3800  }
0xf1: {  	[sflag:s24] =	ssyncset.done $0x0  }
0xf2: {  	[sflag:s24] =	ssyncadd.s32 $0xFFFFC800  }
0xf3: {  	[spmem:s1] =	stream.indirect.scatter.add.f32 [tilespmem:s23], [sflag:$0x3], $0x20, s20, s19, $0xb8;
	[tilespmem:$0x1FDB0] =	vst v63  }
0xf4: {  	_ =	swait.ge [sflag:s25], $0x3800  }
0xf5: {  	[sflag:s25] =	ssyncset.done $0x0  }
0xf6: {  	[sflag:s25] =	ssyncadd.s32 $0xFFFFC800  }
0xf7: {  	_ =	swait.ge [sflag:s25], $0x3800  }
0xf8: {  	[sflag:s25] =	ssyncset.done $0x0  }
0xf9: {  	s26 =	sadd.s32 $0x1, s26;
	[sflag:s25] =	ssyncadd.s32 $0xFFFFC800  }
0xfa: {  	p0 =	sne.s32 s26, s10;
	[bflag:$0x0] =	sbarrier.arrive $0xFFFF  }
0xfb: {  	[hbm:s9], [sflag:s6] =	dma.local [spmem:s16], $0x30D4  }
.Ltmp2:
0xfc: {  	_ =	swait.ge [sflag:s17], $0x30D4;
	(pc) =	sbr.rel @p0 .LBB2_1-.Ltmp2, $3  }
0xfd: {  	[sflag:s17] =	ssyncset.done $0x0  }
0xfe: {  	[sflag:s17] =	ssyncadd.s32 $0xFFFFCF2C  }
0xff: {  	[bflag:$0x0] =	sbarrier.arrive $0xFFFF;
	_ =	sdelay $0x1  }
0x100: {  	_ =	sfence.sel $0x180000  }
0x101: {  	[bflag:$0x0] =	sbarrier.arrive $0xFFFF  }
0x102: {  	_ =	strace $0x90000047  }
0x103: {  	[bflag:$0x2] =	sbarrier.arrive $0xFFFF  }
0x104: {  	p0 =	sne.s32 s2, $0x0;
	s0 =	rddreg [dreg:$0x2]  }
0x105: {  	s0 =	sadd.s32 @!p0 $0x100000, s0  }
0x106: {  	[sflag:s0] =	ssyncadd.tile.s32 @!p0 $0x1;
	_ =	shalt  }
.Lfunc_end2:
_tile_overlayer_lowered:
.L_overlay_start_2:
0x107: {  	(tag) =	ssettag $0x2  }
0x108: {  	s0 =	rddreg [dreg:$0x0];
	s2 =	stileid.u32  }
0x109: {  	s1 =	rddreg [dreg:$0x1];
	p0 =	sne.s32 s2, $0x0  }
0x10a: {  	s3 =	rddreg [dreg:$0x2];
	[bflag:$0x3] =	sbarrier.arrive $0xFFFF;
	s2 =	simm.s32 @!p0 $0x1C04  }
0x10b: {  	[timem:s3], [sflag:s2] =	dma.local @!p0 [hbm:s0], s1  }
0x10c: {  	s0 =	simm.s32 @!p0 $0x4  }
0x10d: {  	_ =	swait.ge @!p0 [sflag:s0], s1  }
0x10e: {  	s1 =	ssub.s32 @!p0 $0x0, s1;
	[sflag:s0] =	ssyncset.done @!p0 $0x0  }
0x10f: {  	[sflag:s0] =	ssyncadd.s32 @!p0 s1  }
0x110: {  	[bflag:$0x3] =	sbarrier.arrive $0xFFFF  }
0x111: {  	_ =	shalt  }

// kernel: kernel.14.cloned.1.call-start
scs
__scs_entry_jumppad:
0x0: {  	(pc) =	sbr.rel $0x88, $3  }
0x1: {  	(tag) =	ssettag $0x0;
	lr =	simm.s32 $0x1  }
0x2: {  	[smem:$0x3F81] =	sst lr;
	_ =	strace $0xD0000000  }
0x3: {  	_ = 	snop  }
0x4: {  	_ = 	snop  }
0x5: {  	_ = 	snop  }
0x6: {  	_ = 	snop  }
0x7: {  	_ = 	snop  }
__scs_overlays_trampoline_lowered:
0x8: {  	[smem:$0x3F90] =	sst s0  }
0x9: {  	[smem:$0x3F91] =	sst s1  }
0xa: {  	[smem:$0x3F92] =	sst s2  }
0xb: {  	[smem:$0x3F93] =	sst s3  }
0xc: {  	[smem:$0x3F94] =	sst s4  }
0xd: {  	[smem:$0x3F95] =	sst s5  }
0xe: {  	[smem:$0x3F96] =	sst s6  }
0xf: {  	[smem:$0x3F97] =	sst s7  }
0x10: {  	[smem:$0x3F98] =	sst s8  }
0x11: {  	[smem:$0x3F99] =	sst s9;
	s0 =	simm.s32 @!p0 $0x0  }
0x12: {  	s1 =	sld [smem:$0x3F7F];
	s0 =	simm.s32 @p0 $0x1  }
0x13: {  	[smem:$0x3F9A] =	sst s0;
	s0 =	simm.s32 @!p1 $0x0  }
0x14: {  	s2 =	sld [smem:$0x3F7E];
	s0 =	simm.s32 @p1 $0x1  }
0x15: {  	[smem:$0x3F9B] =	sst s0;
	s0 =	simm.s32 @!p2 $0x0  }
0x16: {  	s3 =	sld [smem:$0x3FDB];
	s0 =	simm.s32 @p2 $0x1  }
0x17: {  	s4 =	simm.s32 $0x1BF5;
	[smem:$0x3F9D] =	sst s0  }
0x18: {  	s0 =	sld [smem:$0x3F80];
	_ =	swait.ge [sflag:s4], $0x0  }
0x19: {  	s7 =	sld [smem:$0x3F81]  }
0x1a: {  	s8 =	sadd.s32 $0xFFFFE003, lr  }
0x1b: {  	s9 =	sadd.s32 $0xFFFFFEF7, lr;
	s5 =	simm.s32 $0xFFFFFFFF;
	p2 =	slt.u32 s8, $0xFFFFF086  }
0x1c: {  	p1 =	slt.u32 s9, $0xF7A;
	s5 =	simm.s32 @!p2 $0x0  }
0x1d: {  	s5 =	simm.s32 @p1 $0x1;
	p0 =	seq.s32 s7, s2  }
0x1e: {  	s7 =	smul.u32 @!p0 $0xF7A, s2;
	p2 =	seq.s32 @!p0 s5, $0x0  }
0x1f: {  	s9 =	smul.u32 $0xF7A, s1;
	s8 =	simm.s32 @!p0 $0x1BF5;
	p2 =	por !p2, p0  }
0x20: {  	[sflag:s8] =	ssyncset.s32 @!p0 $0xFFFFF086;
	s6 =	sadd.s32 @!p0 s3, s7;
	s7 =	simm.s32 @!p0 $0x108  }
0x21: {  	s3 =	sadd.s32 s3, s9;
	s6 =	sadd.s32 @!p0 $0x88, s6;
	s7 =	simm.s32 @p2 $0x1082  }
0x22: {  	[simem:s7], [sflag:s8] =	dma.local @!p0 [hbm:s6], $0xF7A  }
0x23: {  	s9 =	sor.u32 $0xD0000000, s2;
	s6 =	simm.s32 $0x108;
	_ =	swait.ge @!p0 [sflag:s8], $0x0  }
0x24: {  	s3 =	sadd.s32 $0x88, s3;
	s6 =	simm.s32 @!p1 $0x1082;
	[sflag:s4] =	ssyncset.s32 $0xFFFFF086  }
0x25: {  	[simem:s6], [sflag:s4] =	dma.local [hbm:s3], $0xF7A  }
0x26: {  	[smem:$0x3F81] =	sst s1;
	(tag) =	ssettag s2;
	_ =	strace s9  }
0x27: {  	s1 =	sld [smem:$0x3F91]  }
0x28: {  	s2 =	sld [smem:$0x3F92]  }
0x29: {  	s4 =	sld [smem:$0x3F94]  }
0x2a: {  	p0 =	seq.s32 s5, $0x0;
	s5 =	sld [smem:$0x3F95]  }
0x2b: {  	s6 =	sld [smem:$0x3F96]  }
0x2c: {  	s7 =	sld [smem:$0x3F97]  }
0x2d: {  	s3 =	simm.s32 $0x108;
	s8 =	sld [smem:$0x3F98]  }
0x2e: {  	s3 =	simm.s32 @!p0 $0x1082;
	s9 =	sld [smem:$0x3F99]  }
0x2f: {  	lr =	sadd.s32 s0, s3;
	s0 =	sld [smem:$0x3F90]  }
0x30: {  	s3 =	sld [smem:$0x3F93]  }
0x31: {  	[smem:$0x3F9C] =	sst s10  }
0x32: {  	s10 =	sld [smem:$0x3F9A];
	_ =	sdelay $0x3  }
0x33: {  	p0 =	seq.s32 s10, $0x1;
	s10 =	sld [smem:$0x3F9C];
	_ =	sdelay $0x3  }
0x34: {  	[smem:$0x3F9C] =	sst s10  }
0x35: {  	s10 =	sld [smem:$0x3F9B];
	_ =	sdelay $0x3  }
0x36: {  	p1 =	seq.s32 s10, $0x1;
	s10 =	sld [smem:$0x3F9C];
	_ =	sdelay $0x3  }
0x37: {  	[smem:$0x3F9C] =	sst s10  }
0x38: {  	s10 =	sld [smem:$0x3F9D]  }
0x39: {  	_ = 	snop;
	(pc) =	sbr.ind lr, $3  }
0x3a: {  	_ = 	snop  }
0x3b: {  	_ = 	snop  }
0x3c: {  	p2 =	seq.s32 s10, $0x1;
	s10 =	sld [smem:$0x3F9C]  }
0x3d: {  	_ =	shalt  }
0x3e: {  	_ =	shalt  }
0x3f: {  	_ =	shalt  }
0x40: {  	_ =	shalt  }
0x41: {  	_ =	shalt  }
0x42: {  	_ =	shalt  }
0x43: {  	_ =	shalt  }
0x44: {  	_ =	shalt  }
0x45: {  	_ =	shalt  }
0x46: {  	_ =	shalt  }
0x47: {  	_ =	shalt  }
0x48: {  	_ =	shalt  }
0x49: {  	_ =	shalt  }
0x4a: {  	_ =	shalt  }
0x4b: {  	_ =	shalt  }
0x4c: {  	_ =	shalt  }
0x4d: {  	_ =	shalt  }
0x4e: {  	_ =	shalt  }
0x4f: {  	_ =	shalt  }
0x50: {  	_ =	shalt  }
0x51: {  	_ =	shalt  }
0x52: {  	_ =	shalt  }
0x53: {  	_ =	shalt  }
0x54: {  	_ =	shalt  }
0x55: {  	_ =	shalt  }
0x56: {  	_ =	shalt  }
0x57: {  	_ =	shalt  }
0x58: {  	_ =	shalt  }
0x59: {  	_ =	shalt  }
0x5a: {  	_ =	shalt  }
0x5b: {  	_ =	shalt  }
0x5c: {  	_ =	shalt  }
0x5d: {  	_ =	shalt  }
0x5e: {  	_ =	shalt  }
0x5f: {  	_ =	shalt  }
0x60: {  	_ =	shalt  }
0x61: {  	_ =	shalt  }
0x62: {  	_ =	shalt  }
0x63: {  	_ =	shalt  }
0x64: {  	_ =	shalt  }
0x65: {  	_ =	shalt  }
0x66: {  	_ =	shalt  }
0x67: {  	_ =	shalt  }
0x68: {  	_ =	shalt  }
0x69: {  	_ =	shalt  }
0x6a: {  	_ =	shalt  }
0x6b: {  	_ =	shalt  }
0x6c: {  	_ =	shalt  }
0x6d: {  	_ =	shalt  }
0x6e: {  	_ =	shalt  }
0x6f: {  	_ =	shalt  }
0x70: {  	_ =	shalt  }
0x71: {  	_ =	shalt  }
0x72: {  	_ =	shalt  }
0x73: {  	_ =	shalt  }
0x74: {  	_ =	shalt  }
0x75: {  	_ =	shalt  }
0x76: {  	_ =	shalt  }
0x77: {  	_ =	shalt  }
0x78: {  	_ =	shalt  }
0x79: {  	_ =	shalt  }
0x7a: {  	_ =	shalt  }
0x7b: {  	_ =	shalt  }
0x7c: {  	_ =	shalt  }
0x7d: {  	_ =	shalt  }
0x7e: {  	_ =	shalt  }
0x7f: {  	_ =	shalt  }
0x80: {  	_ =	shalt  }
0x81: {  	_ =	shalt  }
0x82: {  	_ =	shalt  }
0x83: {  	_ =	shalt  }
0x84: {  	_ =	shalt  }
0x85: {  	_ =	shalt  }
0x86: {  	_ =	shalt  }
0x87: {  	_ =	shalt  }
.Lfunc_end0:
.L_simem_size_0:
called_computation.1_lowered:
.L_overlay_start_0:
0x88: {  	s2 =	sld [smem:$0x3FD9]  }
0x89: {  	s3 =	sld [smem:$0x3FFE];
	_ =	sdelay $0x1  }
0x8a: {  	s1 =	srdreg.scid  }
0x8b: {  	s0 =	sand.u32 $0x1, s1  }
0x8c: {  	s16 =	sshll.u32 s0, $0xA;
	s2 =	sadd.s32 s3, s2  }
0x8d: {  	s2 =	sadd.s32 s2, s16  }
0x8e: {  	[smem:$0x3FA8] =	sst s2  }
0x8f: {  	_ = 	snop  }
0x90: {  	(tm) =	ssettm $0x1  }
0x91: {  	s17 =	sld [smem:$0x3FFB];
	_ =	sdelay $0x3  }
0x92: {  	_ =	strace s17  }
0x93: {  	s2 =	sld [smem:$0x3FFC];
	_ =	sdelay $0x3  }
0x94: {  	_ =	strace s2  }
0x95: {  	s2 =	sld [smem:$0x3FFD];
	_ =	sdelay $0x3  }
0x96: {  	_ =	strace s2  }
0x97: {  	_ =	strace $0x8FFFFFFF  }
0x98: {  	s18 =	sld [smem:$0x3FDB];
	_ =	sdelay $0x1  }
0x99: {  	s19 =	simm.s32 $_scs_section_size  }
0x9a: {  	s4 =	simm.s32 $_size__tile_overlayer_lowered;
	s5 =	simm.s32 $_tile_overlayer_lowered  }
0x9b: {  	s22 =	simm.s32 $0x1BFF;
	s21 =	sshll.u32 s5, $0x1;
	s2 =	sadd.s32 s19, s18  }
0x9c: {  	s6 =	simm.s32 $0x0;
	s20 =	sshll.u32 s4, $0x1;
	s4 =	sadd.s32 s21, s2  }
0x9d: {  	[timem:s6], [sflag:s22] =	dma.local [hbm:s4], s20  }
0x9e: {  	_ =	swait.ge [sflag:s22], s20  }
0x9f: {  	s3 =	ssub.s32 $0x0, s20;
	[sflag:s22] =	ssyncset.done $0x0  }
0xa0: {  	[sflag:s22] =	ssyncadd.s32 s3;
	_ =	sdelay $0x1  }
0xa1: {  	s23 =	simm.s32 $0x1B8B  }
0xa2: {  	_ =	swait.ge [sflag:s23], $0x1  }
0xa3: {  	[sflag:s23] =	ssyncset.done $0x0  }
0xa4: {  	s25 =	simm.s32 $0x1B8E;
	s24 =	sld [smem:$0x3FFE];
	[sflag:s23] =	ssyncadd.s32 $0xFFFFFFFF  }
0xa5: {  	s26 =	simm.s32 $execute0_lowered;
	[smem:$0x3FD2] =	sst s25  }
0xa6: {  	s4 =	sshll.u32 s26, $0x1;
	_ =	strace $0x80000049;
	[dreg:$0x1] =	wrdreg $0xFFFFFFFF  }
0xa7: {  	s28 =	simm.s32 $_size_execute0_lowered;
	s2 =	sadd.s32 s2, s4;
	[dreg:$0x0] =	wrdreg $0x0  }
0xa8: {  	s4 =	sshll.u32 s28, $0x1;
	[dreg:$0x2] =	wrdreg s2  }
0xa9: {  	[dreg:$0x3] =	wrdreg s4  }
0xaa: {  	[dreg:$0x4] =	wrdreg $0xC0  }
0xab: {  	_ =	task [dreg:s6], $0x5FFFF  }
0xac: {  	[dreg:$0x1] =	wrdreg $0xFFFFFFFF  }
0xad: {  	[dreg:$0x0] =	wrdreg $0x60  }
0xae: {  	[dreg:$0x2] =	wrdreg s24  }
0xaf: {  	[dreg:$0x3] =	wrdreg $0x77000  }
0xb0: {  	[dreg:$0x4] =	wrdreg $0x9  }
0xb1: {  	_ =	task.clear_ibuf [dreg:s6], $0x5FFFF;
	_ =	strace $0x90000049  }
0xb2: {  	s29 =	simm.s32 $0x9;
	_ =	strace $0x8000004B  }
0xb3: {  	_ =	swait.ge [sflag:s29], $0x1  }
0xb4: {  	[sflag:s29] =	ssyncadd.s32 $0xFFFFFFFF  }
0xb5: {  	_ =	strace $0x9000004B  }
0xb6: {  	_ =	sfence  }
0xb7: {  	s30 =	sld [smem:$0x0];
	_ =	sdelay $0x2  }
0xb8: {  	s31 =	sshll.u32 s1, $0xD;
	s1 =	sshrl.u32 s1, $0x2  }
0xb9: {  	s3 =	sand.u32 $0x4000, s31;
	s1 =	sadd.s32 s1, s30  }
0xba: {  	s0 =	sor.u32 s3, s0;
	s1 =	sshll.u32 s1, $0x11  }
0xbb: {  	s0 =	sor.u32 s1, s0  }
0xbc: {  	s0 =	sadd.s32 $0x8F2B, s0  }
0xbd: {  	[sflag:s0] =	ssyncadd.remote.s32 $0x1  }
0xbe: {  	_ =	sfence.sel $0xFFFF  }
0xbf: {  	[dreg:$0x0] =	wrdreg $0xFFFFFFFF;
	(pc) =	sbr.abs _section_cstart, $3  }
0xc0: {  	[dreg:$0x1] =	wrdreg $0xFFFFFFFF  }
0xc1: {  	_ =	task.clear_ibuf [dreg:s6], $0x2FFFF;
	_ =	strace $0x9FFFFFFF  }
0xc2: {  	(tm) =	ssettm $0x7FFFFFFF  }
0xc3: {  	_ =	shalt  }
tec
execute0_lowered:
.L_overlay_start_1:
0x0: {  	(tag) =	ssettag $0x1  }
0x1: {  	s5 =	rddreg [dreg:$0x0]  }
0x2: {  	s1 =	rddreg [dreg:$0x1];
	s2 =	stileid.u32  }
0x3: {  	s3 =	simm.s32 $0x0;
	s7 =	srdreg.scid;
	s6 =	smul.u32 $0x1880, s2  }
0x4: {  	s19 =	simm.s32 $0x1C0;
	[smem:$0x7FF] =	sst s3;
	s8 =	smul.u32 $0xC35, s2  }
0x5: {  	s4 =	sadd.s32 $0x67200, s5;
	s15 =	sadd.s32 $0x5200, s5;
	s12 =	smul.u32 $0x61A80, s2  }
0x6: {  	s7 =	sand.u32 $0x1, s7;
	s10 =	sadd.s32 $0x143000, s5;
	s14 =	smul.u32 $0xC400, s2  }
0x7: {  	s26 =	sshll.u32 s2, $0x6;
	_ =	strace $0x8000004A;
	s9 =	smul.u32 $0x186A0, s7  }
0x8: {  	s20 =	ssub.s32 $0x2, s7;
	s23 =	sshllo.u32 s7, $0x1;
	s17 =	smul.u32 $0x188000, s7  }
0x9: {  	s11 =	sadd.s32 s6, s5;
	s21 =	sshrl.u32 s20, $0x1;
	s24 =	sshrl.u32 s12, $0x2  }
0xa: {  	s6 =	smul.u32 $0xC350, s23;
	s23 =	simm.s32 $0x3F00;
	s13 =	ssub.s32 s20, s21  }
0xb: {  	s22 =	sadd.s32 s8, s9;
	s16 =	sadd.s32 s24, s1;
	s14 =	sadd.s32 s14, s17  }
0xc: {  	s11 =	sadd.s32 $0x12A800, s11;
	s20 =	simm.s32 $0x540;
	s21 =	simm.s32 $0x1  }
0xd: {  	s24 =	simm.s32 $0x2;
	s25 =	sshll.u32 s22, $0x2;
	s8 =	sadd.s32 s8, s6  }
0xe: {  	s6 =	sor.u32 $0x1C04, s26;
	s29 =	sshrl.u32 s14, $0x3;
	s30 =	sor.u32 $0x1C0, s14  }
0xf: {  	s17 =	sadd.s32 $0xC4000, s14;
	s18 =	sadd.s32 $0xC41C0, s14;
	s16 =	sshrl.u32 s16, $0x3  }
0x10: {  	s22 =	simm.s32 $0x700;
	s26 =	simm.s32 $0x0;
	s5 =	sadd.s32 s4, s25  }
0x11: {  	s7 =	sadd.s32 s10, s25;
	s28 =	sshll.u32 s8, $0x2;
	s12 =	sadd.s32 s29, s15  }
0x12: {  	s17 =	sshrl.u32 s17, $0x3;
	s31 =	sshrl.u32 s18, $0x3;
	s18 =	simm.s32 $0x380  }
0x13: {  	s25 =	simm.s32 $0x3;
	s8 =	sadd.s32 s4, s28;
	s9 =	sadd.s32 s10, s28  }
0x14: {  	s10 =	smax.u32 s13, $0x1;
	s13 =	sshrl.u32 s30, $0x3;
	s14 =	sadd.s32 s17, s15  }
0x15: {  	s17 =	simm.s32 $0x4;
	s13 =	sadd.s32 s13, s15;
	s15 =	sadd.s32 s31, s15  }
.LBB2_1:
0x16: {  	[spmem:s16], [sflag:s6] =	dma.local [hbm:s5], $0x30D4  }
0x17: {  	_ =	swait.ge [sflag:s17], $0x30D4  }
0x18: {  	[sflag:s17] =	ssyncset.done $0x0  }
0x19: {  	[sflag:s17] =	ssyncadd.s32 $0xFFFFCF2C  }
0x1a: {  	s28 =	sadd.s32 $0x0, s12;
	[bflag:$0x0] =	sbarrier.arrive $0xFFFF  }
0x1b: {  	[tilespmem:s3], [sflag:$0x1] =	stream.linear.gather [hbm4b:s28+s3], $0x1C0, $0x38;
	[tilespmem:$0x1FDB0] =	vst v63  }
0x1c: {  	s28 =	sadd.s32 $0x0, s11  }
0x1d: {  	[tilespmem:s18], [sflag:$0x1] =	stream.linear.gather [hbm4b:s28+s3], $0x1C0, $0x38;
	[tilespmem:$0x1FDB0] =	vst v63  }
0x1e: {  	s29 =	sadd.s32 $0x0, s13  }
0x1f: {  	[tilespmem:s19], [sflag:$0x1] =	stream.linear.gather [hbm4b:s29+s3], $0x1C0, $0x38;
	[tilespmem:$0x1FDB0] =	vst v63  }
0x20: {  	s28 =	sadd.s32 $0x38, s28  }
0x21: {  	[tilespmem:s20], [sflag:$0x1] =	stream.linear.gather [hbm4b:s28+s3], $0x1C0, $0x38;
	[tilespmem:$0x1FDB0] =	vst v63  }
0x22: {  	_ =	swait.ge [sflag:s21], $0x1C0  }
0x23: {  	[sflag:s21] =	ssyncset.done $0x0  }
0x24: {  	[sflag:s21] =	ssyncadd.s32 $0xFFFFFE40  }
0x25: {  	_ =	swait.ge [sflag:s21], $0x1C0  }
0x26: {  	[sflag:s21] =	ssyncset.done $0x0  }
0x27: {  	[sflag:s21] =	ssyncadd.s32 $0xFFFFFE40  }
0x28: {  	[tilespmem:s22], [sflag:$0x2] =	stream.indirect.gather [hbm4b:s4+s19], $0x20, s3, s19, $0xb8;
	[tilespmem:$0x1FDB0] =	vst v63  }
0x29: {  	_ =	swait.ge [sflag:s21], $0x1C0  }
0x2a: {  	[sflag:s21] =	ssyncset.done $0x0  }
0x2b: {  	[sflag:s21] =	ssyncadd.s32 $0xFFFFFE40  }
0x2c: {  	_ =	swait.ge [sflag:s21], $0x1C0  }
0x2d: {  	[sflag:s21] =	ssyncset.done $0x0  }
0x2e: {  	[sflag:s21] =	ssyncadd.s32 $0xFFFFFE40  }
0x2f: {  	[tilespmem:s23], [sflag:$0x2] =	stream.indirect.gather [hbm4b:s4+s19], $0x20, s19, s19, $0xb8;
	[tilespmem:$0x1FDB0] =	vst v63  }
0x30: {  	_ =	swait.ge [sflag:s24], $0x3800  }
0x31: {  	[sflag:s24] =	ssyncset.done $0x0  }
0x32: {  	[sflag:s24] =	ssyncadd.s32 $0xFFFFC800  }
0x33: {  	[spmem:s1] =	stream.indirect.scatter.add.f32 [tilespmem:s22], [sflag:$0x3], $0x20, s18, s19, $0xb8;
	[tilespmem:$0x1FDB0] =	vst v63  }
0x34: {  	_ =	swait.ge [sflag:s24], $0x3800  }
0x35: {  	[sflag:s24] =	ssyncset.done $0x0  }
0x36: {  	[sflag:s24] =	ssyncadd.s32 $0xFFFFC800  }
0x37: {  	[spmem:s1] =	stream.indirect.scatter.add.f32 [tilespmem:s23], [sflag:$0x3], $0x20, s20, s19, $0xb8;
	[tilespmem:$0x1FDB0] =	vst v63  }
0x38: {  	_ =	swait.ge [sflag:s25], $0x3800  }
0x39: {  	[sflag:s25] =	ssyncset.done $0x0  }
0x3a: {  	[sflag:s25] =	ssyncadd.s32 $0xFFFFC800  }
0x3b: {  	_ =	swait.ge [sflag:s25], $0x3800  }
0x3c: {  	s30 =	simm.s32 $0xE0;
	s28 =	simm.s32 $0x70;
	[sflag:s25] =	ssyncset.done $0x0  }
.LBB2_2:
0x3d: {  	s31 =	sadd.s32 s28, s12  }
0x3e: {  	[sflag:s25] =	ssyncadd.s32 $0xFFFFC800;
	s0 =	smov.u32 s30;
	s29 =	sadd.s32 $0x70, s30  }
0x3f: {  	[tilespmem:s3], [sflag:$0x1] =	stream.linear.gather [hbm4b:s31+s3], $0x1C0, $0x38;
	[tilespmem:$0x1FDB0] =	vst v63  }
0x40: {  	p0 =	sne.s32 s30, $0x1810;
	s30 =	sadd.s32 s28, s11  }
0x41: {  	[tilespmem:s18], [sflag:$0x1] =	stream.linear.gather [hbm4b:s30+s3], $0x1C0, $0x38;
	[tilespmem:$0x1FDB0] =	vst v63  }
0x42: {  	s31 =	sadd.s32 s28, s13;
	s28 =	smov.u32 s0  }
0x43: {  	[tilespmem:s19], [sflag:$0x1] =	stream.linear.gather [hbm4b:s31+s3], $0x1C0, $0x38;
	[tilespmem:$0x1FDB0] =	vst v63  }
0x44: {  	s0 =	sadd.s32 $0x38, s30  }
0x45: {  	[tilespmem:s20], [sflag:$0x1] =	stream.linear.gather [hbm4b:s0+s3], $0x1C0, $0x38;
	[tilespmem:$0x1FDB0] =	vst v63  }
0x46: {  	_ =	swait.ge [sflag:s21], $0x1C0  }
0x47: {  	[sflag:s21] =	ssyncset.done $0x0  }
0x48: {  	[sflag:s21] =	ssyncadd.s32 $0xFFFFFE40  }
0x49: {  	_ =	swait.ge [sflag:s21], $0x1C0  }
0x4a: {  	[sflag:s21] =	ssyncset.done $0x0  }
0x4b: {  	[sflag:s21] =	ssyncadd.s32 $0xFFFFFE40  }
0x4c: {  	[tilespmem:s22], [sflag:$0x2] =	stream.indirect.gather [hbm4b:s4+s19], $0x20, s3, s19, $0xb8;
	[tilespmem:$0x1FDB0] =	vst v63  }
0x4d: {  	_ =	swait.ge [sflag:s21], $0x1C0  }
0x4e: {  	[sflag:s21] =	ssyncset.done $0x0  }
0x4f: {  	[sflag:s21] =	ssyncadd.s32 $0xFFFFFE40  }
0x50: {  	_ =	swait.ge [sflag:s21], $0x1C0  }
0x51: {  	[sflag:s21] =	ssyncset.done $0x0  }
0x52: {  	[sflag:s21] =	ssyncadd.s32 $0xFFFFFE40  }
0x53: {  	[tilespmem:s23], [sflag:$0x2] =	stream.indirect.gather [hbm4b:s4+s19], $0x20, s19, s19, $0xb8;
	[tilespmem:$0x1FDB0] =	vst v63  }
0x54: {  	_ =	swait.ge [sflag:s24], $0x3800  }
0x55: {  	[sflag:s24] =	ssyncset.done $0x0  }
0x56: {  	[sflag:s24] =	ssyncadd.s32 $0xFFFFC800  }
0x57: {  	[spmem:s1] =	stream.indirect.scatter.add.f32 [tilespmem:s22], [sflag:$0x3], $0x20, s18, s19, $0xb8;
	[tilespmem:$0x1FDB0] =	vst v63  }
0x58: {  	_ =	swait.ge [sflag:s24], $0x3800  }
0x59: {  	[sflag:s24] =	ssyncset.done $0x0  }
0x5a: {  	[sflag:s24] =	ssyncadd.s32 $0xFFFFC800  }
0x5b: {  	[spmem:s1] =	stream.indirect.scatter.add.f32 [tilespmem:s23], [sflag:$0x3], $0x20, s20, s19, $0xb8;
	[tilespmem:$0x1FDB0] =	vst v63  }
.Ltmp0:
0x5c: {  	_ =	swait.ge [sflag:s25], $0x3800;
	(pc) =	sbr.rel @p0 .LBB2_2-.Ltmp0, $4  }
0x5d: {  	[sflag:s25] =	ssyncset.done $0x0  }
0x5e: {  	[sflag:s25] =	ssyncadd.s32 $0xFFFFC800  }
0x5f: {  	_ =	swait.ge [sflag:s25], $0x3800  }
0x60: {  	s30 =	smov.u32 s29;
	[sflag:s25] =	ssyncset.done $0x0  }
0x61: {  	s0 =	sadd.s32 s28, s12;
	[sflag:s25] =	ssyncadd.s32 $0xFFFFC800  }
0x62: {  	[tilespmem:s3], [sflag:$0x1] =	stream.linear.gather [hbm4b:s0+s3], $0x1C0, $0x38;
	[tilespmem:$0x1FDB0] =	vst v63  }
0x63: {  	s31 =	sadd.s32 s28, s11  }
0x64: {  	[tilespmem:s18], [sflag:$0x1] =	stream.linear.gather [hbm4b:s31+s3], $0x1C0, $0x38;
	[tilespmem:$0x1FDB0] =	vst v63  }
0x65: {  	s28 =	sadd.s32 s28, s13  }
0x66: {  	[tilespmem:s19], [sflag:$0x1] =	stream.linear.gather [hbm4b:s28+s3], $0x1C0, $0x38;
	[tilespmem:$0x1FDB0] =	vst v63  }
0x67: {  	s0 =	sadd.s32 $0x38, s31  }
0x68: {  	[tilespmem:s20], [sflag:$0x1] =	stream.linear.gather [hbm4b:s0+s3], $0x1C0, $0x38;
	[tilespmem:$0x1FDB0] =	vst v63  }
0x69: {  	_ =	swait.ge [sflag:s21], $0x1C0  }
0x6a: {  	[sflag:s21] =	ssyncset.done $0x0  }
0x6b: {  	[sflag:s21] =	ssyncadd.s32 $0xFFFFFE40  }
0x6c: {  	_ =	swait.ge [sflag:s21], $0x1C0  }
0x6d: {  	[sflag:s21] =	ssyncset.done $0x0  }
0x6e: {  	[sflag:s21] =	ssyncadd.s32 $0xFFFFFE40  }
0x6f: {  	[tilespmem:s22], [sflag:$0x2] =	stream.indirect.gather [hbm4b:s4+s19], $0x20, s3, s19, $0xb8;
	[tilespmem:$0x1FDB0] =	vst v63  }
0x70: {  	_ =	swait.ge [sflag:s21], $0x1C0  }
0x71: {  	[sflag:s21] =	ssyncset.done $0x0  }
0x72: {  	[sflag:s21] =	ssyncadd.s32 $0xFFFFFE40  }
0x73: {  	_ =	swait.ge [sflag:s21], $0x1C0  }
0x74: {  	[sflag:s21] =	ssyncset.done $0x0  }
0x75: {  	[sflag:s21] =	ssyncadd.s32 $0xFFFFFE40  }
0x76: {  	[tilespmem:s23], [sflag:$0x2] =	stream.indirect.gather [hbm4b:s4+s19], $0x20, s19, s19, $0xb8;
	[tilespmem:$0x1FDB0] =	vst v63  }
0x77: {  	_ =	swait.ge [sflag:s24], $0x3800  }
0x78: {  	[sflag:s24] =	ssyncset.done $0x0  }
0x79: {  	[sflag:s24] =	ssyncadd.s32 $0xFFFFC800  }
0x7a: {  	[spmem:s1] =	stream.indirect.scatter.add.f32 [tilespmem:s22], [sflag:$0x3], $0x20, s18, s19, $0xb8;
	[tilespmem:$0x1FDB0] =	vst v63  }
0x7b: {  	_ =	swait.ge [sflag:s24], $0x3800  }
0x7c: {  	[sflag:s24] =	ssyncset.done $0x0  }
0x7d: {  	[sflag:s24] =	ssyncadd.s32 $0xFFFFC800  }
0x7e: {  	[spmem:s1] =	stream.indirect.scatter.add.f32 [tilespmem:s23], [sflag:$0x3], $0x20, s20, s19, $0xb8;
	[tilespmem:$0x1FDB0] =	vst v63  }
0x7f: {  	_ =	swait.ge [sflag:s25], $0x3800  }
0x80: {  	[sflag:s25] =	ssyncset.done $0x0  }
0x81: {  	[sflag:s25] =	ssyncadd.s32 $0xFFFFC800  }
0x82: {  	_ =	swait.ge [sflag:s25], $0x3800  }
0x83: {  	[sflag:s25] =	ssyncset.done $0x0  }
0x84: {  	[sflag:s25] =	ssyncadd.s32 $0xFFFFC800  }
0x85: {  	[bflag:$0x0] =	sbarrier.arrive $0xFFFF  }
0x86: {  	[hbm:s7], [sflag:s6] =	dma.local [spmem:s16], $0x30D4  }
0x87: {  	_ =	swait.ge [sflag:s17], $0x30D4  }
0x88: {  	[sflag:s17] =	ssyncset.done $0x0  }
0x89: {  	[sflag:s17] =	ssyncadd.s32 $0xFFFFCF2C  }
0x8a: {  	[bflag:$0x0] =	sbarrier.arrive $0xFFFF  }
0x8b: {  	[spmem:s16], [sflag:s6] =	dma.local [hbm:s8], $0x30D4  }
0x8c: {  	_ =	swait.ge [sflag:s17], $0x30D4  }
0x8d: {  	[sflag:s17] =	ssyncset.done $0x0  }
0x8e: {  	[sflag:s17] =	ssyncadd.s32 $0xFFFFCF2C  }
0x8f: {  	s29 =	sadd.s32 $0x0, s14;
	[bflag:$0x0] =	sbarrier.arrive $0xFFFF  }
0x90: {  	[tilespmem:s3], [sflag:$0x1] =	stream.linear.gather [hbm4b:s29+s3], $0x1C0, $0x38;
	[tilespmem:$0x1FDB0] =	vst v63  }
0x91: {  	s31 =	sadd.s32 $0x0, s11  }
0x92: {  	[tilespmem:s18], [sflag:$0x1] =	stream.linear.gather [hbm4b:s31+s3], $0x1C0, $0x38;
	[tilespmem:$0x1FDB0] =	vst v63  }
0x93: {  	s28 =	sadd.s32 $0x0, s15  }
0x94: {  	[tilespmem:s19], [sflag:$0x1] =	stream.linear.gather [hbm4b:s28+s3], $0x1C0, $0x38;
	[tilespmem:$0x1FDB0] =	vst v63  }
0x95: {  	s0 =	sadd.s32 $0x38, s31  }
0x96: {  	[tilespmem:s20], [sflag:$0x1] =	stream.linear.gather [hbm4b:s0+s3], $0x1C0, $0x38;
	[tilespmem:$0x1FDB0] =	vst v63  }
0x97: {  	_ =	swait.ge [sflag:s21], $0x1C0  }
0x98: {  	[sflag:s21] =	ssyncset.done $0x0  }
0x99: {  	[sflag:s21] =	ssyncadd.s32 $0xFFFFFE40  }
0x9a: {  	_ =	swait.ge [sflag:s21], $0x1C0  }
0x9b: {  	[sflag:s21] =	ssyncset.done $0x0  }
0x9c: {  	[sflag:s21] =	ssyncadd.s32 $0xFFFFFE40  }
0x9d: {  	[tilespmem:s22], [sflag:$0x2] =	stream.indirect.gather [hbm4b:s4+s19], $0x20, s3, s19, $0xb8;
	[tilespmem:$0x1FDB0] =	vst v63  }
0x9e: {  	_ =	swait.ge [sflag:s21], $0x1C0  }
0x9f: {  	[sflag:s21] =	ssyncset.done $0x0  }
0xa0: {  	[sflag:s21] =	ssyncadd.s32 $0xFFFFFE40  }
0xa1: {  	_ =	swait.ge [sflag:s21], $0x1C0  }
0xa2: {  	[sflag:s21] =	ssyncset.done $0x0  }
0xa3: {  	[sflag:s21] =	ssyncadd.s32 $0xFFFFFE40  }
0xa4: {  	[tilespmem:s23], [sflag:$0x2] =	stream.indirect.gather [hbm4b:s4+s19], $0x20, s19, s19, $0xb8;
	[tilespmem:$0x1FDB0] =	vst v63  }
0xa5: {  	_ =	swait.ge [sflag:s24], $0x3800  }
0xa6: {  	[sflag:s24] =	ssyncset.done $0x0  }
0xa7: {  	[sflag:s24] =	ssyncadd.s32 $0xFFFFC800  }
0xa8: {  	[spmem:s1] =	stream.indirect.scatter.add.f32 [tilespmem:s22], [sflag:$0x3], $0x20, s18, s19, $0xb8;
	[tilespmem:$0x1FDB0] =	vst v63  }
0xa9: {  	_ =	swait.ge [sflag:s24], $0x3800  }
0xaa: {  	[sflag:s24] =	ssyncset.done $0x0  }
0xab: {  	[sflag:s24] =	ssyncadd.s32 $0xFFFFC800  }
0xac: {  	[spmem:s1] =	stream.indirect.scatter.add.f32 [tilespmem:s23], [sflag:$0x3], $0x20, s20, s19, $0xb8;
	[tilespmem:$0x1FDB0] =	vst v63  }
0xad: {  	_ =	swait.ge [sflag:s25], $0x3800  }
0xae: {  	[sflag:s25] =	ssyncset.done $0x0  }
0xaf: {  	[sflag:s25] =	ssyncadd.s32 $0xFFFFC800  }
0xb0: {  	_ =	swait.ge [sflag:s25], $0x3800  }
0xb1: {  	s30 =	simm.s32 $0xE0;
	s28 =	simm.s32 $0x70;
	[sflag:s25] =	ssyncset.done $0x0  }
.LBB2_4:
0xb2: {  	s0 =	sadd.s32 s28, s14  }
0xb3: {  	[sflag:s25] =	ssyncadd.s32 $0xFFFFC800;
	s31 =	smov.u32 s30;
	s29 =	sadd.s32 $0x70, s30  }
0xb4: {  	[tilespmem:s3], [sflag:$0x1] =	stream.linear.gather [hbm4b:s0+s3], $0x1C0, $0x38;
	[tilespmem:$0x1FDB0] =	vst v63  }
0xb5: {  	p0 =	sne.s32 s30, $0x1810;
	s0 =	sadd.s32 s28, s11  }
0xb6: {  	[tilespmem:s18], [sflag:$0x1] =	stream.linear.gather [hbm4b:s0+s3], $0x1C0, $0x38;
	[tilespmem:$0x1FDB0] =	vst v63  }
0xb7: {  	s30 =	sadd.s32 s28, s15;
	s28 =	smov.u32 s31  }
0xb8: {  	[tilespmem:s19], [sflag:$0x1] =	stream.linear.gather [hbm4b:s30+s3], $0x1C0, $0x38;
	[tilespmem:$0x1FDB0] =	vst v63  }
0xb9: {  	s0 =	sadd.s32 $0x38, s0  }
0xba: {  	[tilespmem:s20], [sflag:$0x1] =	stream.linear.gather [hbm4b:s0+s3], $0x1C0, $0x38;
	[tilespmem:$0x1FDB0] =	vst v63  }
0xbb: {  	_ =	swait.ge [sflag:s21], $0x1C0  }
0xbc: {  	[sflag:s21] =	ssyncset.done $0x0  }
0xbd: {  	[sflag:s21] =	ssyncadd.s32 $0xFFFFFE40  }
0xbe: {  	_ =	swait.ge [sflag:s21], $0x1C0  }
0xbf: {  	[sflag:s21] =	ssyncset.done $0x0  }
0xc0: {  	[sflag:s21] =	ssyncadd.s32 $0xFFFFFE40  }
0xc1: {  	[tilespmem:s22], [sflag:$0x2] =	stream.indirect.gather [hbm4b:s4+s19], $0x20, s3, s19, $0xb8;
	[tilespmem:$0x1FDB0] =	vst v63  }
0xc2: {  	_ =	swait.ge [sflag:s21], $0x1C0  }
0xc3: {  	[sflag:s21] =	ssyncset.done $0x0  }
0xc4: {  	[sflag:s21] =	ssyncadd.s32 $0xFFFFFE40  }
0xc5: {  	_ =	swait.ge [sflag:s21], $0x1C0  }
0xc6: {  	[sflag:s21] =	ssyncset.done $0x0  }
0xc7: {  	[sflag:s21] =	ssyncadd.s32 $0xFFFFFE40  }
0xc8: {  	[tilespmem:s23], [sflag:$0x2] =	stream.indirect.gather [hbm4b:s4+s19], $0x20, s19, s19, $0xb8;
	[tilespmem:$0x1FDB0] =	vst v63  }
0xc9: {  	_ =	swait.ge [sflag:s24], $0x3800  }
0xca: {  	[sflag:s24] =	ssyncset.done $0x0  }
0xcb: {  	[sflag:s24] =	ssyncadd.s32 $0xFFFFC800  }
0xcc: {  	[spmem:s1] =	stream.indirect.scatter.add.f32 [tilespmem:s22], [sflag:$0x3], $0x20, s18, s19, $0xb8;
	[tilespmem:$0x1FDB0] =	vst v63  }
0xcd: {  	_ =	swait.ge [sflag:s24], $0x3800  }
0xce: {  	[sflag:s24] =	ssyncset.done $0x0  }
0xcf: {  	[sflag:s24] =	ssyncadd.s32 $0xFFFFC800  }
0xd0: {  	[spmem:s1] =	stream.indirect.scatter.add.f32 [tilespmem:s23], [sflag:$0x3], $0x20, s20, s19, $0xb8;
	[tilespmem:$0x1FDB0] =	vst v63  }
.Ltmp1:
0xd1: {  	_ =	swait.ge [sflag:s25], $0x3800;
	(pc) =	sbr.rel @p0 .LBB2_4-.Ltmp1, $4  }
0xd2: {  	[sflag:s25] =	ssyncset.done $0x0  }
0xd3: {  	[sflag:s25] =	ssyncadd.s32 $0xFFFFC800  }
0xd4: {  	_ =	swait.ge [sflag:s25], $0x3800  }
0xd5: {  	s30 =	smov.u32 s29;
	[sflag:s25] =	ssyncset.done $0x0  }
0xd6: {  	s0 =	sadd.s32 s28, s14;
	[sflag:s25] =	ssyncadd.s32 $0xFFFFC800  }
0xd7: {  	[tilespmem:s3], [sflag:$0x1] =	stream.linear.gather [hbm4b:s0+s3], $0x1C0, $0x38;
	[tilespmem:$0x1FDB0] =	vst v63  }
0xd8: {  	s30 =	sadd.s32 s28, s11  }
0xd9: {  	[tilespmem:s18], [sflag:$0x1] =	stream.linear.gather [hbm4b:s30+s3], $0x1C0, $0x38;
	[tilespmem:$0x1FDB0] =	vst v63  }
0xda: {  	s31 =	sadd.s32 s28, s15  }
0xdb: {  	[tilespmem:s19], [sflag:$0x1] =	stream.linear.gather [hbm4b:s31+s3], $0x1C0, $0x38;
	[tilespmem:$0x1FDB0] =	vst v63  }
0xdc: {  	s0 =	sadd.s32 $0x38, s30  }
0xdd: {  	[tilespmem:s20], [sflag:$0x1] =	stream.linear.gather [hbm4b:s0+s3], $0x1C0, $0x38;
	[tilespmem:$0x1FDB0] =	vst v63  }
0xde: {  	_ =	swait.ge [sflag:s21], $0x1C0  }
0xdf: {  	[sflag:s21] =	ssyncset.done $0x0  }
0xe0: {  	[sflag:s21] =	ssyncadd.s32 $0xFFFFFE40  }
0xe1: {  	_ =	swait.ge [sflag:s21], $0x1C0  }
0xe2: {  	[sflag:s21] =	ssyncset.done $0x0  }
0xe3: {  	[sflag:s21] =	ssyncadd.s32 $0xFFFFFE40  }
0xe4: {  	[tilespmem:s22], [sflag:$0x2] =	stream.indirect.gather [hbm4b:s4+s19], $0x20, s3, s19, $0xb8;
	[tilespmem:$0x1FDB0] =	vst v63  }
0xe5: {  	_ =	swait.ge [sflag:s21], $0x1C0  }
0xe6: {  	[sflag:s21] =	ssyncset.done $0x0  }
0xe7: {  	[sflag:s21] =	ssyncadd.s32 $0xFFFFFE40  }
0xe8: {  	_ =	swait.ge [sflag:s21], $0x1C0  }
0xe9: {  	[sflag:s21] =	ssyncset.done $0x0  }
0xea: {  	[sflag:s21] =	ssyncadd.s32 $0xFFFFFE40  }
0xeb: {  	[tilespmem:s23], [sflag:$0x2] =	stream.indirect.gather [hbm4b:s4+s19], $0x20, s19, s19, $0xb8;
	[tilespmem:$0x1FDB0] =	vst v63  }
0xec: {  	_ =	swait.ge [sflag:s24], $0x3800  }
0xed: {  	[sflag:s24] =	ssyncset.done $0x0  }
0xee: {  	[sflag:s24] =	ssyncadd.s32 $0xFFFFC800  }
0xef: {  	[spmem:s1] =	stream.indirect.scatter.add.f32 [tilespmem:s22], [sflag:$0x3], $0x20, s18, s19, $0xb8;
	[tilespmem:$0x1FDB0] =	vst v63  }
0xf0: {  	_ =	swait.ge [sflag:s24], $0x3800  }
0xf1: {  	[sflag:s24] =	ssyncset.done $0x0  }
0xf2: {  	[sflag:s24] =	ssyncadd.s32 $0xFFFFC800  }
0xf3: {  	[spmem:s1] =	stream.indirect.scatter.add.f32 [tilespmem:s23], [sflag:$0x3], $0x20, s20, s19, $0xb8;
	[tilespmem:$0x1FDB0] =	vst v63  }
0xf4: {  	_ =	swait.ge [sflag:s25], $0x3800  }
0xf5: {  	[sflag:s25] =	ssyncset.done $0x0  }
0xf6: {  	[sflag:s25] =	ssyncadd.s32 $0xFFFFC800  }
0xf7: {  	_ =	swait.ge [sflag:s25], $0x3800  }
0xf8: {  	[sflag:s25] =	ssyncset.done $0x0  }
0xf9: {  	s26 =	sadd.s32 $0x1, s26;
	[sflag:s25] =	ssyncadd.s32 $0xFFFFC800  }
0xfa: {  	p0 =	sne.s32 s26, s10;
	[bflag:$0x0] =	sbarrier.arrive $0xFFFF  }
0xfb: {  	[hbm:s9], [sflag:s6] =	dma.local [spmem:s16], $0x30D4  }
.Ltmp2:
0xfc: {  	_ =	swait.ge [sflag:s17], $0x30D4;
	(pc) =	sbr.rel @p0 .LBB2_1-.Ltmp2, $3  }
0xfd: {  	[sflag:s17] =	ssyncset.done $0x0  }
0xfe: {  	[sflag:s17] =	ssyncadd.s32 $0xFFFFCF2C  }
0xff: {  	[bflag:$0x0] =	sbarrier.arrive $0xFFFF;
	_ =	sdelay $0x1  }
0x100: {  	_ =	sfence.sel $0x180000  }
0x101: {  	[bflag:$0x0] =	sbarrier.arrive $0xFFFF  }
0x102: {  	_ =	strace $0x9000004A  }
0x103: {  	[bflag:$0x2] =	sbarrier.arrive $0xFFFF  }
0x104: {  	p0 =	sne.s32 s2, $0x0;
	s0 =	rddreg [dreg:$0x2]  }
0x105: {  	s0 =	sadd.s32 @!p0 $0x100000, s0  }
0x106: {  	[sflag:s0] =	ssyncadd.tile.s32 @!p0 $0x1;
	_ =	shalt  }
.Lfunc_end2:
_tile_overlayer_lowered:
.L_overlay_start_2:
0x107: {  	(tag) =	ssettag $0x2  }
0x108: {  	s0 =	rddreg [dreg:$0x0];
	s2 =	stileid.u32  }
0x109: {  	s1 =	rddreg [dreg:$0x1];
	p0 =	sne.s32 s2, $0x0  }
0x10a: {  	s3 =	rddreg [dreg:$0x2];
	[bflag:$0x3] =	sbarrier.arrive $0xFFFF;
	s2 =	simm.s32 @!p0 $0x1C04  }
0x10b: {  	[timem:s3], [sflag:s2] =	dma.local @!p0 [hbm:s0], s1  }
0x10c: {  	s0 =	simm.s32 @!p0 $0x4  }
0x10d: {  	_ =	swait.ge @!p0 [sflag:s0], s1  }
0x10e: {  	s1 =	ssub.s32 @!p0 $0x0, s1;
	[sflag:s0] =	ssyncset.done @!p0 $0x0  }
0x10f: {  	[sflag:s0] =	ssyncadd.s32 @!p0 s1  }
0x110: {  	[bflag:$0x3] =	sbarrier.arrive $0xFFFF  }
0x111: {  	_ =	shalt  }

// kernel: kernel.17.cloned.1.call-start
scs
__scs_entry_jumppad:
0x0: {  	(pc) =	sbr.rel $0x88, $3  }
0x1: {  	(tag) =	ssettag $0x0;
	lr =	simm.s32 $0x1  }
0x2: {  	[smem:$0x3F81] =	sst lr;
	_ =	strace $0xD0000000  }
0x3: {  	_ = 	snop  }
0x4: {  	_ = 	snop  }
0x5: {  	_ = 	snop  }
0x6: {  	_ = 	snop  }
0x7: {  	_ = 	snop  }
__scs_overlays_trampoline_lowered:
0x8: {  	[smem:$0x3F90] =	sst s0  }
0x9: {  	[smem:$0x3F91] =	sst s1  }
0xa: {  	[smem:$0x3F92] =	sst s2  }
0xb: {  	[smem:$0x3F93] =	sst s3  }
0xc: {  	[smem:$0x3F94] =	sst s4  }
0xd: {  	[smem:$0x3F95] =	sst s5  }
0xe: {  	[smem:$0x3F96] =	sst s6  }
0xf: {  	[smem:$0x3F97] =	sst s7  }
0x10: {  	[smem:$0x3F98] =	sst s8  }
0x11: {  	[smem:$0x3F99] =	sst s9;
	s0 =	simm.s32 @!p0 $0x0  }
0x12: {  	s1 =	sld [smem:$0x3F7F];
	s0 =	simm.s32 @p0 $0x1  }
0x13: {  	[smem:$0x3F9A] =	sst s0;
	s0 =	simm.s32 @!p1 $0x0  }
0x14: {  	s2 =	sld [smem:$0x3F7E];
	s0 =	simm.s32 @p1 $0x1  }
0x15: {  	[smem:$0x3F9B] =	sst s0;
	s0 =	simm.s32 @!p2 $0x0  }
0x16: {  	s3 =	sld [smem:$0x3FDB];
	s0 =	simm.s32 @p2 $0x1  }
0x17: {  	s4 =	simm.s32 $0x1BF5;
	[smem:$0x3F9D] =	sst s0  }
0x18: {  	s0 =	sld [smem:$0x3F80];
	_ =	swait.ge [sflag:s4], $0x0  }
0x19: {  	s7 =	sld [smem:$0x3F81]  }
0x1a: {  	s8 =	sadd.s32 $0xFFFFE003, lr  }
0x1b: {  	s9 =	sadd.s32 $0xFFFFFEF7, lr;
	s5 =	simm.s32 $0xFFFFFFFF;
	p2 =	slt.u32 s8, $0xFFFFF086  }
0x1c: {  	p1 =	slt.u32 s9, $0xF7A;
	s5 =	simm.s32 @!p2 $0x0  }
0x1d: {  	s5 =	simm.s32 @p1 $0x1;
	p0 =	seq.s32 s7, s2  }
0x1e: {  	s7 =	smul.u32 @!p0 $0xF7A, s2;
	p2 =	seq.s32 @!p0 s5, $0x0  }
0x1f: {  	s9 =	smul.u32 $0xF7A, s1;
	s8 =	simm.s32 @!p0 $0x1BF5;
	p2 =	por !p2, p0  }
0x20: {  	[sflag:s8] =	ssyncset.s32 @!p0 $0xFFFFF086;
	s6 =	sadd.s32 @!p0 s3, s7;
	s7 =	simm.s32 @!p0 $0x108  }
0x21: {  	s3 =	sadd.s32 s3, s9;
	s6 =	sadd.s32 @!p0 $0x88, s6;
	s7 =	simm.s32 @p2 $0x1082  }
0x22: {  	[simem:s7], [sflag:s8] =	dma.local @!p0 [hbm:s6], $0xF7A  }
0x23: {  	s9 =	sor.u32 $0xD0000000, s2;
	s6 =	simm.s32 $0x108;
	_ =	swait.ge @!p0 [sflag:s8], $0x0  }
0x24: {  	s3 =	sadd.s32 $0x88, s3;
	s6 =	simm.s32 @!p1 $0x1082;
	[sflag:s4] =	ssyncset.s32 $0xFFFFF086  }
0x25: {  	[simem:s6], [sflag:s4] =	dma.local [hbm:s3], $0xF7A  }
0x26: {  	[smem:$0x3F81] =	sst s1;
	(tag) =	ssettag s2;
	_ =	strace s9  }
0x27: {  	s1 =	sld [smem:$0x3F91]  }
0x28: {  	s2 =	sld [smem:$0x3F92]  }
0x29: {  	s4 =	sld [smem:$0x3F94]  }
0x2a: {  	p0 =	seq.s32 s5, $0x0;
	s5 =	sld [smem:$0x3F95]  }
0x2b: {  	s6 =	sld [smem:$0x3F96]  }
0x2c: {  	s7 =	sld [smem:$0x3F97]  }
0x2d: {  	s3 =	simm.s32 $0x108;
	s8 =	sld [smem:$0x3F98]  }
0x2e: {  	s3 =	simm.s32 @!p0 $0x1082;
	s9 =	sld [smem:$0x3F99]  }
0x2f: {  	lr =	sadd.s32 s0, s3;
	s0 =	sld [smem:$0x3F90]  }
0x30: {  	s3 =	sld [smem:$0x3F93]  }
0x31: {  	[smem:$0x3F9C] =	sst s10  }
0x32: {  	s10 =	sld [smem:$0x3F9A];
	_ =	sdelay $0x3  }
0x33: {  	p0 =	seq.s32 s10, $0x1;
	s10 =	sld [smem:$0x3F9C];
	_ =	sdelay $0x3  }
0x34: {  	[smem:$0x3F9C] =	sst s10  }
0x35: {  	s10 =	sld [smem:$0x3F9B];
	_ =	sdelay $0x3  }
0x36: {  	p1 =	seq.s32 s10, $0x1;
	s10 =	sld [smem:$0x3F9C];
	_ =	sdelay $0x3  }
0x37: {  	[smem:$0x3F9C] =	sst s10  }
0x38: {  	s10 =	sld [smem:$0x3F9D]  }
0x39: {  	_ = 	snop;
	(pc) =	sbr.ind lr, $3  }
0x3a: {  	_ = 	snop  }
0x3b: {  	_ = 	snop  }
0x3c: {  	p2 =	seq.s32 s10, $0x1;
	s10 =	sld [smem:$0x3F9C]  }
0x3d: {  	_ =	shalt  }
0x3e: {  	_ =	shalt  }
0x3f: {  	_ =	shalt  }
0x40: {  	_ =	shalt  }
0x41: {  	_ =	shalt  }
0x42: {  	_ =	shalt  }
0x43: {  	_ =	shalt  }
0x44: {  	_ =	shalt  }
0x45: {  	_ =	shalt  }
0x46: {  	_ =	shalt  }
0x47: {  	_ =	shalt  }
0x48: {  	_ =	shalt  }
0x49: {  	_ =	shalt  }
0x4a: {  	_ =	shalt  }
0x4b: {  	_ =	shalt  }
0x4c: {  	_ =	shalt  }
0x4d: {  	_ =	shalt  }
0x4e: {  	_ =	shalt  }
0x4f: {  	_ =	shalt  }
0x50: {  	_ =	shalt  }
0x51: {  	_ =	shalt  }
0x52: {  	_ =	shalt  }
0x53: {  	_ =	shalt  }
0x54: {  	_ =	shalt  }
0x55: {  	_ =	shalt  }
0x56: {  	_ =	shalt  }
0x57: {  	_ =	shalt  }
0x58: {  	_ =	shalt  }
0x59: {  	_ =	shalt  }
0x5a: {  	_ =	shalt  }
0x5b: {  	_ =	shalt  }
0x5c: {  	_ =	shalt  }
0x5d: {  	_ =	shalt  }
0x5e: {  	_ =	shalt  }
0x5f: {  	_ =	shalt  }
0x60: {  	_ =	shalt  }
0x61: {  	_ =	shalt  }
0x62: {  	_ =	shalt  }
0x63: {  	_ =	shalt  }
0x64: {  	_ =	shalt  }
0x65: {  	_ =	shalt  }
0x66: {  	_ =	shalt  }
0x67: {  	_ =	shalt  }
0x68: {  	_ =	shalt  }
0x69: {  	_ =	shalt  }
0x6a: {  	_ =	shalt  }
0x6b: {  	_ =	shalt  }
0x6c: {  	_ =	shalt  }
0x6d: {  	_ =	shalt  }
0x6e: {  	_ =	shalt  }
0x6f: {  	_ =	shalt  }
0x70: {  	_ =	shalt  }
0x71: {  	_ =	shalt  }
0x72: {  	_ =	shalt  }
0x73: {  	_ =	shalt  }
0x74: {  	_ =	shalt  }
0x75: {  	_ =	shalt  }
0x76: {  	_ =	shalt  }
0x77: {  	_ =	shalt  }
0x78: {  	_ =	shalt  }
0x79: {  	_ =	shalt  }
0x7a: {  	_ =	shalt  }
0x7b: {  	_ =	shalt  }
0x7c: {  	_ =	shalt  }
0x7d: {  	_ =	shalt  }
0x7e: {  	_ =	shalt  }
0x7f: {  	_ =	shalt  }
0x80: {  	_ =	shalt  }
0x81: {  	_ =	shalt  }
0x82: {  	_ =	shalt  }
0x83: {  	_ =	shalt  }
0x84: {  	_ =	shalt  }
0x85: {  	_ =	shalt  }
0x86: {  	_ =	shalt  }
0x87: {  	_ =	shalt  }
.Lfunc_end0:
.L_simem_size_0:
called_computation.2_lowered:
.L_overlay_start_0:
0x88: {  	s2 =	sld [smem:$0x3FD9]  }
0x89: {  	s3 =	sld [smem:$0x3FFE];
	_ =	sdelay $0x1  }
0x8a: {  	s1 =	srdreg.scid  }
0x8b: {  	s0 =	sand.u32 $0x1, s1  }
0x8c: {  	s16 =	sshll.u32 s0, $0xA;
	s2 =	sadd.s32 s3, s2  }
0x8d: {  	s2 =	sadd.s32 s2, s16  }
0x8e: {  	[smem:$0x3FA8] =	sst s2  }
0x8f: {  	_ = 	snop  }
0x90: {  	(tm) =	ssettm $0x1  }
0x91: {  	s17 =	sld [smem:$0x3FFB];
	_ =	sdelay $0x3  }
0x92: {  	_ =	strace s17  }
0x93: {  	s2 =	sld [smem:$0x3FFC];
	_ =	sdelay $0x3  }
0x94: {  	_ =	strace s2  }
0x95: {  	s2 =	sld [smem:$0x3FFD];
	_ =	sdelay $0x3  }
0x96: {  	_ =	strace s2  }
0x97: {  	_ =	strace $0x8FFFFFFF  }
0x98: {  	s18 =	sld [smem:$0x3FDB];
	_ =	sdelay $0x1  }
0x99: {  	s19 =	simm.s32 $_scs_section_size  }
0x9a: {  	s4 =	simm.s32 $_size__tile_overlayer_lowered;
	s5 =	simm.s32 $_tile_overlayer_lowered  }
0x9b: {  	s22 =	simm.s32 $0x1BFF;
	s21 =	sshll.u32 s5, $0x1;
	s2 =	sadd.s32 s19, s18  }
0x9c: {  	s6 =	simm.s32 $0x0;
	s20 =	sshll.u32 s4, $0x1;
	s4 =	sadd.s32 s21, s2  }
0x9d: {  	[timem:s6], [sflag:s22] =	dma.local [hbm:s4], s20  }
0x9e: {  	_ =	swait.ge [sflag:s22], s20  }
0x9f: {  	s3 =	ssub.s32 $0x0, s20;
	[sflag:s22] =	ssyncset.done $0x0  }
0xa0: {  	[sflag:s22] =	ssyncadd.s32 s3;
	_ =	sdelay $0x1  }
0xa1: {  	s23 =	simm.s32 $0x1B8B  }
0xa2: {  	_ =	swait.ge [sflag:s23], $0x1  }
0xa3: {  	[sflag:s23] =	ssyncset.done $0x0  }
0xa4: {  	s25 =	simm.s32 $0x1B8E;
	s24 =	sld [smem:$0x3FFE];
	[sflag:s23] =	ssyncadd.s32 $0xFFFFFFFF  }
0xa5: {  	s26 =	simm.s32 $execute0_lowered;
	[smem:$0x3FD2] =	sst s25  }
0xa6: {  	s4 =	sshll.u32 s26, $0x1;
	_ =	strace $0x8000004C;
	[dreg:$0x1] =	wrdreg $0xFFFFFFFF  }
0xa7: {  	s28 =	simm.s32 $_size_execute0_lowered;
	s2 =	sadd.s32 s2, s4;
	[dreg:$0x0] =	wrdreg $0x0  }
0xa8: {  	s4 =	sshll.u32 s28, $0x1;
	[dreg:$0x2] =	wrdreg s2  }
0xa9: {  	[dreg:$0x3] =	wrdreg s4  }
0xaa: {  	[dreg:$0x4] =	wrdreg $0xC0  }
0xab: {  	_ =	task [dreg:s6], $0x5FFFF  }
0xac: {  	[dreg:$0x1] =	wrdreg $0xFFFFFFFF  }
0xad: {  	[dreg:$0x0] =	wrdreg $0x60  }
0xae: {  	[dreg:$0x2] =	wrdreg s24  }
0xaf: {  	[dreg:$0x3] =	wrdreg $0x77000  }
0xb0: {  	[dreg:$0x4] =	wrdreg $0x9  }
0xb1: {  	_ =	task.clear_ibuf [dreg:s6], $0x5FFFF;
	_ =	strace $0x9000004C  }
0xb2: {  	s29 =	simm.s32 $0x9;
	_ =	strace $0x8000004E  }
0xb3: {  	_ =	swait.ge [sflag:s29], $0x1  }
0xb4: {  	[sflag:s29] =	ssyncadd.s32 $0xFFFFFFFF  }
0xb5: {  	_ =	strace $0x9000004E  }
0xb6: {  	_ =	sfence  }
0xb7: {  	s30 =	sld [smem:$0x0];
	_ =	sdelay $0x2  }
0xb8: {  	s31 =	sshll.u32 s1, $0xD;
	s1 =	sshrl.u32 s1, $0x2  }
0xb9: {  	s3 =	sand.u32 $0x4000, s31;
	s1 =	sadd.s32 s1, s30  }
0xba: {  	s0 =	sor.u32 s3, s0;
	s1 =	sshll.u32 s1, $0x11  }
0xbb: {  	s0 =	sor.u32 s1, s0  }
0xbc: {  	s0 =	sadd.s32 $0x8F2B, s0  }
0xbd: {  	[sflag:s0] =	ssyncadd.remote.s32 $0x1  }
0xbe: {  	_ =	sfence.sel $0xFFFF  }
0xbf: {  	[dreg:$0x0] =	wrdreg $0xFFFFFFFF;
	(pc) =	sbr.abs _section_cstart, $3  }
0xc0: {  	[dreg:$0x1] =	wrdreg $0xFFFFFFFF  }
0xc1: {  	_ =	task.clear_ibuf [dreg:s6], $0x2FFFF;
	_ =	strace $0x9FFFFFFF  }
0xc2: {  	(tm) =	ssettm $0x7FFFFFFF  }
0xc3: {  	_ =	shalt  }
tec
execute0_lowered:
.L_overlay_start_1:
0x0: {  	(tag) =	ssettag $0x1  }
0x1: {  	s5 =	rddreg [dreg:$0x0]  }
0x2: {  	s1 =	rddreg [dreg:$0x1];
	s2 =	stileid.u32  }
0x3: {  	s3 =	simm.s32 $0x0;
	s7 =	srdreg.scid;
	s6 =	smul.u32 $0x1880, s2  }
0x4: {  	s19 =	simm.s32 $0x1C0;
	[smem:$0x7FF] =	sst s3;
	s8 =	smul.u32 $0xC35, s2  }
0x5: {  	s4 =	sadd.s32 $0x67200, s5;
	s15 =	sadd.s32 $0x5200, s5;
	s12 =	smul.u32 $0x61A80, s2  }
0x6: {  	s7 =	sand.u32 $0x1, s7;
	s10 =	sadd.s32 $0x143000, s5;
	s14 =	smul.u32 $0xC400, s2  }
0x7: {  	s26 =	sshll.u32 s2, $0x6;
	_ =	strace $0x8000004D;
	s9 =	smul.u32 $0x186A0, s7  }
0x8: {  	s20 =	ssub.s32 $0x2, s7;
	s23 =	sshllo.u32 s7, $0x1;
	s17 =	smul.u32 $0x188000, s7  }
0x9: {  	s11 =	sadd.s32 s6, s5;
	s21 =	sshrl.u32 s20, $0x1;
	s24 =	sshrl.u32 s12, $0x2  }
0xa: {  	s6 =	smul.u32 $0xC350, s23;
	s23 =	simm.s32 $0x3F00;
	s13 =	ssub.s32 s20, s21  }
0xb: {  	s22 =	sadd.s32 s8, s9;
	s16 =	sadd.s32 s24, s1;
	s14 =	sadd.s32 s14, s17  }
0xc: {  	s11 =	sadd.s32 $0x12A800, s11;
	s20 =	simm.s32 $0x540;
	s21 =	simm.s32 $0x1  }
0xd: {  	s24 =	simm.s32 $0x2;
	s25 =	sshll.u32 s22, $0x2;
	s8 =	sadd.s32 s8, s6  }
0xe: {  	s6 =	sor.u32 $0x1C04, s26;
	s29 =	sshrl.u32 s14, $0x3;
	s30 =	sor.u32 $0x1C0, s14  }
0xf: {  	s17 =	sadd.s32 $0xC4000, s14;
	s18 =	sadd.s32 $0xC41C0, s14;
	s16 =	sshrl.u32 s16, $0x3  }
0x10: {  	s22 =	simm.s32 $0x700;
	s26 =	simm.s32 $0x0;
	s5 =	sadd.s32 s4, s25  }
0x11: {  	s7 =	sadd.s32 s10, s25;
	s28 =	sshll.u32 s8, $0x2;
	s12 =	sadd.s32 s29, s15  }
0x12: {  	s17 =	sshrl.u32 s17, $0x3;
	s31 =	sshrl.u32 s18, $0x3;
	s18 =	simm.s32 $0x380  }
0x13: {  	s25 =	simm.s32 $0x3;
	s8 =	sadd.s32 s4, s28;
	s9 =	sadd.s32 s10, s28  }
0x14: {  	s10 =	smax.u32 s13, $0x1;
	s13 =	sshrl.u32 s30, $0x3;
	s14 =	sadd.s32 s17, s15  }
0x15: {  	s17 =	simm.s32 $0x4;
	s13 =	sadd.s32 s13, s15;
	s15 =	sadd.s32 s31, s15  }
.LBB2_1:
0x16: {  	[spmem:s16], [sflag:s6] =	dma.local [hbm:s5], $0x30D4  }
0x17: {  	_ =	swait.ge [sflag:s17], $0x30D4  }
0x18: {  	[sflag:s17] =	ssyncset.done $0x0  }
0x19: {  	[sflag:s17] =	ssyncadd.s32 $0xFFFFCF2C  }
0x1a: {  	s28 =	sadd.s32 $0x0, s12;
	[bflag:$0x0] =	sbarrier.arrive $0xFFFF  }
0x1b: {  	[tilespmem:s3], [sflag:$0x1] =	stream.linear.gather [hbm4b:s28+s3], $0x1C0, $0x38;
	[tilespmem:$0x1FDB0] =	vst v63  }
0x1c: {  	s28 =	sadd.s32 $0x0, s11  }
0x1d: {  	[tilespmem:s18], [sflag:$0x1] =	stream.linear.gather [hbm4b:s28+s3], $0x1C0, $0x38;
	[tilespmem:$0x1FDB0] =	vst v63  }
0x1e: {  	s29 =	sadd.s32 $0x0, s13  }
0x1f: {  	[tilespmem:s19], [sflag:$0x1] =	stream.linear.gather [hbm4b:s29+s3], $0x1C0, $0x38;
	[tilespmem:$0x1FDB0] =	vst v63  }
0x20: {  	s28 =	sadd.s32 $0x38, s28  }
0x21: {  	[tilespmem:s20], [sflag:$0x1] =	stream.linear.gather [hbm4b:s28+s3], $0x1C0, $0x38;
	[tilespmem:$0x1FDB0] =	vst v63  }
0x22: {  	_ =	swait.ge [sflag:s21], $0x1C0  }
0x23: {  	[sflag:s21] =	ssyncset.done $0x0  }
0x24: {  	[sflag:s21] =	ssyncadd.s32 $0xFFFFFE40  }
0x25: {  	_ =	swait.ge [sflag:s21], $0x1C0  }
0x26: {  	[sflag:s21] =	ssyncset.done $0x0  }
0x27: {  	[sflag:s21] =	ssyncadd.s32 $0xFFFFFE40  }
0x28: {  	[tilespmem:s22], [sflag:$0x2] =	stream.indirect.gather [hbm4b:s4+s19], $0x20, s3, s19, $0xb8;
	[tilespmem:$0x1FDB0] =	vst v63  }
0x29: {  	_ =	swait.ge [sflag:s21], $0x1C0  }
0x2a: {  	[sflag:s21] =	ssyncset.done $0x0  }
0x2b: {  	[sflag:s21] =	ssyncadd.s32 $0xFFFFFE40  }
0x2c: {  	_ =	swait.ge [sflag:s21], $0x1C0  }
0x2d: {  	[sflag:s21] =	ssyncset.done $0x0  }
0x2e: {  	[sflag:s21] =	ssyncadd.s32 $0xFFFFFE40  }
0x2f: {  	[tilespmem:s23], [sflag:$0x2] =	stream.indirect.gather [hbm4b:s4+s19], $0x20, s19, s19, $0xb8;
	[tilespmem:$0x1FDB0] =	vst v63  }
0x30: {  	_ =	swait.ge [sflag:s24], $0x3800  }
0x31: {  	[sflag:s24] =	ssyncset.done $0x0  }
0x32: {  	[sflag:s24] =	ssyncadd.s32 $0xFFFFC800  }
0x33: {  	[spmem:s1] =	stream.indirect.scatter.add.f32 [tilespmem:s22], [sflag:$0x3], $0x20, s18, s19, $0xb8;
	[tilespmem:$0x1FDB0] =	vst v63  }
0x34: {  	_ =	swait.ge [sflag:s24], $0x3800  }
0x35: {  	[sflag:s24] =	ssyncset.done $0x0  }
0x36: {  	[sflag:s24] =	ssyncadd.s32 $0xFFFFC800  }
0x37: {  	[spmem:s1] =	stream.indirect.scatter.add.f32 [tilespmem:s23], [sflag:$0x3], $0x20, s20, s19, $0xb8;
	[tilespmem:$0x1FDB0] =	vst v63  }
0x38: {  	_ =	swait.ge [sflag:s25], $0x3800  }
0x39: {  	[sflag:s25] =	ssyncset.done $0x0  }
0x3a: {  	[sflag:s25] =	ssyncadd.s32 $0xFFFFC800  }
0x3b: {  	_ =	swait.ge [sflag:s25], $0x3800  }
0x3c: {  	s30 =	simm.s32 $0xE0;
	s28 =	simm.s32 $0x70;
	[sflag:s25] =	ssyncset.done $0x0  }
.LBB2_2:
0x3d: {  	s31 =	sadd.s32 s28, s12  }
0x3e: {  	[sflag:s25] =	ssyncadd.s32 $0xFFFFC800;
	s0 =	smov.u32 s30;
	s29 =	sadd.s32 $0x70, s30  }
0x3f: {  	[tilespmem:s3], [sflag:$0x1] =	stream.linear.gather [hbm4b:s31+s3], $0x1C0, $0x38;
	[tilespmem:$0x1FDB0] =	vst v63  }
0x40: {  	p0 =	sne.s32 s30, $0x1810;
	s30 =	sadd.s32 s28, s11  }
0x41: {  	[tilespmem:s18], [sflag:$0x1] =	stream.linear.gather [hbm4b:s30+s3], $0x1C0, $0x38;
	[tilespmem:$0x1FDB0] =	vst v63  }
0x42: {  	s31 =	sadd.s32 s28, s13;
	s28 =	smov.u32 s0  }
0x43: {  	[tilespmem:s19], [sflag:$0x1] =	stream.linear.gather [hbm4b:s31+s3], $0x1C0, $0x38;
	[tilespmem:$0x1FDB0] =	vst v63  }
0x44: {  	s0 =	sadd.s32 $0x38, s30  }
0x45: {  	[tilespmem:s20], [sflag:$0x1] =	stream.linear.gather [hbm4b:s0+s3], $0x1C0, $0x38;
	[tilespmem:$0x1FDB0] =	vst v63  }
0x46: {  	_ =	swait.ge [sflag:s21], $0x1C0  }
0x47: {  	[sflag:s21] =	ssyncset.done $0x0  }
0x48: {  	[sflag:s21] =	ssyncadd.s32 $0xFFFFFE40  }
0x49: {  	_ =	swait.ge [sflag:s21], $0x1C0  }
0x4a: {  	[sflag:s21] =	ssyncset.done $0x0  }
0x4b: {  	[sflag:s21] =	ssyncadd.s32 $0xFFFFFE40  }
0x4c: {  	[tilespmem:s22], [sflag:$0x2] =	stream.indirect.gather [hbm4b:s4+s19], $0x20, s3, s19, $0xb8;
	[tilespmem:$0x1FDB0] =	vst v63  }
0x4d: {  	_ =	swait.ge [sflag:s21], $0x1C0  }
0x4e: {  	[sflag:s21] =	ssyncset.done $0x0  }
0x4f: {  	[sflag:s21] =	ssyncadd.s32 $0xFFFFFE40  }
0x50: {  	_ =	swait.ge [sflag:s21], $0x1C0  }
0x51: {  	[sflag:s21] =	ssyncset.done $0x0  }
0x52: {  	[sflag:s21] =	ssyncadd.s32 $0xFFFFFE40  }
0x53: {  	[tilespmem:s23], [sflag:$0x2] =	stream.indirect.gather [hbm4b:s4+s19], $0x20, s19, s19, $0xb8;
	[tilespmem:$0x1FDB0] =	vst v63  }
0x54: {  	_ =	swait.ge [sflag:s24], $0x3800  }
0x55: {  	[sflag:s24] =	ssyncset.done $0x0  }
0x56: {  	[sflag:s24] =	ssyncadd.s32 $0xFFFFC800  }
0x57: {  	[spmem:s1] =	stream.indirect.scatter.add.f32 [tilespmem:s22], [sflag:$0x3], $0x20, s18, s19, $0xb8;
	[tilespmem:$0x1FDB0] =	vst v63  }
0x58: {  	_ =	swait.ge [sflag:s24], $0x3800  }
0x59: {  	[sflag:s24] =	ssyncset.done $0x0  }
0x5a: {  	[sflag:s24] =	ssyncadd.s32 $0xFFFFC800  }
0x5b: {  	[spmem:s1] =	stream.indirect.scatter.add.f32 [tilespmem:s23], [sflag:$0x3], $0x20, s20, s19, $0xb8;
	[tilespmem:$0x1FDB0] =	vst v63  }
.Ltmp0:
0x5c: {  	_ =	swait.ge [sflag:s25], $0x3800;
	(pc) =	sbr.rel @p0 .LBB2_2-.Ltmp0, $4  }
0x5d: {  	[sflag:s25] =	ssyncset.done $0x0  }
0x5e: {  	[sflag:s25] =	ssyncadd.s32 $0xFFFFC800  }
0x5f: {  	_ =	swait.ge [sflag:s25], $0x3800  }
0x60: {  	s30 =	smov.u32 s29;
	[sflag:s25] =	ssyncset.done $0x0  }
0x61: {  	s0 =	sadd.s32 s28, s12;
	[sflag:s25] =	ssyncadd.s32 $0xFFFFC800  }
0x62: {  	[tilespmem:s3], [sflag:$0x1] =	stream.linear.gather [hbm4b:s0+s3], $0x1C0, $0x38;
	[tilespmem:$0x1FDB0] =	vst v63  }
0x63: {  	s31 =	sadd.s32 s28, s11  }
0x64: {  	[tilespmem:s18], [sflag:$0x1] =	stream.linear.gather [hbm4b:s31+s3], $0x1C0, $0x38;
	[tilespmem:$0x1FDB0] =	vst v63  }
0x65: {  	s28 =	sadd.s32 s28, s13  }
0x66: {  	[tilespmem:s19], [sflag:$0x1] =	stream.linear.gather [hbm4b:s28+s3], $0x1C0, $0x38;
	[tilespmem:$0x1FDB0] =	vst v63  }
0x67: {  	s0 =	sadd.s32 $0x38, s31  }
0x68: {  	[tilespmem:s20], [sflag:$0x1] =	stream.linear.gather [hbm4b:s0+s3], $0x1C0, $0x38;
	[tilespmem:$0x1FDB0] =	vst v63  }
0x69: {  	_ =	swait.ge [sflag:s21], $0x1C0  }
0x6a: {  	[sflag:s21] =	ssyncset.done $0x0  }
0x6b: {  	[sflag:s21] =	ssyncadd.s32 $0xFFFFFE40  }
0x6c: {  	_ =	swait.ge [sflag:s21], $0x1C0  }
0x6d: {  	[sflag:s21] =	ssyncset.done $0x0  }
0x6e: {  	[sflag:s21] =	ssyncadd.s32 $0xFFFFFE40  }
0x6f: {  	[tilespmem:s22], [sflag:$0x2] =	stream.indirect.gather [hbm4b:s4+s19], $0x20, s3, s19, $0xb8;
	[tilespmem:$0x1FDB0] =	vst v63  }
0x70: {  	_ =	swait.ge [sflag:s21], $0x1C0  }
0x71: {  	[sflag:s21] =	ssyncset.done $0x0  }
0x72: {  	[sflag:s21] =	ssyncadd.s32 $0xFFFFFE40  }
0x73: {  	_ =	swait.ge [sflag:s21], $0x1C0  }
0x74: {  	[sflag:s21] =	ssyncset.done $0x0  }
0x75: {  	[sflag:s21] =	ssyncadd.s32 $0xFFFFFE40  }
0x76: {  	[tilespmem:s23], [sflag:$0x2] =	stream.indirect.gather [hbm4b:s4+s19], $0x20, s19, s19, $0xb8;
	[tilespmem:$0x1FDB0] =	vst v63  }
0x77: {  	_ =	swait.ge [sflag:s24], $0x3800  }
0x78: {  	[sflag:s24] =	ssyncset.done $0x0  }
0x79: {  	[sflag:s24] =	ssyncadd.s32 $0xFFFFC800  }
0x7a: {  	[spmem:s1] =	stream.indirect.scatter.add.f32 [tilespmem:s22], [sflag:$0x3], $0x20, s18, s19, $0xb8;
	[tilespmem:$0x1FDB0] =	vst v63  }
0x7b: {  	_ =	swait.ge [sflag:s24], $0x3800  }
0x7c: {  	[sflag:s24] =	ssyncset.done $0x0  }
0x7d: {  	[sflag:s24] =	ssyncadd.s32 $0xFFFFC800  }
0x7e: {  	[spmem:s1] =	stream.indirect.scatter.add.f32 [tilespmem:s23], [sflag:$0x3], $0x20, s20, s19, $0xb8;
	[tilespmem:$0x1FDB0] =	vst v63  }
0x7f: {  	_ =	swait.ge [sflag:s25], $0x3800  }
0x80: {  	[sflag:s25] =	ssyncset.done $0x0  }
0x81: {  	[sflag:s25] =	ssyncadd.s32 $0xFFFFC800  }
0x82: {  	_ =	swait.ge [sflag:s25], $0x3800  }
0x83: {  	[sflag:s25] =	ssyncset.done $0x0  }
0x84: {  	[sflag:s25] =	ssyncadd.s32 $0xFFFFC800  }
0x85: {  	[bflag:$0x0] =	sbarrier.arrive $0xFFFF  }
0x86: {  	[hbm:s7], [sflag:s6] =	dma.local [spmem:s16], $0x30D4  }
0x87: {  	_ =	swait.ge [sflag:s17], $0x30D4  }
0x88: {  	[sflag:s17] =	ssyncset.done $0x0  }
0x89: {  	[sflag:s17] =	ssyncadd.s32 $0xFFFFCF2C  }
0x8a: {  	[bflag:$0x0] =	sbarrier.arrive $0xFFFF  }
0x8b: {  	[spmem:s16], [sflag:s6] =	dma.local [hbm:s8], $0x30D4  }
0x8c: {  	_ =	swait.ge [sflag:s17], $0x30D4  }
0x8d: {  	[sflag:s17] =	ssyncset.done $0x0  }
0x8e: {  	[sflag:s17] =	ssyncadd.s32 $0xFFFFCF2C  }
0x8f: {  	s29 =	sadd.s32 $0x0, s14;
	[bflag:$0x0] =	sbarrier.arrive $0xFFFF  }
0x90: {  	[tilespmem:s3], [sflag:$0x1] =	stream.linear.gather [hbm4b:s29+s3], $0x1C0, $0x38;
	[tilespmem:$0x1FDB0] =	vst v63  }
0x91: {  	s31 =	sadd.s32 $0x0, s11  }
0x92: {  	[tilespmem:s18], [sflag:$0x1] =	stream.linear.gather [hbm4b:s31+s3], $0x1C0, $0x38;
	[tilespmem:$0x1FDB0] =	vst v63  }
0x93: {  	s28 =	sadd.s32 $0x0, s15  }
0x94: {  	[tilespmem:s19], [sflag:$0x1] =	stream.linear.gather [hbm4b:s28+s3], $0x1C0, $0x38;
	[tilespmem:$0x1FDB0] =	vst v63  }
0x95: {  	s0 =	sadd.s32 $0x38, s31  }
0x96: {  	[tilespmem:s20], [sflag:$0x1] =	stream.linear.gather [hbm4b:s0+s3], $0x1C0, $0x38;
	[tilespmem:$0x1FDB0] =	vst v63  }
0x97: {  	_ =	swait.ge [sflag:s21], $0x1C0  }
0x98: {  	[sflag:s21] =	ssyncset.done $0x0  }
0x99: {  	[sflag:s21] =	ssyncadd.s32 $0xFFFFFE40  }
0x9a: {  	_ =	swait.ge [sflag:s21], $0x1C0  }
0x9b: {  	[sflag:s21] =	ssyncset.done $0x0  }
0x9c: {  	[sflag:s21] =	ssyncadd.s32 $0xFFFFFE40  }
0x9d: {  	[tilespmem:s22], [sflag:$0x2] =	stream.indirect.gather [hbm4b:s4+s19], $0x20, s3, s19, $0xb8;
	[tilespmem:$0x1FDB0] =	vst v63  }
0x9e: {  	_ =	swait.ge [sflag:s21], $0x1C0  }
0x9f: {  	[sflag:s21] =	ssyncset.done $0x0  }
0xa0: {  	[sflag:s21] =	ssyncadd.s32 $0xFFFFFE40  }
0xa1: {  	_ =	swait.ge [sflag:s21], $0x1C0  }
0xa2: {  	[sflag:s21] =	ssyncset.done $0x0  }
0xa3: {  	[sflag:s21] =	ssyncadd.s32 $0xFFFFFE40  }
0xa4: {  	[tilespmem:s23], [sflag:$0x2] =	stream.indirect.gather [hbm4b:s4+s19], $0x20, s19, s19, $0xb8;
	[tilespmem:$0x1FDB0] =	vst v63  }
0xa5: {  	_ =	swait.ge [sflag:s24], $0x3800  }
0xa6: {  	[sflag:s24] =	ssyncset.done $0x0  }
0xa7: {  	[sflag:s24] =	ssyncadd.s32 $0xFFFFC800  }
0xa8: {  	[spmem:s1] =	stream.indirect.scatter.add.f32 [tilespmem:s22], [sflag:$0x3], $0x20, s18, s19, $0xb8;
	[tilespmem:$0x1FDB0] =	vst v63  }
0xa9: {  	_ =	swait.ge [sflag:s24], $0x3800  }
0xaa: {  	[sflag:s24] =	ssyncset.done $0x0  }
0xab: {  	[sflag:s24] =	ssyncadd.s32 $0xFFFFC800  }
0xac: {  	[spmem:s1] =	stream.indirect.scatter.add.f32 [tilespmem:s23], [sflag:$0x3], $0x20, s20, s19, $0xb8;
	[tilespmem:$0x1FDB0] =	vst v63  }
0xad: {  	_ =	swait.ge [sflag:s25], $0x3800  }
0xae: {  	[sflag:s25] =	ssyncset.done $0x0  }
0xaf: {  	[sflag:s25] =	ssyncadd.s32 $0xFFFFC800  }
0xb0: {  	_ =	swait.ge [sflag:s25], $0x3800  }
0xb1: {  	s30 =	simm.s32 $0xE0;
	s28 =	simm.s32 $0x70;
	[sflag:s25] =	ssyncset.done $0x0  }
.LBB2_4:
0xb2: {  	s0 =	sadd.s32 s28, s14  }
0xb3: {  	[sflag:s25] =	ssyncadd.s32 $0xFFFFC800;
	s31 =	smov.u32 s30;
	s29 =	sadd.s32 $0x70, s30  }
0xb4: {  	[tilespmem:s3], [sflag:$0x1] =	stream.linear.gather [hbm4b:s0+s3], $0x1C0, $0x38;
	[tilespmem:$0x1FDB0] =	vst v63  }
0xb5: {  	p0 =	sne.s32 s30, $0x1810;
	s0 =	sadd.s32 s28, s11  }
0xb6: {  	[tilespmem:s18], [sflag:$0x1] =	stream.linear.gather [hbm4b:s0+s3], $0x1C0, $0x38;
	[tilespmem:$0x1FDB0] =	vst v63  }
0xb7: {  	s30 =	sadd.s32 s28, s15;
	s28 =	smov.u32 s31  }
0xb8: {  	[tilespmem:s19], [sflag:$0x1] =	stream.linear.gather [hbm4b:s30+s3], $0x1C0, $0x38;
	[tilespmem:$0x1FDB0] =	vst v63  }
0xb9: {  	s0 =	sadd.s32 $0x38, s0  }
0xba: {  	[tilespmem:s20], [sflag:$0x1] =	stream.linear.gather [hbm4b:s0+s3], $0x1C0, $0x38;
	[tilespmem:$0x1FDB0] =	vst v63  }
0xbb: {  	_ =	swait.ge [sflag:s21], $0x1C0  }
0xbc: {  	[sflag:s21] =	ssyncset.done $0x0  }
0xbd: {  	[sflag:s21] =	ssyncadd.s32 $0xFFFFFE40  }
0xbe: {  	_ =	swait.ge [sflag:s21], $0x1C0  }
0xbf: {  	[sflag:s21] =	ssyncset.done $0x0  }
0xc0: {  	[sflag:s21] =	ssyncadd.s32 $0xFFFFFE40  }
0xc1: {  	[tilespmem:s22], [sflag:$0x2] =	stream.indirect.gather [hbm4b:s4+s19], $0x20, s3, s19, $0xb8;
	[tilespmem:$0x1FDB0] =	vst v63  }
0xc2: {  	_ =	swait.ge [sflag:s21], $0x1C0  }
0xc3: {  	[sflag:s21] =	ssyncset.done $0x0  }
0xc4: {  	[sflag:s21] =	ssyncadd.s32 $0xFFFFFE40  }
0xc5: {  	_ =	swait.ge [sflag:s21], $0x1C0  }
0xc6: {  	[sflag:s21] =	ssyncset.done $0x0  }
0xc7: {  	[sflag:s21] =	ssyncadd.s32 $0xFFFFFE40  }
0xc8: {  	[tilespmem:s23], [sflag:$0x2] =	stream.indirect.gather [hbm4b:s4+s19], $0x20, s19, s19, $0xb8;
	[tilespmem:$0x1FDB0] =	vst v63  }
0xc9: {  	_ =	swait.ge [sflag:s24], $0x3800  }
0xca: {  	[sflag:s24] =	ssyncset.done $0x0  }
0xcb: {  	[sflag:s24] =	ssyncadd.s32 $0xFFFFC800  }
0xcc: {  	[spmem:s1] =	stream.indirect.scatter.add.f32 [tilespmem:s22], [sflag:$0x3], $0x20, s18, s19, $0xb8;
	[tilespmem:$0x1FDB0] =	vst v63  }
0xcd: {  	_ =	swait.ge [sflag:s24], $0x3800  }
0xce: {  	[sflag:s24] =	ssyncset.done $0x0  }
0xcf: {  	[sflag:s24] =	ssyncadd.s32 $0xFFFFC800  }
0xd0: {  	[spmem:s1] =	stream.indirect.scatter.add.f32 [tilespmem:s23], [sflag:$0x3], $0x20, s20, s19, $0xb8;
	[tilespmem:$0x1FDB0] =	vst v63  }
.Ltmp1:
0xd1: {  	_ =	swait.ge [sflag:s25], $0x3800;
	(pc) =	sbr.rel @p0 .LBB2_4-.Ltmp1, $4  }
0xd2: {  	[sflag:s25] =	ssyncset.done $0x0  }
0xd3: {  	[sflag:s25] =	ssyncadd.s32 $0xFFFFC800  }
0xd4: {  	_ =	swait.ge [sflag:s25], $0x3800  }
0xd5: {  	s30 =	smov.u32 s29;
	[sflag:s25] =	ssyncset.done $0x0  }
0xd6: {  	s0 =	sadd.s32 s28, s14;
	[sflag:s25] =	ssyncadd.s32 $0xFFFFC800  }
0xd7: {  	[tilespmem:s3], [sflag:$0x1] =	stream.linear.gather [hbm4b:s0+s3], $0x1C0, $0x38;
	[tilespmem:$0x1FDB0] =	vst v63  }
0xd8: {  	s30 =	sadd.s32 s28, s11  }
0xd9: {  	[tilespmem:s18], [sflag:$0x1] =	stream.linear.gather [hbm4b:s30+s3], $0x1C0, $0x38;
	[tilespmem:$0x1FDB0] =	vst v63  }
0xda: {  	s31 =	sadd.s32 s28, s15  }
0xdb: {  	[tilespmem:s19], [sflag:$0x1] =	stream.linear.gather [hbm4b:s31+s3], $0x1C0, $0x38;
	[tilespmem:$0x1FDB0] =	vst v63  }
0xdc: {  	s0 =	sadd.s32 $0x38, s30  }
0xdd: {  	[tilespmem:s20], [sflag:$0x1] =	stream.linear.gather [hbm4b:s0+s3], $0x1C0, $0x38;
	[tilespmem:$0x1FDB0] =	vst v63  }
0xde: {  	_ =	swait.ge [sflag:s21], $0x1C0  }
0xdf: {  	[sflag:s21] =	ssyncset.done $0x0  }
0xe0: {  	[sflag:s21] =	ssyncadd.s32 $0xFFFFFE40  }
0xe1: {  	_ =	swait.ge [sflag:s21], $0x1C0  }
0xe2: {  	[sflag:s21] =	ssyncset.done $0x0  }
0xe3: {  	[sflag:s21] =	ssyncadd.s32 $0xFFFFFE40  }
0xe4: {  	[tilespmem:s22], [sflag:$0x2] =	stream.indirect.gather [hbm4b:s4+s19], $0x20, s3, s19, $0xb8;
	[tilespmem:$0x1FDB0] =	vst v63  }
0xe5: {  	_ =	swait.ge [sflag:s21], $0x1C0  }
0xe6: {  	[sflag:s21] =	ssyncset.done $0x0  }
0xe7: {  	[sflag:s21] =	ssyncadd.s32 $0xFFFFFE40  }
0xe8: {  	_ =	swait.ge [sflag:s21], $0x1C0  }
0xe9: {  	[sflag:s21] =	ssyncset.done $0x0  }
0xea: {  	[sflag:s21] =	ssyncadd.s32 $0xFFFFFE40  }
0xeb: {  	[tilespmem:s23], [sflag:$0x2] =	stream.indirect.gather [hbm4b:s4+s19], $0x20, s19, s19, $0xb8;
	[tilespmem:$0x1FDB0] =	vst v63  }
0xec: {  	_ =	swait.ge [sflag:s24], $0x3800  }
0xed: {  	[sflag:s24] =	ssyncset.done $0x0  }
0xee: {  	[sflag:s24] =	ssyncadd.s32 $0xFFFFC800  }
0xef: {  	[spmem:s1] =	stream.indirect.scatter.add.f32 [tilespmem:s22], [sflag:$0x3], $0x20, s18, s19, $0xb8;
	[tilespmem:$0x1FDB0] =	vst v63  }
0xf0: {  	_ =	swait.ge [sflag:s24], $0x3800  }
0xf1: {  	[sflag:s24] =	ssyncset.done $0x0  }
0xf2: {  	[sflag:s24] =	ssyncadd.s32 $0xFFFFC800  }
0xf3: {  	[spmem:s1] =	stream.indirect.scatter.add.f32 [tilespmem:s23], [sflag:$0x3], $0x20, s20, s19, $0xb8;
	[tilespmem:$0x1FDB0] =	vst v63  }
0xf4: {  	_ =	swait.ge [sflag:s25], $0x3800  }
0xf5: {  	[sflag:s25] =	ssyncset.done $0x0  }
0xf6: {  	[sflag:s25] =	ssyncadd.s32 $0xFFFFC800  }
0xf7: {  	_ =	swait.ge [sflag:s25], $0x3800  }
0xf8: {  	[sflag:s25] =	ssyncset.done $0x0  }
0xf9: {  	s26 =	sadd.s32 $0x1, s26;
	[sflag:s25] =	ssyncadd.s32 $0xFFFFC800  }
0xfa: {  	p0 =	sne.s32 s26, s10;
	[bflag:$0x0] =	sbarrier.arrive $0xFFFF  }
0xfb: {  	[hbm:s9], [sflag:s6] =	dma.local [spmem:s16], $0x30D4  }
.Ltmp2:
0xfc: {  	_ =	swait.ge [sflag:s17], $0x30D4;
	(pc) =	sbr.rel @p0 .LBB2_1-.Ltmp2, $3  }
0xfd: {  	[sflag:s17] =	ssyncset.done $0x0  }
0xfe: {  	[sflag:s17] =	ssyncadd.s32 $0xFFFFCF2C  }
0xff: {  	[bflag:$0x0] =	sbarrier.arrive $0xFFFF;
	_ =	sdelay $0x1  }
0x100: {  	_ =	sfence.sel $0x180000  }
0x101: {  	[bflag:$0x0] =	sbarrier.arrive $0xFFFF  }
0x102: {  	_ =	strace $0x9000004D  }
0x103: {  	[bflag:$0x2] =	sbarrier.arrive $0xFFFF  }
0x104: {  	p0 =	sne.s32 s2, $0x0;
	s0 =	rddreg [dreg:$0x2]  }
0x105: {  	s0 =	sadd.s32 @!p0 $0x100000, s0  }
0x106: {  	[sflag:s0] =	ssyncadd.tile.s32 @!p0 $0x1;
	_ =	shalt  }
.Lfunc_end2:
_tile_overlayer_lowered:
.L_overlay_start_2:
0x107: {  	(tag) =	ssettag $0x2  }
0x108: {  	s0 =	rddreg [dreg:$0x0];
	s2 =	stileid.u32  }
0x109: {  	s1 =	rddreg [dreg:$0x1];
	p0 =	sne.s32 s2, $0x0  }
0x10a: {  	s3 =	rddreg [dreg:$0x2];
	[bflag:$0x3] =	sbarrier.arrive $0xFFFF;
	s2 =	simm.s32 @!p0 $0x1C04  }
0x10b: {  	[timem:s3], [sflag:s2] =	dma.local @!p0 [hbm:s0], s1  }
0x10c: {  	s0 =	simm.s32 @!p0 $0x4  }
0x10d: {  	_ =	swait.ge @!p0 [sflag:s0], s1  }
0x10e: {  	s1 =	ssub.s32 @!p0 $0x0, s1;
	[sflag:s0] =	ssyncset.done @!p0 $0x0  }
0x10f: {  	[sflag:s0] =	ssyncadd.s32 @!p0 s1  }
0x110: {  	[bflag:$0x3] =	sbarrier.arrive $0xFFFF  }
0x111: {  	_ =	shalt  }

</sc_bundles>
